<compile_context>
chip_gen: v7x
topology: tpu7x:2x2x1
jax: 0.10.2.dev20260603
libtpu: 0.0.44.dev20260713+nightly
codegen_flags: <defaults>
</compile_context>

<pallas_src>
import functools
import math

import jax
import jax.numpy as jnp
from jax import lax
from jax.experimental import pallas as pl
from jax.experimental.pallas import tpu as pltpu
from jax.experimental.pallas import tpu_sc as plsc


def _pos_encoding(max_len, embed_dim):
    idx = jnp.arange(0, embed_dim, 2, dtype=jnp.float32)
    pos = jnp.arange(0, max_len, dtype=jnp.float32)[:, None]
    div_term = jnp.exp(-idx / embed_dim * math.log(10000.0))
    ang = pos * div_term
    pe = jnp.zeros((max_len, embed_dim), dtype=jnp.float32)
    pe = pe.at[:, 0::2].set(jnp.sin(ang))
    pe = pe.at[:, 1::2].set(jnp.cos(ang))
    return pe


@functools.lru_cache(maxsize=None)
def _build_sc_kernel(B, L, V, D):
    info = plsc.get_sparse_core_info()
    NC, NS = info.num_cores, info.num_subcores
    NW = NC * NS
    assert B % (NW * 128) == 0 and D % 8 == 0
    SPW = B // NW
    assert SPW == 128
    LC = 2
    assert L % LC == 0
    G = L // LC
    assert G % 2 == 0 and G >= 4
    N = LC * 128
    scale = math.sqrt(D)
    pieces = [(o, min(128, N - o)) for o in range(0, N, 128)]

    mesh = plsc.VectorSubcoreMesh(core_axis_name="c", subcore_axis_name="s")

    @functools.partial(
        pl.kernel,
        out_type=jax.ShapeDtypeStruct((L, D // 8, NW, 8, 128), jnp.float32),
        mesh=mesh,
        scratch_types=[
            pltpu.VMEM((SPW * L,), jnp.int32),
            pltpu.VMEM((N,), jnp.int32),
            pltpu.VMEM((N,), jnp.int32),
            pltpu.VMEM((L * D,), jnp.float32),
            pltpu.VMEM((N, D), jnp.float32),
            pltpu.VMEM((N, D), jnp.float32),
            pltpu.VMEM((LC, D // 8, 8, 128), jnp.float32),
            pltpu.VMEM((LC, D // 8, 8, 128), jnp.float32),
            pltpu.SemaphoreType.DMA,
            pltpu.SemaphoreType.DMA,
            pltpu.SemaphoreType.DMA,
            pltpu.SemaphoreType.DMA,
        ],
        compiler_params=pltpu.CompilerParams(
            use_tc_tiling_on_sc=False,
            needs_layout_passes=False,
        ),
    )
    def sc_embed(x_hbm, pe_hbm, w_hbm, out_hbm,
                 xb, ib0, ib1, pe_v, r0, r1, t0, t1, sg0, sg1, so0, so1):
        wid = lax.axis_index("s") * NC + lax.axis_index("c")
        ib, rows, tb = [ib0, ib1], [r0, r1], [t0, t1]
        sg, so = [sg0, sg1], [so0, so1]

        pltpu.sync_copy(pe_hbm, pe_v)
        pltpu.sync_copy(x_hbm.at[pl.ds(wid * SPW * L, SPW * L)], xb)

        iota16 = lax.iota(jnp.int32, 16)
        iota_l = iota16 * L

        def build_idx(gg, p):
            for l in range(LC):
                for bg in range(8):
                    iv = iota_l + (bg * 16 * L + gg * LC + l)
                    ib[p][pl.ds(l * 128 + bg * 16, 16)] = plsc.load_gather(
                        xb, [iv]
                    )

        def gather_descs(p):
            return [
                pltpu.make_async_copy(
                    w_hbm.at[ib[p].at[pl.ds(o, n)]],
                    rows[p].at[pl.ds(o, n)],
                    sg[p],
                )
                for o, n in pieces
            ]

        def out_desc(gg, p):
            return pltpu.make_async_copy(
                tb[p], out_hbm.at[pl.ds(gg * LC, LC), :, wid], so[p]
            )

        def compute(gg, p):
            rp, tp = rows[p], tb[p]
            for l in range(LC):
                rvecs = [iota16 + (l * 128 + bg * 16) for bg in range(8)]
                bvecs = [iota16 + bg * 16 for bg in range(8)]
                lsplat = jnp.full((16,), l, jnp.int32)

                @pl.loop(0, D, unroll=2)
                def _j(j):
                    cols = (iota16 + j) & (D - 1)
                    jt_v = lax.shift_right_logical(cols, 3)
                    js_v = cols & 7
                    pe_b = plsc.load_gather(pe_v, [cols + (gg * LC + l) * D])
                    vals = [
                        plsc.load_gather(rp, [rvecs[bg], cols])
                        for bg in range(8)
                    ]
                    for bg in range(8):
                        plsc.store_scatter(
                            tp,
                            [lsplat, jt_v, js_v, bvecs[bg]],
                            vals[bg] * scale + pe_b,
                        )

        build_idx(0, 0)
        for d in gather_descs(0):
            d.start()

        @pl.loop(0, G, step=2)
        def _it(g):
            for p in (0, 1):
                gg = g + p
                for d in gather_descs(p):
                    d.wait()

                @pl.when(gg < G - 1)
                def _():
                    build_idx(gg + 1, 1 - p)
                    for d in gather_descs(1 - p):
                        d.start()

                @pl.when(gg >= 2)
                def _():
                    out_desc(gg - 2, p).wait()

                compute(gg, p)
                out_desc(gg, p).start()

        out_desc(G - 2, 0).wait()
        out_desc(G - 1, 1).wait()

    return sc_embed


def kernel(x, W):
    B, L = x.shape
    V, D = W.shape
    pe = _pos_encoding(L, D)
    sc_embed = _build_sc_kernel(B, L, V, D)
    out5 = sc_embed(x.reshape(B * L), pe.reshape(L * D), W)
    return out5.transpose(2, 4, 0, 1, 3).reshape(B, L, D)

# --- scband reference (transcript-rebuilt; emitter-appended) ---
"""Pipeline reference for scband-positional-encoding-25013889532655 (READ-ONLY COPY).

The authoritative reference and input builder live on the scoring server;
editing this copy changes nothing except your own understanding.
"""

import math
import jax, jax.numpy as jnp
import numpy as np

VOCAB = 1000000
EMBED_DIM = 64
MAX_LEN = 1024
B, L = 4096, 200

def cal_positional_encoding(max_len, embed_dim):
    idx = jnp.arange(0, embed_dim, 2, dtype=jnp.float32)
    pos = jnp.arange(0, max_len, dtype=jnp.float32)[:, None]
    div_term = jnp.exp(-idx / embed_dim * math.log(10000.0))
    ang = pos * div_term
    pe = jnp.zeros((max_len, embed_dim), dtype=jnp.float32)
    pe = pe.at[:, 0::2].set(jnp.sin(ang))
    pe = pe.at[:, 1::2].set(jnp.cos(ang))
    return pe


def setup_inputs(seed: int = 0) -> dict:
    key = jax.random.key(seed)
    k1, k2 = jax.random.split(key)
    x = jax.random.randint(k1, (B, L), 0, VOCAB, dtype=jnp.int32)
    W = jax.random.normal(k2, (VOCAB, EMBED_DIM), dtype=jnp.float32)
    return {"x": x, "W": W}


def reference(x, W):
    pe = cal_positional_encoding(MAX_LEN, EMBED_DIM)
    emb = jnp.take(W, x, axis=0) * math.sqrt(EMBED_DIM)
    out = emb + pe[None, :x.shape[1], :]
    # dropout p=0.0 -> identity
    return out

if __name__ == "__main__":
    import jax
    _d = setup_inputs()
    print(jax.jit(kernel)(*tuple(_d.values())))

</pallas_src>

<mosaic_0001>
#map = affine_map<(d0, d1) -> (0)>
#map1 = affine_map<(d0, d1) -> (0, 0)>
#map2 = affine_map<(d0, d1) -> (0, 0, 0, 0, 0)>
module attributes {stable_mosaic.version = 14 : i64} {
  func.func @sc_embed(%arg0: i32, %arg1: i32, %arg2: memref<819200xi32, #tpu.memory_space<hbm>>, %arg3: memref<12800xf32, #tpu.memory_space<hbm>>, %arg4: memref<1000000x64xf32, #tpu.memory_space<hbm>>, %arg5: memref<200x8x32x8x128xf32, #tpu.memory_space<hbm>>, %arg6: memref<25600xi32, #tpu.memory_space<vmem>>, %arg7: memref<256xi32, #tpu.memory_space<vmem>>, %arg8: memref<256xi32, #tpu.memory_space<vmem>>, %arg9: memref<12800xf32, #tpu.memory_space<vmem>>, %arg10: memref<256x64xf32, #tpu.memory_space<vmem>>, %arg11: memref<256x64xf32, #tpu.memory_space<vmem>>, %arg12: memref<2x8x8x128xf32, #tpu.memory_space<vmem>>, %arg13: memref<2x8x8x128xf32, #tpu.memory_space<vmem>>, %arg14: memref<!tpu.dma_semaphore, #tpu.memory_space<semaphore_mem>>, %arg15: memref<!tpu.dma_semaphore, #tpu.memory_space<semaphore_mem>>, %arg16: memref<!tpu.dma_semaphore, #tpu.memory_space<semaphore_mem>>, %arg17: memref<!tpu.dma_semaphore, #tpu.memory_space<semaphore_mem>>) attributes {dimension_semantics = [#tpu.dimension_semantics<core_parallel>, #tpu.dimension_semantics<subcore_parallel>], iteration_bounds = array<i64: 2, 16>, scalar_prefetch = 0 : i64, scratch_operands = 12 : i64, tpu.core_type = #tpu.core_type<sc_vector_subcore>, window_params = [{transform_indices = #map}, {transform_indices = #map}, {transform_indices = #map1}, {transform_indices = #map2}]} {
    %mul3A = arith.constant 2 : i32
    %mul3A_0 = arith.muli %arg1, %mul3A : i32
    %add3A = arith.addi %mul3A_0, %arg0 : i32
    "tpu.region"() ({
      %run_scoped3A = tpu.sem_alloc : memref<!tpu.dma_semaphore, #tpu.memory_space<semaphore_mem>>
      tpu.enqueue_dma source(%arg3 : memref<12800xf32, #tpu.memory_space<hbm>>) target(%arg9 : memref<12800xf32, #tpu.memory_space<vmem>>) target_semaphore(%run_scoped3A : memref<!tpu.dma_semaphore, #tpu.memory_space<semaphore_mem>>)
      tpu.wait_dma2 semaphore(%run_scoped3A : memref<!tpu.dma_semaphore, #tpu.memory_space<semaphore_mem>>) src(%arg3 : memref<12800xf32, #tpu.memory_space<hbm>>) dst(%arg9 : memref<12800xf32, #tpu.memory_space<vmem>>)
      tpu.yield
    }) : () -> ()
    %mul3A_1 = arith.constant 128 : i32
    %mul3A_2 = arith.muli %add3A, %mul3A_1 : i32
    %mul3A_3 = arith.constant 200 : i32
    %mul3A_4 = arith.muli %mul3A_2, %mul3A_3 : i32
    "tpu.region"() ({
      %run_scoped3A = tpu.sem_alloc : memref<!tpu.dma_semaphore, #tpu.memory_space<semaphore_mem>>
      %dma_start3A_144 = tpu.memref_slice %arg2[%mul3A_4] : memref<819200xi32, #tpu.memory_space<hbm>> -> memref<25600xi32, #tpu.memory_space<hbm>>
      %dma_start3A_145 = tpu.memref_slice %arg2[%mul3A_4] : memref<819200xi32, #tpu.memory_space<hbm>> -> memref<25600xi32, #tpu.memory_space<hbm>>
      tpu.enqueue_dma source(%dma_start3A_145 : memref<25600xi32, #tpu.memory_space<hbm>>) target(%arg6 : memref<25600xi32, #tpu.memory_space<vmem>>) target_semaphore(%run_scoped3A : memref<!tpu.dma_semaphore, #tpu.memory_space<semaphore_mem>>)
      %dma_wait3A_146 = tpu.memref_slice %arg2[%mul3A_4] : memref<819200xi32, #tpu.memory_space<hbm>> -> memref<25600xi32, #tpu.memory_space<hbm>>
      %dma_wait3A_147 = tpu.memref_slice %arg2[%mul3A_4] : memref<819200xi32, #tpu.memory_space<hbm>> -> memref<25600xi32, #tpu.memory_space<hbm>>
      tpu.wait_dma2 semaphore(%run_scoped3A : memref<!tpu.dma_semaphore, #tpu.memory_space<semaphore_mem>>) src(%dma_wait3A_147 : memref<25600xi32, #tpu.memory_space<hbm>>) dst(%arg6 : memref<25600xi32, #tpu.memory_space<vmem>>)
      tpu.yield
    }) : () -> ()
    %iota3A = tpu.iota {dimensions = array<i32: 0>} : vector<16xi32>
    %mul3A_5 = arith.constant 200 : i32
    %mul3A_6 = vector.broadcast %mul3A_5 : i32 to vector<16xi32>
    %mul3A_7 = arith.muli %iota3A, %mul3A_6 : vector<16xi32>
    %add3A_8 = arith.constant 0 : i32
    %add3A_9 = vector.broadcast %add3A_8 : i32 to vector<16xi32>
    %add3A_10 = arith.addi %mul3A_7, %add3A_9 : vector<16xi32>
    %gather3A = tpu.vector_load_idx %arg6[%add3A_10] : memref<25600xi32, #tpu.memory_space<vmem>>[vector<16xi32>], vector<16xi32>,
    %swap3A = arith.constant 0 : index
    %swap3A_11 = tpu.vector_load %arg7[%swap3A] {strides = array<i32>} : memref<256xi32, #tpu.memory_space<vmem>>, vector<16xi32>,
    tpu.vector_store %arg7[%swap3A], %gather3A {strides = array<i32>} : memref<256xi32, #tpu.memory_space<vmem>>, vector<16xi32>,
    %add3A_12 = arith.constant 3200 : i32
    %add3A_13 = vector.broadcast %add3A_12 : i32 to vector<16xi32>
    %add3A_14 = arith.addi %mul3A_7, %add3A_13 : vector<16xi32>
    %gather3A_15 = tpu.vector_load_idx %arg6[%add3A_14] : memref<25600xi32, #tpu.memory_space<vmem>>[vector<16xi32>], vector<16xi32>,
    %swap3A_16 = arith.constant 16 : index
    %swap3A_17 = tpu.vector_load %arg7[%swap3A_16] {strides = array<i32>} : memref<256xi32, #tpu.memory_space<vmem>>, vector<16xi32>,
    tpu.vector_store %arg7[%swap3A_16], %gather3A_15 {strides = array<i32>} : memref<256xi32, #tpu.memory_space<vmem>>, vector<16xi32>,
    %add3A_18 = arith.constant 6400 : i32
    %add3A_19 = vector.broadcast %add3A_18 : i32 to vector<16xi32>
    %add3A_20 = arith.addi %mul3A_7, %add3A_19 : vector<16xi32>
    %gather3A_21 = tpu.vector_load_idx %arg6[%add3A_20] : memref<25600xi32, #tpu.memory_space<vmem>>[vector<16xi32>], vector<16xi32>,
    %swap3A_22 = arith.constant 32 : index
    %swap3A_23 = tpu.vector_load %arg7[%swap3A_22] {strides = array<i32>} : memref<256xi32, #tpu.memory_space<vmem>>, vector<16xi32>,
    tpu.vector_store %arg7[%swap3A_22], %gather3A_21 {strides = array<i32>} : memref<256xi32, #tpu.memory_space<vmem>>, vector<16xi32>,
    %add3A_24 = arith.constant 9600 : i32
    %add3A_25 = vector.broadcast %add3A_24 : i32 to vector<16xi32>
    %add3A_26 = arith.addi %mul3A_7, %add3A_25 : vector<16xi32>
    %gather3A_27 = tpu.vector_load_idx %arg6[%add3A_26] : memref<25600xi32, #tpu.memory_space<vmem>>[vector<16xi32>], vector<16xi32>,
    %swap3A_28 = arith.constant 48 : index
    %swap3A_29 = tpu.vector_load %arg7[%swap3A_28] {strides = array<i32>} : memref<256xi32, #tpu.memory_space<vmem>>, vector<16xi32>,
    tpu.vector_store %arg7[%swap3A_28], %gather3A_27 {strides = array<i32>} : memref<256xi32, #tpu.memory_space<vmem>>, vector<16xi32>,
    %add3A_30 = arith.constant 12800 : i32
    %add3A_31 = vector.broadcast %add3A_30 : i32 to vector<16xi32>
    %add3A_32 = arith.addi %mul3A_7, %add3A_31 : vector<16xi32>
    %gather3A_33 = tpu.vector_load_idx %arg6[%add3A_32] : memref<25600xi32, #tpu.memory_space<vmem>>[vector<16xi32>], vector<16xi32>,
    %swap3A_34 = arith.constant 64 : index
    %swap3A_35 = tpu.vector_load %arg7[%swap3A_34] {strides = array<i32>} : memref<256xi32, #tpu.memory_space<vmem>>, vector<16xi32>,
    tpu.vector_store %arg7[%swap3A_34], %gather3A_33 {strides = array<i32>} : memref<256xi32, #tpu.memory_space<vmem>>, vector<16xi32>,
    %add3A_36 = arith.constant 16000 : i32
    %add3A_37 = vector.broadcast %add3A_36 : i32 to vector<16xi32>
    %add3A_38 = arith.addi %mul3A_7, %add3A_37 : vector<16xi32>
    %gather3A_39 = tpu.vector_load_idx %arg6[%add3A_38] : memref<25600xi32, #tpu.memory_space<vmem>>[vector<16xi32>], vector<16xi32>,
    %swap3A_40 = arith.constant 80 : index
    %swap3A_41 = tpu.vector_load %arg7[%swap3A_40] {strides = array<i32>} : memref<256xi32, #tpu.memory_space<vmem>>, vector<16xi32>,
    tpu.vector_store %arg7[%swap3A_40], %gather3A_39 {strides = array<i32>} : memref<256xi32, #tpu.memory_space<vmem>>, vector<16xi32>,
    %add3A_42 = arith.constant 19200 : i32
    %add3A_43 = vector.broadcast %add3A_42 : i32 to vector<16xi32>
    %add3A_44 = arith.addi %mul3A_7, %add3A_43 : vector<16xi32>
    %gather3A_45 = tpu.vector_load_idx %arg6[%add3A_44] : memref<25600xi32, #tpu.memory_space<vmem>>[vector<16xi32>], vector<16xi32>,
    %swap3A_46 = arith.constant 96 : index
    %swap3A_47 = tpu.vector_load %arg7[%swap3A_46] {strides = array<i32>} : memref<256xi32, #tpu.memory_space<vmem>>, vector<16xi32>,
    tpu.vector_store %arg7[%swap3A_46], %gather3A_45 {strides = array<i32>} : memref<256xi32, #tpu.memory_space<vmem>>, vector<16xi32>,
    %add3A_48 = arith.constant 22400 : i32
    %add3A_49 = vector.broadcast %add3A_48 : i32 to vector<16xi32>
    %add3A_50 = arith.addi %mul3A_7, %add3A_49 : vector<16xi32>
    %gather3A_51 = tpu.vector_load_idx %arg6[%add3A_50] : memref<25600xi32, #tpu.memory_space<vmem>>[vector<16xi32>], vector<16xi32>,
    %swap3A_52 = arith.constant 112 : index
    %swap3A_53 = tpu.vector_load %arg7[%swap3A_52] {strides = array<i32>} : memref<256xi32, #tpu.memory_space<vmem>>, vector<16xi32>,
    tpu.vector_store %arg7[%swap3A_52], %gather3A_51 {strides = array<i32>} : memref<256xi32, #tpu.memory_space<vmem>>, vector<16xi32>,
    %add3A_54 = arith.constant 1 : i32
    %add3A_55 = vector.broadcast %add3A_54 : i32 to vector<16xi32>
    %add3A_56 = arith.addi %mul3A_7, %add3A_55 : vector<16xi32>
    %gather3A_57 = tpu.vector_load_idx %arg6[%add3A_56] : memref<25600xi32, #tpu.memory_space<vmem>>[vector<16xi32>], vector<16xi32>,
    %swap3A_58 = arith.constant 128 : index
    %swap3A_59 = tpu.vector_load %arg7[%swap3A_58] {strides = array<i32>} : memref<256xi32, #tpu.memory_space<vmem>>, vector<16xi32>,
    tpu.vector_store %arg7[%swap3A_58], %gather3A_57 {strides = array<i32>} : memref<256xi32, #tpu.memory_space<vmem>>, vector<16xi32>,
    %add3A_60 = arith.constant 3201 : i32
    %add3A_61 = vector.broadcast %add3A_60 : i32 to vector<16xi32>
    %add3A_62 = arith.addi %mul3A_7, %add3A_61 : vector<16xi32>
    %gather3A_63 = tpu.vector_load_idx %arg6[%add3A_62] : memref<25600xi32, #tpu.memory_space<vmem>>[vector<16xi32>], vector<16xi32>,
    %swap3A_64 = arith.constant 144 : index
    %swap3A_65 = tpu.vector_load %arg7[%swap3A_64] {strides = array<i32>} : memref<256xi32, #tpu.memory_space<vmem>>, vector<16xi32>,
    tpu.vector_store %arg7[%swap3A_64], %gather3A_63 {strides = array<i32>} : memref<256xi32, #tpu.memory_space<vmem>>, vector<16xi32>,
    %add3A_66 = arith.constant 6401 : i32
    %add3A_67 = vector.broadcast %add3A_66 : i32 to vector<16xi32>
    %add3A_68 = arith.addi %mul3A_7, %add3A_67 : vector<16xi32>
    %gather3A_69 = tpu.vector_load_idx %arg6[%add3A_68] : memref<25600xi32, #tpu.memory_space<vmem>>[vector<16xi32>], vector<16xi32>,
    %swap3A_70 = arith.constant 160 : index
    %swap3A_71 = tpu.vector_load %arg7[%swap3A_70] {strides = array<i32>} : memref<256xi32, #tpu.memory_space<vmem>>, vector<16xi32>,
    tpu.vector_store %arg7[%swap3A_70], %gather3A_69 {strides = array<i32>} : memref<256xi32, #tpu.memory_space<vmem>>, vector<16xi32>,
    %add3A_72 = arith.constant 9601 : i32
    %add3A_73 = vector.broadcast %add3A_72 : i32 to vector<16xi32>
    %add3A_74 = arith.addi %mul3A_7, %add3A_73 : vector<16xi32>
    %gather3A_75 = tpu.vector_load_idx %arg6[%add3A_74] : memref<25600xi32, #tpu.memory_space<vmem>>[vector<16xi32>], vector<16xi32>,
    %swap3A_76 = arith.constant 176 : index
    %swap3A_77 = tpu.vector_load %arg7[%swap3A_76] {strides = array<i32>} : memref<256xi32, #tpu.memory_space<vmem>>, vector<16xi32>,
    tpu.vector_store %arg7[%swap3A_76], %gather3A_75 {strides = array<i32>} : memref<256xi32, #tpu.memory_space<vmem>>, vector<16xi32>,
    %add3A_78 = arith.constant 12801 : i32
    %add3A_79 = vector.broadcast %add3A_78 : i32 to vector<16xi32>
    %add3A_80 = arith.addi %mul3A_7, %add3A_79 : vector<16xi32>
    %gather3A_81 = tpu.vector_load_idx %arg6[%add3A_80] : memref<25600xi32, #tpu.memory_space<vmem>>[vector<16xi32>], vector<16xi32>,
    %swap3A_82 = arith.constant 192 : index
    %swap3A_83 = tpu.vector_load %arg7[%swap3A_82] {strides = array<i32>} : memref<256xi32, #tpu.memory_space<vmem>>, vector<16xi32>,
    tpu.vector_store %arg7[%swap3A_82], %gather3A_81 {strides = array<i32>} : memref<256xi32, #tpu.memory_space<vmem>>, vector<16xi32>,
    %add3A_84 = arith.constant 16001 : i32
    %add3A_85 = vector.broadcast %add3A_84 : i32 to vector<16xi32>
    %add3A_86 = arith.addi %mul3A_7, %add3A_85 : vector<16xi32>
    %gather3A_87 = tpu.vector_load_idx %arg6[%add3A_86] : memref<25600xi32, #tpu.memory_space<vmem>>[vector<16xi32>], vector<16xi32>,
    %swap3A_88 = arith.constant 208 : index
    %swap3A_89 = tpu.vector_load %arg7[%swap3A_88] {strides = array<i32>} : memref<256xi32, #tpu.memory_space<vmem>>, vector<16xi32>,
    tpu.vector_store %arg7[%swap3A_88], %gather3A_87 {strides = array<i32>} : memref<256xi32, #tpu.memory_space<vmem>>, vector<16xi32>,
    %add3A_90 = arith.constant 19201 : i32
    %add3A_91 = vector.broadcast %add3A_90 : i32 to vector<16xi32>
    %add3A_92 = arith.addi %mul3A_7, %add3A_91 : vector<16xi32>
    %gather3A_93 = tpu.vector_load_idx %arg6[%add3A_92] : memref<25600xi32, #tpu.memory_space<vmem>>[vector<16xi32>], vector<16xi32>,
    %swap3A_94 = arith.constant 224 : index
    %swap3A_95 = tpu.vector_load %arg7[%swap3A_94] {strides = array<i32>} : memref<256xi32, #tpu.memory_space<vmem>>, vector<16xi32>,
    tpu.vector_store %arg7[%swap3A_94], %gather3A_93 {strides = array<i32>} : memref<256xi32, #tpu.memory_space<vmem>>, vector<16xi32>,
    %add3A_96 = arith.constant 22401 : i32
    %add3A_97 = vector.broadcast %add3A_96 : i32 to vector<16xi32>
    %add3A_98 = arith.addi %mul3A_7, %add3A_97 : vector<16xi32>
    %gather3A_99 = tpu.vector_load_idx %arg6[%add3A_98] : memref<25600xi32, #tpu.memory_space<vmem>>[vector<16xi32>], vector<16xi32>,
    %swap3A_100 = arith.constant 240 : index
    %swap3A_101 = tpu.vector_load %arg7[%swap3A_100] {strides = array<i32>} : memref<256xi32, #tpu.memory_space<vmem>>, vector<16xi32>,
    tpu.vector_store %arg7[%swap3A_100], %gather3A_99 {strides = array<i32>} : memref<256xi32, #tpu.memory_space<vmem>>, vector<16xi32>,
    %dma_start3A = arith.constant 0 : i32
    %dma_start3A_102 = arith.constant 0 : i32
    %dma_start3A_103 = tpu.memref_slice %arg10[%dma_start3A, %dma_start3A_102] : memref<256x64xf32, #tpu.memory_space<vmem>> -> memref<128x64xf32, #tpu.memory_space<vmem>>
    %dma_start3A_104 = arith.constant 0 : i32
    %dma_start3A_105 = tpu.memref_slice %arg7[%dma_start3A_104] : memref<256xi32, #tpu.memory_space<vmem>> -> memref<128xi32, #tpu.memory_space<vmem>>
    %dma_start3A_106 = arith.constant 0 : i32
    %dma_start3A_107 = arith.constant 0 : i32
    %dma_start3A_108 = tpu.memref_slice %arg4[%dma_start3A_106, %dma_start3A_107] : memref<1000000x64xf32, #tpu.memory_space<hbm>> -> memref<1000000x64xf32, #tpu.memory_space<hbm>>
    tpu.enqueue_indirect_dma source(%dma_start3A_108 : memref<1000000x64xf32, #tpu.memory_space<hbm>>) target(%dma_start3A_103 : memref<128x64xf32, #tpu.memory_space<vmem>>) offsets(%dma_start3A_105 : memref<128xi32, #tpu.memory_space<vmem>>) semaphore(%arg14 : memref<!tpu.dma_semaphore, #tpu.memory_space<semaphore_mem>>)
    %dma_start3A_109 = arith.constant 128 : i32
    %dma_start3A_110 = arith.constant 0 : i32
    %dma_start3A_111 = tpu.memref_slice %arg10[%dma_start3A_109, %dma_start3A_110] : memref<256x64xf32, #tpu.memory_space<vmem>> -> memref<128x64xf32, #tpu.memory_space<vmem>>
    %dma_start3A_112 = arith.constant 128 : i32
    %dma_start3A_113 = tpu.memref_slice %arg7[%dma_start3A_112] : memref<256xi32, #tpu.memory_space<vmem>> -> memref<128xi32, #tpu.memory_space<vmem>>
    %dma_start3A_114 = arith.constant 0 : i32
    %dma_start3A_115 = arith.constant 0 : i32
    %dma_start3A_116 = tpu.memref_slice %arg4[%dma_start3A_114, %dma_start3A_115] : memref<1000000x64xf32, #tpu.memory_space<hbm>> -> memref<1000000x64xf32, #tpu.memory_space<hbm>>
    tpu.enqueue_indirect_dma source(%dma_start3A_116 : memref<1000000x64xf32, #tpu.memory_space<hbm>>) target(%dma_start3A_111 : memref<128x64xf32, #tpu.memory_space<vmem>>) offsets(%dma_start3A_113 : memref<128xi32, #tpu.memory_space<vmem>>) semaphore(%arg14 : memref<!tpu.dma_semaphore, #tpu.memory_space<semaphore_mem>>)
    %scan3A = arith.constant 0 : i32
    %scan3A_117 = arith.constant 50 : i32
    %scan3A_118 = arith.addi %scan3A, %scan3A_117 : i32
    %scan3A_119 = arith.constant 1 : i32
    scf.for %scan3A_144 = %scan3A to %scan3A_118 step %scan3A_119  : i32 {
      %mul3A_145 = arith.constant 2 : i32
      %mul3A_146 = arith.muli %scan3A_144, %mul3A_145 : i32
      %add3A_147 = arith.constant 0 : i32
      %add3A_148 = arith.addi %add3A_147, %mul3A_146 : i32
      %add3A_149 = arith.constant 0 : i32
      %add3A_150 = arith.addi %add3A_148, %add3A_149 : i32
      %dma_wait3A_151 = arith.constant 0 : i32
      %dma_wait3A_152 = arith.constant 0 : i32
      %dma_wait3A_153 = tpu.memref_slice %arg10[%dma_wait3A_151, %dma_wait3A_152] : memref<256x64xf32, #tpu.memory_space<vmem>> -> memref<128x64xf32, #tpu.memory_space<vmem>>
      %dma_wait3A_154 = arith.constant 0 : i32
      %dma_wait3A_155 = tpu.memref_slice %arg7[%dma_wait3A_154] : memref<256xi32, #tpu.memory_space<vmem>> -> memref<128xi32, #tpu.memory_space<vmem>>
      %dma_wait3A_156 = arith.constant 0 : i32
      %dma_wait3A_157 = arith.constant 0 : i32
      %dma_wait3A_158 = tpu.memref_slice %arg4[%dma_wait3A_156, %dma_wait3A_157] : memref<1000000x64xf32, #tpu.memory_space<hbm>> -> memref<1000000x64xf32, #tpu.memory_space<hbm>>
      tpu.wait_indirect_dma semaphore(%arg14 : memref<!tpu.dma_semaphore, #tpu.memory_space<semaphore_mem>>) src(%dma_wait3A_158 : memref<1000000x64xf32, #tpu.memory_space<hbm>>) dst(%dma_wait3A_153 : memref<128x64xf32, #tpu.memory_space<vmem>>)
      %dma_wait3A_159 = arith.constant 128 : i32
      %dma_wait3A_160 = arith.constant 0 : i32
      %dma_wait3A_161 = tpu.memref_slice %arg10[%dma_wait3A_159, %dma_wait3A_160] : memref<256x64xf32, #tpu.memory_space<vmem>> -> memref<128x64xf32, #tpu.memory_space<vmem>>
      %dma_wait3A_162 = arith.constant 128 : i32
      %dma_wait3A_163 = tpu.memref_slice %arg7[%dma_wait3A_162] : memref<256xi32, #tpu.memory_space<vmem>> -> memref<128xi32, #tpu.memory_space<vmem>>
      %dma_wait3A_164 = arith.constant 0 : i32
      %dma_wait3A_165 = arith.constant 0 : i32
      %dma_wait3A_166 = tpu.memref_slice %arg4[%dma_wait3A_164, %dma_wait3A_165] : memref<1000000x64xf32, #tpu.memory_space<hbm>> -> memref<1000000x64xf32, #tpu.memory_space<hbm>>
      tpu.wait_indirect_dma semaphore(%arg14 : memref<!tpu.dma_semaphore, #tpu.memory_space<semaphore_mem>>) src(%dma_wait3A_166 : memref<1000000x64xf32, #tpu.memory_space<hbm>>) dst(%dma_wait3A_161 : memref<128x64xf32, #tpu.memory_space<vmem>>)
      %lt3A = arith.constant 99 : i32
      %lt3A_167 = arith.cmpi slt, %add3A_150, %lt3A : i32
      %convert_element_type3A = arith.extui %lt3A_167 : i1 to i32
      %cond3A = arith.constant 0 : i32
      %cond3A_168 = arith.cmpi ne, %convert_element_type3A, %cond3A : i32
      scf.if %cond3A_168 {
        %add3A_444 = arith.constant 1 : i32
        %add3A_445 = arith.addi %add3A_150, %add3A_444 : i32
        %mul3A_446 = arith.constant 2 : i32
        %mul3A_447 = arith.muli %add3A_445, %mul3A_446 : i32
        %add3A_448 = arith.constant 0 : i32
        %add3A_449 = arith.addi %add3A_448, %mul3A_447 : i32
        %add3A_450 = arith.constant 0 : i32
        %add3A_451 = arith.addi %add3A_449, %add3A_450 : i32
        %add3A_452 = vector.broadcast %add3A_451 : i32 to vector<16xi32>
        %add3A_453 = arith.addi %mul3A_7, %add3A_452 : vector<16xi32>
        %gather3A_454 = tpu.vector_load_idx %arg6[%add3A_453] : memref<25600xi32, #tpu.memory_space<vmem>>[vector<16xi32>], vector<16xi32>,
        %swap3A_455 = arith.constant 0 : index
        %swap3A_456 = tpu.vector_load %arg8[%swap3A_455] {strides = array<i32>} : memref<256xi32, #tpu.memory_space<vmem>>, vector<16xi32>,
        tpu.vector_store %arg8[%swap3A_455], %gather3A_454 {strides = array<i32>} : memref<256xi32, #tpu.memory_space<vmem>>, vector<16xi32>,
        %mul3A_457 = arith.constant 2 : i32
        %mul3A_458 = arith.muli %add3A_445, %mul3A_457 : i32
        %add3A_459 = arith.constant 3200 : i32
        %add3A_460 = arith.addi %add3A_459, %mul3A_458 : i32
        %add3A_461 = arith.constant 0 : i32
        %add3A_462 = arith.addi %add3A_460, %add3A_461 : i32
        %add3A_463 = vector.broadcast %add3A_462 : i32 to vector<16xi32>
        %add3A_464 = arith.addi %mul3A_7, %add3A_463 : vector<16xi32>
        %gather3A_465 = tpu.vector_load_idx %arg6[%add3A_464] : memref<25600xi32, #tpu.memory_space<vmem>>[vector<16xi32>], vector<16xi32>,
        %swap3A_466 = arith.constant 16 : index
        %swap3A_467 = tpu.vector_load %arg8[%swap3A_466] {strides = array<i32>} : memref<256xi32, #tpu.memory_space<vmem>>, vector<16xi32>,
        tpu.vector_store %arg8[%swap3A_466], %gather3A_465 {strides = array<i32>} : memref<256xi32, #tpu.memory_space<vmem>>, vector<16xi32>,
        %mul3A_468 = arith.constant 2 : i32
        %mul3A_469 = arith.muli %add3A_445, %mul3A_468 : i32
        %add3A_470 = arith.constant 6400 : i32
        %add3A_471 = arith.addi %add3A_470, %mul3A_469 : i32
        %add3A_472 = arith.constant 0 : i32
        %add3A_473 = arith.addi %add3A_471, %add3A_472 : i32
        %add3A_474 = vector.broadcast %add3A_473 : i32 to vector<16xi32>
        %add3A_475 = arith.addi %mul3A_7, %add3A_474 : vector<16xi32>
        %gather3A_476 = tpu.vector_load_idx %arg6[%add3A_475] : memref<25600xi32, #tpu.memory_space<vmem>>[vector<16xi32>], vector<16xi32>,
        %swap3A_477 = arith.constant 32 : index
        %swap3A_478 = tpu.vector_load %arg8[%swap3A_477] {strides = array<i32>} : memref<256xi32, #tpu.memory_space<vmem>>, vector<16xi32>,
        tpu.vector_store %arg8[%swap3A_477], %gather3A_476 {strides = array<i32>} : memref<256xi32, #tpu.memory_space<vmem>>, vector<16xi32>,
        %mul3A_479 = arith.constant 2 : i32
        %mul3A_480 = arith.muli %add3A_445, %mul3A_479 : i32
        %add3A_481 = arith.constant 9600 : i32
        %add3A_482 = arith.addi %add3A_481, %mul3A_480 : i32
        %add3A_483 = arith.constant 0 : i32
        %add3A_484 = arith.addi %add3A_482, %add3A_483 : i32
        %add3A_485 = vector.broadcast %add3A_484 : i32 to vector<16xi32>
        %add3A_486 = arith.addi %mul3A_7, %add3A_485 : vector<16xi32>
        %gather3A_487 = tpu.vector_load_idx %arg6[%add3A_486] : memref<25600xi32, #tpu.memory_space<vmem>>[vector<16xi32>], vector<16xi32>,
        %swap3A_488 = arith.constant 48 : index
        %swap3A_489 = tpu.vector_load %arg8[%swap3A_488] {strides = array<i32>} : memref<256xi32, #tpu.memory_space<vmem>>, vector<16xi32>,
        tpu.vector_store %arg8[%swap3A_488], %gather3A_487 {strides = array<i32>} : memref<256xi32, #tpu.memory_space<vmem>>, vector<16xi32>,
        %mul3A_490 = arith.constant 2 : i32
        %mul3A_491 = arith.muli %add3A_445, %mul3A_490 : i32
        %add3A_492 = arith.constant 12800 : i32
        %add3A_493 = arith.addi %add3A_492, %mul3A_491 : i32
        %add3A_494 = arith.constant 0 : i32
        %add3A_495 = arith.addi %add3A_493, %add3A_494 : i32
        %add3A_496 = vector.broadcast %add3A_495 : i32 to vector<16xi32>
        %add3A_497 = arith.addi %mul3A_7, %add3A_496 : vector<16xi32>
        %gather3A_498 = tpu.vector_load_idx %arg6[%add3A_497] : memref<25600xi32, #tpu.memory_space<vmem>>[vector<16xi32>], vector<16xi32>,
        %swap3A_499 = arith.constant 64 : index
        %swap3A_500 = tpu.vector_load %arg8[%swap3A_499] {strides = array<i32>} : memref<256xi32, #tpu.memory_space<vmem>>, vector<16xi32>,
        tpu.vector_store %arg8[%swap3A_499], %gather3A_498 {strides = array<i32>} : memref<256xi32, #tpu.memory_space<vmem>>, vector<16xi32>,
        %mul3A_501 = arith.constant 2 : i32
        %mul3A_502 = arith.muli %add3A_445, %mul3A_501 : i32
        %add3A_503 = arith.constant 16000 : i32
        %add3A_504 = arith.addi %add3A_503, %mul3A_502 : i32
        %add3A_505 = arith.constant 0 : i32
        %add3A_506 = arith.addi %add3A_504, %add3A_505 : i32
        %add3A_507 = vector.broadcast %add3A_506 : i32 to vector<16xi32>
        %add3A_508 = arith.addi %mul3A_7, %add3A_507 : vector<16xi32>
        %gather3A_509 = tpu.vector_load_idx %arg6[%add3A_508] : memref<25600xi32, #tpu.memory_space<vmem>>[vector<16xi32>], vector<16xi32>,
        %swap3A_510 = arith.constant 80 : index
        %swap3A_511 = tpu.vector_load %arg8[%swap3A_510] {strides = array<i32>} : memref<256xi32, #tpu.memory_space<vmem>>, vector<16xi32>,
        tpu.vector_store %arg8[%swap3A_510], %gather3A_509 {strides = array<i32>} : memref<256xi32, #tpu.memory_space<vmem>>, vector<16xi32>,
        %mul3A_512 = arith.constant 2 : i32
        %mul3A_513 = arith.muli %add3A_445, %mul3A_512 : i32
        %add3A_514 = arith.constant 19200 : i32
        %add3A_515 = arith.addi %add3A_514, %mul3A_513 : i32
        %add3A_516 = arith.constant 0 : i32
        %add3A_517 = arith.addi %add3A_515, %add3A_516 : i32
        %add3A_518 = vector.broadcast %add3A_517 : i32 to vector<16xi32>
        %add3A_519 = arith.addi %mul3A_7, %add3A_518 : vector<16xi32>
        %gather3A_520 = tpu.vector_load_idx %arg6[%add3A_519] : memref<25600xi32, #tpu.memory_space<vmem>>[vector<16xi32>], vector<16xi32>,
        %swap3A_521 = arith.constant 96 : index
        %swap3A_522 = tpu.vector_load %arg8[%swap3A_521] {strides = array<i32>} : memref<256xi32, #tpu.memory_space<vmem>>, vector<16xi32>,
        tpu.vector_store %arg8[%swap3A_521], %gather3A_520 {strides = array<i32>} : memref<256xi32, #tpu.memory_space<vmem>>, vector<16xi32>,
        %mul3A_523 = arith.constant 2 : i32
        %mul3A_524 = arith.muli %add3A_445, %mul3A_523 : i32
        %add3A_525 = arith.constant 22400 : i32
        %add3A_526 = arith.addi %add3A_525, %mul3A_524 : i32
        %add3A_527 = arith.constant 0 : i32
        %add3A_528 = arith.addi %add3A_526, %add3A_527 : i32
        %add3A_529 = vector.broadcast %add3A_528 : i32 to vector<16xi32>
        %add3A_530 = arith.addi %mul3A_7, %add3A_529 : vector<16xi32>
        %gather3A_531 = tpu.vector_load_idx %arg6[%add3A_530] : memref<25600xi32, #tpu.memory_space<vmem>>[vector<16xi32>], vector<16xi32>,
        %swap3A_532 = arith.constant 112 : index
        %swap3A_533 = tpu.vector_load %arg8[%swap3A_532] {strides = array<i32>} : memref<256xi32, #tpu.memory_space<vmem>>, vector<16xi32>,
        tpu.vector_store %arg8[%swap3A_532], %gather3A_531 {strides = array<i32>} : memref<256xi32, #tpu.memory_space<vmem>>, vector<16xi32>,
        %mul3A_534 = arith.constant 2 : i32
        %mul3A_535 = arith.muli %add3A_445, %mul3A_534 : i32
        %add3A_536 = arith.constant 0 : i32
        %add3A_537 = arith.addi %add3A_536, %mul3A_535 : i32
        %add3A_538 = arith.constant 1 : i32
        %add3A_539 = arith.addi %add3A_537, %add3A_538 : i32
        %add3A_540 = vector.broadcast %add3A_539 : i32 to vector<16xi32>
        %add3A_541 = arith.addi %mul3A_7, %add3A_540 : vector<16xi32>
        %gather3A_542 = tpu.vector_load_idx %arg6[%add3A_541] : memref<25600xi32, #tpu.memory_space<vmem>>[vector<16xi32>], vector<16xi32>,
        %swap3A_543 = arith.constant 128 : index
        %swap3A_544 = tpu.vector_load %arg8[%swap3A_543] {strides = array<i32>} : memref<256xi32, #tpu.memory_space<vmem>>, vector<16xi32>,
        tpu.vector_store %arg8[%swap3A_543], %gather3A_542 {strides = array<i32>} : memref<256xi32, #tpu.memory_space<vmem>>, vector<16xi32>,
        %mul3A_545 = arith.constant 2 : i32
        %mul3A_546 = arith.muli %add3A_445, %mul3A_545 : i32
        %add3A_547 = arith.constant 3200 : i32
        %add3A_548 = arith.addi %add3A_547, %mul3A_546 : i32
        %add3A_549 = arith.constant 1 : i32
        %add3A_550 = arith.addi %add3A_548, %add3A_549 : i32
        %add3A_551 = vector.broadcast %add3A_550 : i32 to vector<16xi32>
        %add3A_552 = arith.addi %mul3A_7, %add3A_551 : vector<16xi32>
        %gather3A_553 = tpu.vector_load_idx %arg6[%add3A_552] : memref<25600xi32, #tpu.memory_space<vmem>>[vector<16xi32>], vector<16xi32>,
        %swap3A_554 = arith.constant 144 : index
        %swap3A_555 = tpu.vector_load %arg8[%swap3A_554] {strides = array<i32>} : memref<256xi32, #tpu.memory_space<vmem>>, vector<16xi32>,
        tpu.vector_store %arg8[%swap3A_554], %gather3A_553 {strides = array<i32>} : memref<256xi32, #tpu.memory_space<vmem>>, vector<16xi32>,
        %mul3A_556 = arith.constant 2 : i32
        %mul3A_557 = arith.muli %add3A_445, %mul3A_556 : i32
        %add3A_558 = arith.constant 6400 : i32
        %add3A_559 = arith.addi %add3A_558, %mul3A_557 : i32
        %add3A_560 = arith.constant 1 : i32
        %add3A_561 = arith.addi %add3A_559, %add3A_560 : i32
        %add3A_562 = vector.broadcast %add3A_561 : i32 to vector<16xi32>
        %add3A_563 = arith.addi %mul3A_7, %add3A_562 : vector<16xi32>
        %gather3A_564 = tpu.vector_load_idx %arg6[%add3A_563] : memref<25600xi32, #tpu.memory_space<vmem>>[vector<16xi32>], vector<16xi32>,
        %swap3A_565 = arith.constant 160 : index
        %swap3A_566 = tpu.vector_load %arg8[%swap3A_565] {strides = array<i32>} : memref<256xi32, #tpu.memory_space<vmem>>, vector<16xi32>,
        tpu.vector_store %arg8[%swap3A_565], %gather3A_564 {strides = array<i32>} : memref<256xi32, #tpu.memory_space<vmem>>, vector<16xi32>,
        %mul3A_567 = arith.constant 2 : i32
        %mul3A_568 = arith.muli %add3A_445, %mul3A_567 : i32
        %add3A_569 = arith.constant 9600 : i32
        %add3A_570 = arith.addi %add3A_569, %mul3A_568 : i32
        %add3A_571 = arith.constant 1 : i32
        %add3A_572 = arith.addi %add3A_570, %add3A_571 : i32
        %add3A_573 = vector.broadcast %add3A_572 : i32 to vector<16xi32>
        %add3A_574 = arith.addi %mul3A_7, %add3A_573 : vector<16xi32>
        %gather3A_575 = tpu.vector_load_idx %arg6[%add3A_574] : memref<25600xi32, #tpu.memory_space<vmem>>[vector<16xi32>], vector<16xi32>,
        %swap3A_576 = arith.constant 176 : index
        %swap3A_577 = tpu.vector_load %arg8[%swap3A_576] {strides = array<i32>} : memref<256xi32, #tpu.memory_space<vmem>>, vector<16xi32>,
        tpu.vector_store %arg8[%swap3A_576], %gather3A_575 {strides = array<i32>} : memref<256xi32, #tpu.memory_space<vmem>>, vector<16xi32>,
        %mul3A_578 = arith.constant 2 : i32
        %mul3A_579 = arith.muli %add3A_445, %mul3A_578 : i32
        %add3A_580 = arith.constant 12800 : i32
        %add3A_581 = arith.addi %add3A_580, %mul3A_579 : i32
        %add3A_582 = arith.constant 1 : i32
        %add3A_583 = arith.addi %add3A_581, %add3A_582 : i32
        %add3A_584 = vector.broadcast %add3A_583 : i32 to vector<16xi32>
        %add3A_585 = arith.addi %mul3A_7, %add3A_584 : vector<16xi32>
        %gather3A_586 = tpu.vector_load_idx %arg6[%add3A_585] : memref<25600xi32, #tpu.memory_space<vmem>>[vector<16xi32>], vector<16xi32>,
        %swap3A_587 = arith.constant 192 : index
        %swap3A_588 = tpu.vector_load %arg8[%swap3A_587] {strides = array<i32>} : memref<256xi32, #tpu.memory_space<vmem>>, vector<16xi32>,
        tpu.vector_store %arg8[%swap3A_587], %gather3A_586 {strides = array<i32>} : memref<256xi32, #tpu.memory_space<vmem>>, vector<16xi32>,
        %mul3A_589 = arith.constant 2 : i32
        %mul3A_590 = arith.muli %add3A_445, %mul3A_589 : i32
        %add3A_591 = arith.constant 16000 : i32
        %add3A_592 = arith.addi %add3A_591, %mul3A_590 : i32
        %add3A_593 = arith.constant 1 : i32
        %add3A_594 = arith.addi %add3A_592, %add3A_593 : i32
        %add3A_595 = vector.broadcast %add3A_594 : i32 to vector<16xi32>
        %add3A_596 = arith.addi %mul3A_7, %add3A_595 : vector<16xi32>
        %gather3A_597 = tpu.vector_load_idx %arg6[%add3A_596] : memref<25600xi32, #tpu.memory_space<vmem>>[vector<16xi32>], vector<16xi32>,
        %swap3A_598 = arith.constant 208 : index
        %swap3A_599 = tpu.vector_load %arg8[%swap3A_598] {strides = array<i32>} : memref<256xi32, #tpu.memory_space<vmem>>, vector<16xi32>,
        tpu.vector_store %arg8[%swap3A_598], %gather3A_597 {strides = array<i32>} : memref<256xi32, #tpu.memory_space<vmem>>, vector<16xi32>,
        %mul3A_600 = arith.constant 2 : i32
        %mul3A_601 = arith.muli %add3A_445, %mul3A_600 : i32
        %add3A_602 = arith.constant 19200 : i32
        %add3A_603 = arith.addi %add3A_602, %mul3A_601 : i32
        %add3A_604 = arith.constant 1 : i32
        %add3A_605 = arith.addi %add3A_603, %add3A_604 : i32
        %add3A_606 = vector.broadcast %add3A_605 : i32 to vector<16xi32>
        %add3A_607 = arith.addi %mul3A_7, %add3A_606 : vector<16xi32>
        %gather3A_608 = tpu.vector_load_idx %arg6[%add3A_607] : memref<25600xi32, #tpu.memory_space<vmem>>[vector<16xi32>], vector<16xi32>,
        %swap3A_609 = arith.constant 224 : index
        %swap3A_610 = tpu.vector_load %arg8[%swap3A_609] {strides = array<i32>} : memref<256xi32, #tpu.memory_space<vmem>>, vector<16xi32>,
        tpu.vector_store %arg8[%swap3A_609], %gather3A_608 {strides = array<i32>} : memref<256xi32, #tpu.memory_space<vmem>>, vector<16xi32>,
        %mul3A_611 = arith.constant 2 : i32
        %mul3A_612 = arith.muli %add3A_445, %mul3A_611 : i32
        %add3A_613 = arith.constant 22400 : i32
        %add3A_614 = arith.addi %add3A_613, %mul3A_612 : i32
        %add3A_615 = arith.constant 1 : i32
        %add3A_616 = arith.addi %add3A_614, %add3A_615 : i32
        %add3A_617 = vector.broadcast %add3A_616 : i32 to vector<16xi32>
        %add3A_618 = arith.addi %mul3A_7, %add3A_617 : vector<16xi32>
        %gather3A_619 = tpu.vector_load_idx %arg6[%add3A_618] : memref<25600xi32, #tpu.memory_space<vmem>>[vector<16xi32>], vector<16xi32>,
        %swap3A_620 = arith.constant 240 : index
        %swap3A_621 = tpu.vector_load %arg8[%swap3A_620] {strides = array<i32>} : memref<256xi32, #tpu.memory_space<vmem>>, vector<16xi32>,
        tpu.vector_store %arg8[%swap3A_620], %gather3A_619 {strides = array<i32>} : memref<256xi32, #tpu.memory_space<vmem>>, vector<16xi32>,
        %dma_start3A_622 = arith.constant 0 : i32
        %dma_start3A_623 = arith.constant 0 : i32
        %dma_start3A_624 = tpu.memref_slice %arg11[%dma_start3A_622, %dma_start3A_623] : memref<256x64xf32, #tpu.memory_space<vmem>> -> memref<128x64xf32, #tpu.memory_space<vmem>>
        %dma_start3A_625 = arith.constant 0 : i32
        %dma_start3A_626 = tpu.memref_slice %arg8[%dma_start3A_625] : memref<256xi32, #tpu.memory_space<vmem>> -> memref<128xi32, #tpu.memory_space<vmem>>
        %dma_start3A_627 = arith.constant 0 : i32
        %dma_start3A_628 = arith.constant 0 : i32
        %dma_start3A_629 = tpu.memref_slice %arg4[%dma_start3A_627, %dma_start3A_628] : memref<1000000x64xf32, #tpu.memory_space<hbm>> -> memref<1000000x64xf32, #tpu.memory_space<hbm>>
        tpu.enqueue_indirect_dma source(%dma_start3A_629 : memref<1000000x64xf32, #tpu.memory_space<hbm>>) target(%dma_start3A_624 : memref<128x64xf32, #tpu.memory_space<vmem>>) offsets(%dma_start3A_626 : memref<128xi32, #tpu.memory_space<vmem>>) semaphore(%arg15 : memref<!tpu.dma_semaphore, #tpu.memory_space<semaphore_mem>>)
        %dma_start3A_630 = arith.constant 128 : i32
        %dma_start3A_631 = arith.constant 0 : i32
        %dma_start3A_632 = tpu.memref_slice %arg11[%dma_start3A_630, %dma_start3A_631] : memref<256x64xf32, #tpu.memory_space<vmem>> -> memref<128x64xf32, #tpu.memory_space<vmem>>
        %dma_start3A_633 = arith.constant 128 : i32
        %dma_start3A_634 = tpu.memref_slice %arg8[%dma_start3A_633] : memref<256xi32, #tpu.memory_space<vmem>> -> memref<128xi32, #tpu.memory_space<vmem>>
        %dma_start3A_635 = arith.constant 0 : i32
        %dma_start3A_636 = arith.constant 0 : i32
        %dma_start3A_637 = tpu.memref_slice %arg4[%dma_start3A_635, %dma_start3A_636] : memref<1000000x64xf32, #tpu.memory_space<hbm>> -> memref<1000000x64xf32, #tpu.memory_space<hbm>>
        tpu.enqueue_indirect_dma source(%dma_start3A_637 : memref<1000000x64xf32, #tpu.memory_space<hbm>>) target(%dma_start3A_632 : memref<128x64xf32, #tpu.memory_space<vmem>>) offsets(%dma_start3A_634 : memref<128xi32, #tpu.memory_space<vmem>>) semaphore(%arg15 : memref<!tpu.dma_semaphore, #tpu.memory_space<semaphore_mem>>)
      } else {
      }
      %ge3A = arith.constant 2 : i32
      %ge3A_169 = arith.cmpi sge, %add3A_150, %ge3A : i32
      %convert_element_type3A_170 = arith.extui %ge3A_169 : i1 to i32
      %cond3A_171 = arith.constant 0 : i32
      %cond3A_172 = arith.cmpi ne, %convert_element_type3A_170, %cond3A_171 : i32
      scf.if %cond3A_172 {
        %sub3A = arith.constant 2 : i32
        %sub3A_444 = arith.subi %add3A_150, %sub3A : i32
        %mul3A_445 = arith.constant 2 : i32
        %mul3A_446 = arith.muli %sub3A_444, %mul3A_445 : i32
        %dma_wait3A_447 = arith.constant 0 : i32
        %dma_wait3A_448 = arith.constant 0 : i32
        %dma_wait3A_449 = arith.constant 0 : i32
        %dma_wait3A_450 = tpu.memref_slice %arg5[%mul3A_446, %dma_wait3A_447, %add3A, %dma_wait3A_448, %dma_wait3A_449] : memref<200x8x32x8x128xf32, #tpu.memory_space<hbm>> -> memref<2x8x1x8x128xf32, #tpu.memory_space<hbm>>
        %dma_wait3A_451 = tpu.memref_squeeze %dma_wait3A_450 : memref<2x8x1x8x128xf32, #tpu.memory_space<hbm>> -> memref<2x8x8x128xf32, #tpu.memory_space<hbm>>
        %dma_wait3A_452 = arith.constant 0 : i32
        %dma_wait3A_453 = arith.constant 0 : i32
        %dma_wait3A_454 = arith.constant 0 : i32
        %dma_wait3A_455 = tpu.memref_slice %arg5[%mul3A_446, %dma_wait3A_452, %add3A, %dma_wait3A_453, %dma_wait3A_454] : memref<200x8x32x8x128xf32, #tpu.memory_space<hbm>> -> memref<2x8x1x8x128xf32, #tpu.memory_space<hbm>>
        %dma_wait3A_456 = tpu.memref_squeeze %dma_wait3A_455 : memref<2x8x1x8x128xf32, #tpu.memory_space<hbm>> -> memref<2x8x8x128xf32, #tpu.memory_space<hbm>>
        tpu.wait_dma2 semaphore(%arg16 : memref<!tpu.dma_semaphore, #tpu.memory_space<semaphore_mem>>) src(%arg12 : memref<2x8x8x128xf32, #tpu.memory_space<vmem>>) dst(%dma_wait3A_456 : memref<2x8x8x128xf32, #tpu.memory_space<hbm>>)
      } else {
      }
      %add3A_173 = arith.constant 0 : i32
      %add3A_174 = vector.broadcast %add3A_173 : i32 to vector<16xi32>
      %add3A_175 = arith.addi %iota3A, %add3A_174 : vector<16xi32>
      %add3A_176 = arith.constant 16 : i32
      %add3A_177 = vector.broadcast %add3A_176 : i32 to vector<16xi32>
      %add3A_178 = arith.addi %iota3A, %add3A_177 : vector<16xi32>
      %add3A_179 = arith.constant 32 : i32
      %add3A_180 = vector.broadcast %add3A_179 : i32 to vector<16xi32>
      %add3A_181 = arith.addi %iota3A, %add3A_180 : vector<16xi32>
      %add3A_182 = arith.constant 48 : i32
      %add3A_183 = vector.broadcast %add3A_182 : i32 to vector<16xi32>
      %add3A_184 = arith.addi %iota3A, %add3A_183 : vector<16xi32>
      %add3A_185 = arith.constant 64 : i32
      %add3A_186 = vector.broadcast %add3A_185 : i32 to vector<16xi32>
      %add3A_187 = arith.addi %iota3A, %add3A_186 : vector<16xi32>
      %add3A_188 = arith.constant 80 : i32
      %add3A_189 = vector.broadcast %add3A_188 : i32 to vector<16xi32>
      %add3A_190 = arith.addi %iota3A, %add3A_189 : vector<16xi32>
      %add3A_191 = arith.constant 96 : i32
      %add3A_192 = vector.broadcast %add3A_191 : i32 to vector<16xi32>
      %add3A_193 = arith.addi %iota3A, %add3A_192 : vector<16xi32>
      %add3A_194 = arith.constant 112 : i32
      %add3A_195 = vector.broadcast %add3A_194 : i32 to vector<16xi32>
      %add3A_196 = arith.addi %iota3A, %add3A_195 : vector<16xi32>
      %add3A_197 = arith.constant 0 : i32
      %add3A_198 = vector.broadcast %add3A_197 : i32 to vector<16xi32>
      %add3A_199 = arith.addi %iota3A, %add3A_198 : vector<16xi32>
      %add3A_200 = arith.constant 16 : i32
      %add3A_201 = vector.broadcast %add3A_200 : i32 to vector<16xi32>
      %add3A_202 = arith.addi %iota3A, %add3A_201 : vector<16xi32>
      %add3A_203 = arith.constant 32 : i32
      %add3A_204 = vector.broadcast %add3A_203 : i32 to vector<16xi32>
      %add3A_205 = arith.addi %iota3A, %add3A_204 : vector<16xi32>
      %add3A_206 = arith.constant 48 : i32
      %add3A_207 = vector.broadcast %add3A_206 : i32 to vector<16xi32>
      %add3A_208 = arith.addi %iota3A, %add3A_207 : vector<16xi32>
      %add3A_209 = arith.constant 64 : i32
      %add3A_210 = vector.broadcast %add3A_209 : i32 to vector<16xi32>
      %add3A_211 = arith.addi %iota3A, %add3A_210 : vector<16xi32>
      %add3A_212 = arith.constant 80 : i32
      %add3A_213 = vector.broadcast %add3A_212 : i32 to vector<16xi32>
      %add3A_214 = arith.addi %iota3A, %add3A_213 : vector<16xi32>
      %add3A_215 = arith.constant 96 : i32
      %add3A_216 = vector.broadcast %add3A_215 : i32 to vector<16xi32>
      %add3A_217 = arith.addi %iota3A, %add3A_216 : vector<16xi32>
      %add3A_218 = arith.constant 112 : i32
      %add3A_219 = vector.broadcast %add3A_218 : i32 to vector<16xi32>
      %add3A_220 = arith.addi %iota3A, %add3A_219 : vector<16xi32>
      %broadcast_in_dim3A = arith.constant 0 : i32
      %broadcast_in_dim3A_221 = vector.broadcast %broadcast_in_dim3A : i32 to vector<16xi32>
      %scan3A_222 = arith.constant 0 : i32
      %scan3A_223 = arith.constant 64 : i32
      %scan3A_224 = arith.addi %scan3A_222, %scan3A_223 : i32
      %scan3A_225 = arith.constant 2 : i32
      scf.for %scan3A_444 = %scan3A_222 to %scan3A_224 step %scan3A_225  : i32 {
        %mul3A_445 = arith.constant 1 : i32
        %mul3A_446 = arith.muli %scan3A_444, %mul3A_445 : i32
        %add3A_447 = arith.constant 0 : i32
        %add3A_448 = arith.addi %add3A_447, %mul3A_446 : i32
        %add3A_449 = vector.broadcast %add3A_448 : i32 to vector<16xi32>
        %add3A_450 = arith.addi %iota3A, %add3A_449 : vector<16xi32>
        %and3A = arith.constant 63 : i32
        %and3A_451 = vector.broadcast %and3A : i32 to vector<16xi32>
        %and3A_452 = arith.andi %add3A_450, %and3A_451 : vector<16xi32>
        %shift_right_logical3A = arith.constant 3 : i32
        %shift_right_logical3A_453 = vector.broadcast %shift_right_logical3A : i32 to vector<16xi32>
        %shift_right_logical3A_454 = arith.shrui %and3A_452, %shift_right_logical3A_453 : vector<16xi32>
        %and3A_455 = arith.constant 7 : i32
        %and3A_456 = vector.broadcast %and3A_455 : i32 to vector<16xi32>
        %and3A_457 = arith.andi %and3A_452, %and3A_456 : vector<16xi32>
        %mul3A_458 = arith.constant 2 : i32
        %mul3A_459 = arith.muli %add3A_150, %mul3A_458 : i32
        %add3A_460 = arith.constant 0 : i32
        %add3A_461 = arith.addi %mul3A_459, %add3A_460 : i32
        %mul3A_462 = arith.constant 64 : i32
        %mul3A_463 = arith.muli %add3A_461, %mul3A_462 : i32
        %add3A_464 = vector.broadcast %mul3A_463 : i32 to vector<16xi32>
        %add3A_465 = arith.addi %and3A_452, %add3A_464 : vector<16xi32>
        %gather3A_466 = tpu.vector_load_idx %arg9[%add3A_465] : memref<12800xf32, #tpu.memory_space<vmem>>[vector<16xi32>], vector<16xf32>,
        %gather3A_467 = tpu.vector_load_idx %arg10[%add3A_175, %and3A_452] : memref<256x64xf32, #tpu.memory_space<vmem>>[vector<16xi32>, vector<16xi32>], vector<16xf32>,
        %gather3A_468 = tpu.vector_load_idx %arg10[%add3A_178, %and3A_452] : memref<256x64xf32, #tpu.memory_space<vmem>>[vector<16xi32>, vector<16xi32>], vector<16xf32>,
        %gather3A_469 = tpu.vector_load_idx %arg10[%add3A_181, %and3A_452] : memref<256x64xf32, #tpu.memory_space<vmem>>[vector<16xi32>, vector<16xi32>], vector<16xf32>,
        %gather3A_470 = tpu.vector_load_idx %arg10[%add3A_184, %and3A_452] : memref<256x64xf32, #tpu.memory_space<vmem>>[vector<16xi32>, vector<16xi32>], vector<16xf32>,
        %gather3A_471 = tpu.vector_load_idx %arg10[%add3A_187, %and3A_452] : memref<256x64xf32, #tpu.memory_space<vmem>>[vector<16xi32>, vector<16xi32>], vector<16xf32>,
        %gather3A_472 = tpu.vector_load_idx %arg10[%add3A_190, %and3A_452] : memref<256x64xf32, #tpu.memory_space<vmem>>[vector<16xi32>, vector<16xi32>], vector<16xf32>,
        %gather3A_473 = tpu.vector_load_idx %arg10[%add3A_193, %and3A_452] : memref<256x64xf32, #tpu.memory_space<vmem>>[vector<16xi32>, vector<16xi32>], vector<16xf32>,
        %gather3A_474 = tpu.vector_load_idx %arg10[%add3A_196, %and3A_452] : memref<256x64xf32, #tpu.memory_space<vmem>>[vector<16xi32>, vector<16xi32>], vector<16xf32>,
        %mul3A_475 = arith.constant 8.000000e+00 : f32
        %mul3A_476 = vector.broadcast %mul3A_475 : f32 to vector<16xf32>
        %mul3A_477 = arith.mulf %gather3A_467, %mul3A_476 : vector<16xf32>
        %add3A_478 = arith.addf %mul3A_477, %gather3A_466 : vector<16xf32>
        tpu.vector_store_idx %arg12[%broadcast_in_dim3A_221, %shift_right_logical3A_454, %and3A_457, %add3A_199], %add3A_478 : memref<2x8x8x128xf32, #tpu.memory_space<vmem>>[vector<16xi32>, vector<16xi32>, vector<16xi32>, vector<16xi32>], vector<16xf32>,
        %mul3A_479 = arith.constant 8.000000e+00 : f32
        %mul3A_480 = vector.broadcast %mul3A_479 : f32 to vector<16xf32>
        %mul3A_481 = arith.mulf %gather3A_468, %mul3A_480 : vector<16xf32>
        %add3A_482 = arith.addf %mul3A_481, %gather3A_466 : vector<16xf32>
        tpu.vector_store_idx %arg12[%broadcast_in_dim3A_221, %shift_right_logical3A_454, %and3A_457, %add3A_202], %add3A_482 : memref<2x8x8x128xf32, #tpu.memory_space<vmem>>[vector<16xi32>, vector<16xi32>, vector<16xi32>, vector<16xi32>], vector<16xf32>,
        %mul3A_483 = arith.constant 8.000000e+00 : f32
        %mul3A_484 = vector.broadcast %mul3A_483 : f32 to vector<16xf32>
        %mul3A_485 = arith.mulf %gather3A_469, %mul3A_484 : vector<16xf32>
        %add3A_486 = arith.addf %mul3A_485, %gather3A_466 : vector<16xf32>
        tpu.vector_store_idx %arg12[%broadcast_in_dim3A_221, %shift_right_logical3A_454, %and3A_457, %add3A_205], %add3A_486 : memref<2x8x8x128xf32, #tpu.memory_space<vmem>>[vector<16xi32>, vector<16xi32>, vector<16xi32>, vector<16xi32>], vector<16xf32>,
        %mul3A_487 = arith.constant 8.000000e+00 : f32
        %mul3A_488 = vector.broadcast %mul3A_487 : f32 to vector<16xf32>
        %mul3A_489 = arith.mulf %gather3A_470, %mul3A_488 : vector<16xf32>
        %add3A_490 = arith.addf %mul3A_489, %gather3A_466 : vector<16xf32>
        tpu.vector_store_idx %arg12[%broadcast_in_dim3A_221, %shift_right_logical3A_454, %and3A_457, %add3A_208], %add3A_490 : memref<2x8x8x128xf32, #tpu.memory_space<vmem>>[vector<16xi32>, vector<16xi32>, vector<16xi32>, vector<16xi32>], vector<16xf32>,
        %mul3A_491 = arith.constant 8.000000e+00 : f32
        %mul3A_492 = vector.broadcast %mul3A_491 : f32 to vector<16xf32>
        %mul3A_493 = arith.mulf %gather3A_471, %mul3A_492 : vector<16xf32>
        %add3A_494 = arith.addf %mul3A_493, %gather3A_466 : vector<16xf32>
        tpu.vector_store_idx %arg12[%broadcast_in_dim3A_221, %shift_right_logical3A_454, %and3A_457, %add3A_211], %add3A_494 : memref<2x8x8x128xf32, #tpu.memory_space<vmem>>[vector<16xi32>, vector<16xi32>, vector<16xi32>, vector<16xi32>], vector<16xf32>,
        %mul3A_495 = arith.constant 8.000000e+00 : f32
        %mul3A_496 = vector.broadcast %mul3A_495 : f32 to vector<16xf32>
        %mul3A_497 = arith.mulf %gather3A_472, %mul3A_496 : vector<16xf32>
        %add3A_498 = arith.addf %mul3A_497, %gather3A_466 : vector<16xf32>
        tpu.vector_store_idx %arg12[%broadcast_in_dim3A_221, %shift_right_logical3A_454, %and3A_457, %add3A_214], %add3A_498 : memref<2x8x8x128xf32, #tpu.memory_space<vmem>>[vector<16xi32>, vector<16xi32>, vector<16xi32>, vector<16xi32>], vector<16xf32>,
        %mul3A_499 = arith.constant 8.000000e+00 : f32
        %mul3A_500 = vector.broadcast %mul3A_499 : f32 to vector<16xf32>
        %mul3A_501 = arith.mulf %gather3A_473, %mul3A_500 : vector<16xf32>
        %add3A_502 = arith.addf %mul3A_501, %gather3A_466 : vector<16xf32>
        tpu.vector_store_idx %arg12[%broadcast_in_dim3A_221, %shift_right_logical3A_454, %and3A_457, %add3A_217], %add3A_502 : memref<2x8x8x128xf32, #tpu.memory_space<vmem>>[vector<16xi32>, vector<16xi32>, vector<16xi32>, vector<16xi32>], vector<16xf32>,
        %mul3A_503 = arith.constant 8.000000e+00 : f32
        %mul3A_504 = vector.broadcast %mul3A_503 : f32 to vector<16xf32>
        %mul3A_505 = arith.mulf %gather3A_474, %mul3A_504 : vector<16xf32>
        %add3A_506 = arith.addf %mul3A_505, %gather3A_466 : vector<16xf32>
        tpu.vector_store_idx %arg12[%broadcast_in_dim3A_221, %shift_right_logical3A_454, %and3A_457, %add3A_220], %add3A_506 : memref<2x8x8x128xf32, #tpu.memory_space<vmem>>[vector<16xi32>, vector<16xi32>, vector<16xi32>, vector<16xi32>], vector<16xf32>,
        %scan3A_507 = arith.constant 1 : i32
        %scan3A_508 = arith.addi %scan3A_444, %scan3A_507 : i32
        %mul3A_509 = arith.constant 1 : i32
        %mul3A_510 = arith.muli %scan3A_508, %mul3A_509 : i32
        %add3A_511 = arith.constant 0 : i32
        %add3A_512 = arith.addi %add3A_511, %mul3A_510 : i32
        %add3A_513 = vector.broadcast %add3A_512 : i32 to vector<16xi32>
        %add3A_514 = arith.addi %iota3A, %add3A_513 : vector<16xi32>
        %and3A_515 = arith.constant 63 : i32
        %and3A_516 = vector.broadcast %and3A_515 : i32 to vector<16xi32>
        %and3A_517 = arith.andi %add3A_514, %and3A_516 : vector<16xi32>
        %shift_right_logical3A_518 = arith.constant 3 : i32
        %shift_right_logical3A_519 = vector.broadcast %shift_right_logical3A_518 : i32 to vector<16xi32>
        %shift_right_logical3A_520 = arith.shrui %and3A_517, %shift_right_logical3A_519 : vector<16xi32>
        %and3A_521 = arith.constant 7 : i32
        %and3A_522 = vector.broadcast %and3A_521 : i32 to vector<16xi32>
        %and3A_523 = arith.andi %and3A_517, %and3A_522 : vector<16xi32>
        %mul3A_524 = arith.constant 2 : i32
        %mul3A_525 = arith.muli %add3A_150, %mul3A_524 : i32
        %add3A_526 = arith.constant 0 : i32
        %add3A_527 = arith.addi %mul3A_525, %add3A_526 : i32
        %mul3A_528 = arith.constant 64 : i32
        %mul3A_529 = arith.muli %add3A_527, %mul3A_528 : i32
        %add3A_530 = vector.broadcast %mul3A_529 : i32 to vector<16xi32>
        %add3A_531 = arith.addi %and3A_517, %add3A_530 : vector<16xi32>
        %gather3A_532 = tpu.vector_load_idx %arg9[%add3A_531] : memref<12800xf32, #tpu.memory_space<vmem>>[vector<16xi32>], vector<16xf32>,
        %gather3A_533 = tpu.vector_load_idx %arg10[%add3A_175, %and3A_517] : memref<256x64xf32, #tpu.memory_space<vmem>>[vector<16xi32>, vector<16xi32>], vector<16xf32>,
        %gather3A_534 = tpu.vector_load_idx %arg10[%add3A_178, %and3A_517] : memref<256x64xf32, #tpu.memory_space<vmem>>[vector<16xi32>, vector<16xi32>], vector<16xf32>,
        %gather3A_535 = tpu.vector_load_idx %arg10[%add3A_181, %and3A_517] : memref<256x64xf32, #tpu.memory_space<vmem>>[vector<16xi32>, vector<16xi32>], vector<16xf32>,
        %gather3A_536 = tpu.vector_load_idx %arg10[%add3A_184, %and3A_517] : memref<256x64xf32, #tpu.memory_space<vmem>>[vector<16xi32>, vector<16xi32>], vector<16xf32>,
        %gather3A_537 = tpu.vector_load_idx %arg10[%add3A_187, %and3A_517] : memref<256x64xf32, #tpu.memory_space<vmem>>[vector<16xi32>, vector<16xi32>], vector<16xf32>,
        %gather3A_538 = tpu.vector_load_idx %arg10[%add3A_190, %and3A_517] : memref<256x64xf32, #tpu.memory_space<vmem>>[vector<16xi32>, vector<16xi32>], vector<16xf32>,
        %gather3A_539 = tpu.vector_load_idx %arg10[%add3A_193, %and3A_517] : memref<256x64xf32, #tpu.memory_space<vmem>>[vector<16xi32>, vector<16xi32>], vector<16xf32>,
        %gather3A_540 = tpu.vector_load_idx %arg10[%add3A_196, %and3A_517] : memref<256x64xf32, #tpu.memory_space<vmem>>[vector<16xi32>, vector<16xi32>], vector<16xf32>,
        %mul3A_541 = arith.constant 8.000000e+00 : f32
        %mul3A_542 = vector.broadcast %mul3A_541 : f32 to vector<16xf32>
        %mul3A_543 = arith.mulf %gather3A_533, %mul3A_542 : vector<16xf32>
        %add3A_544 = arith.addf %mul3A_543, %gather3A_532 : vector<16xf32>
        tpu.vector_store_idx %arg12[%broadcast_in_dim3A_221, %shift_right_logical3A_520, %and3A_523, %add3A_199], %add3A_544 : memref<2x8x8x128xf32, #tpu.memory_space<vmem>>[vector<16xi32>, vector<16xi32>, vector<16xi32>, vector<16xi32>], vector<16xf32>,
        %mul3A_545 = arith.constant 8.000000e+00 : f32
        %mul3A_546 = vector.broadcast %mul3A_545 : f32 to vector<16xf32>
        %mul3A_547 = arith.mulf %gather3A_534, %mul3A_546 : vector<16xf32>
        %add3A_548 = arith.addf %mul3A_547, %gather3A_532 : vector<16xf32>
        tpu.vector_store_idx %arg12[%broadcast_in_dim3A_221, %shift_right_logical3A_520, %and3A_523, %add3A_202], %add3A_548 : memref<2x8x8x128xf32, #tpu.memory_space<vmem>>[vector<16xi32>, vector<16xi32>, vector<16xi32>, vector<16xi32>], vector<16xf32>,
        %mul3A_549 = arith.constant 8.000000e+00 : f32
        %mul3A_550 = vector.broadcast %mul3A_549 : f32 to vector<16xf32>
        %mul3A_551 = arith.mulf %gather3A_535, %mul3A_550 : vector<16xf32>
        %add3A_552 = arith.addf %mul3A_551, %gather3A_532 : vector<16xf32>
        tpu.vector_store_idx %arg12[%broadcast_in_dim3A_221, %shift_right_logical3A_520, %and3A_523, %add3A_205], %add3A_552 : memref<2x8x8x128xf32, #tpu.memory_space<vmem>>[vector<16xi32>, vector<16xi32>, vector<16xi32>, vector<16xi32>], vector<16xf32>,
        %mul3A_553 = arith.constant 8.000000e+00 : f32
        %mul3A_554 = vector.broadcast %mul3A_553 : f32 to vector<16xf32>
        %mul3A_555 = arith.mulf %gather3A_536, %mul3A_554 : vector<16xf32>
        %add3A_556 = arith.addf %mul3A_555, %gather3A_532 : vector<16xf32>
        tpu.vector_store_idx %arg12[%broadcast_in_dim3A_221, %shift_right_logical3A_520, %and3A_523, %add3A_208], %add3A_556 : memref<2x8x8x128xf32, #tpu.memory_space<vmem>>[vector<16xi32>, vector<16xi32>, vector<16xi32>, vector<16xi32>], vector<16xf32>,
        %mul3A_557 = arith.constant 8.000000e+00 : f32
        %mul3A_558 = vector.broadcast %mul3A_557 : f32 to vector<16xf32>
        %mul3A_559 = arith.mulf %gather3A_537, %mul3A_558 : vector<16xf32>
        %add3A_560 = arith.addf %mul3A_559, %gather3A_532 : vector<16xf32>
        tpu.vector_store_idx %arg12[%broadcast_in_dim3A_221, %shift_right_logical3A_520, %and3A_523, %add3A_211], %add3A_560 : memref<2x8x8x128xf32, #tpu.memory_space<vmem>>[vector<16xi32>, vector<16xi32>, vector<16xi32>, vector<16xi32>], vector<16xf32>,
        %mul3A_561 = arith.constant 8.000000e+00 : f32
        %mul3A_562 = vector.broadcast %mul3A_561 : f32 to vector<16xf32>
        %mul3A_563 = arith.mulf %gather3A_538, %mul3A_562 : vector<16xf32>
        %add3A_564 = arith.addf %mul3A_563, %gather3A_532 : vector<16xf32>
        tpu.vector_store_idx %arg12[%broadcast_in_dim3A_221, %shift_right_logical3A_520, %and3A_523, %add3A_214], %add3A_564 : memref<2x8x8x128xf32, #tpu.memory_space<vmem>>[vector<16xi32>, vector<16xi32>, vector<16xi32>, vector<16xi32>], vector<16xf32>,
        %mul3A_565 = arith.constant 8.000000e+00 : f32
        %mul3A_566 = vector.broadcast %mul3A_565 : f32 to vector<16xf32>
        %mul3A_567 = arith.mulf %gather3A_539, %mul3A_566 : vector<16xf32>
        %add3A_568 = arith.addf %mul3A_567, %gather3A_532 : vector<16xf32>
        tpu.vector_store_idx %arg12[%broadcast_in_dim3A_221, %shift_right_logical3A_520, %and3A_523, %add3A_217], %add3A_568 : memref<2x8x8x128xf32, #tpu.memory_space<vmem>>[vector<16xi32>, vector<16xi32>, vector<16xi32>, vector<16xi32>], vector<16xf32>,
        %mul3A_569 = arith.constant 8.000000e+00 : f32
        %mul3A_570 = vector.broadcast %mul3A_569 : f32 to vector<16xf32>
        %mul3A_571 = arith.mulf %gather3A_540, %mul3A_570 : vector<16xf32>
        %add3A_572 = arith.addf %mul3A_571, %gather3A_532 : vector<16xf32>
        tpu.vector_store_idx %arg12[%broadcast_in_dim3A_221, %shift_right_logical3A_520, %and3A_523, %add3A_220], %add3A_572 : memref<2x8x8x128xf32, #tpu.memory_space<vmem>>[vector<16xi32>, vector<16xi32>, vector<16xi32>, vector<16xi32>], vector<16xf32>,
      }
      %scan3A_226 = arith.constant 64 : i32
      %add3A_227 = arith.constant 128 : i32
      %add3A_228 = vector.broadcast %add3A_227 : i32 to vector<16xi32>
      %add3A_229 = arith.addi %iota3A, %add3A_228 : vector<16xi32>
      %add3A_230 = arith.constant 144 : i32
      %add3A_231 = vector.broadcast %add3A_230 : i32 to vector<16xi32>
      %add3A_232 = arith.addi %iota3A, %add3A_231 : vector<16xi32>
      %add3A_233 = arith.constant 160 : i32
      %add3A_234 = vector.broadcast %add3A_233 : i32 to vector<16xi32>
      %add3A_235 = arith.addi %iota3A, %add3A_234 : vector<16xi32>
      %add3A_236 = arith.constant 176 : i32
      %add3A_237 = vector.broadcast %add3A_236 : i32 to vector<16xi32>
      %add3A_238 = arith.addi %iota3A, %add3A_237 : vector<16xi32>
      %add3A_239 = arith.constant 192 : i32
      %add3A_240 = vector.broadcast %add3A_239 : i32 to vector<16xi32>
      %add3A_241 = arith.addi %iota3A, %add3A_240 : vector<16xi32>
      %add3A_242 = arith.constant 208 : i32
      %add3A_243 = vector.broadcast %add3A_242 : i32 to vector<16xi32>
      %add3A_244 = arith.addi %iota3A, %add3A_243 : vector<16xi32>
      %add3A_245 = arith.constant 224 : i32
      %add3A_246 = vector.broadcast %add3A_245 : i32 to vector<16xi32>
      %add3A_247 = arith.addi %iota3A, %add3A_246 : vector<16xi32>
      %add3A_248 = arith.constant 240 : i32
      %add3A_249 = vector.broadcast %add3A_248 : i32 to vector<16xi32>
      %add3A_250 = arith.addi %iota3A, %add3A_249 : vector<16xi32>
      %add3A_251 = arith.constant 0 : i32
      %add3A_252 = vector.broadcast %add3A_251 : i32 to vector<16xi32>
      %add3A_253 = arith.addi %iota3A, %add3A_252 : vector<16xi32>
      %add3A_254 = arith.constant 16 : i32
      %add3A_255 = vector.broadcast %add3A_254 : i32 to vector<16xi32>
      %add3A_256 = arith.addi %iota3A, %add3A_255 : vector<16xi32>
      %add3A_257 = arith.constant 32 : i32
      %add3A_258 = vector.broadcast %add3A_257 : i32 to vector<16xi32>
      %add3A_259 = arith.addi %iota3A, %add3A_258 : vector<16xi32>
      %add3A_260 = arith.constant 48 : i32
      %add3A_261 = vector.broadcast %add3A_260 : i32 to vector<16xi32>
      %add3A_262 = arith.addi %iota3A, %add3A_261 : vector<16xi32>
      %add3A_263 = arith.constant 64 : i32
      %add3A_264 = vector.broadcast %add3A_263 : i32 to vector<16xi32>
      %add3A_265 = arith.addi %iota3A, %add3A_264 : vector<16xi32>
      %add3A_266 = arith.constant 80 : i32
      %add3A_267 = vector.broadcast %add3A_266 : i32 to vector<16xi32>
      %add3A_268 = arith.addi %iota3A, %add3A_267 : vector<16xi32>
      %add3A_269 = arith.constant 96 : i32
      %add3A_270 = vector.broadcast %add3A_269 : i32 to vector<16xi32>
      %add3A_271 = arith.addi %iota3A, %add3A_270 : vector<16xi32>
      %add3A_272 = arith.constant 112 : i32
      %add3A_273 = vector.broadcast %add3A_272 : i32 to vector<16xi32>
      %add3A_274 = arith.addi %iota3A, %add3A_273 : vector<16xi32>
      %broadcast_in_dim3A_275 = arith.constant 1 : i32
      %broadcast_in_dim3A_276 = vector.broadcast %broadcast_in_dim3A_275 : i32 to vector<16xi32>
      %scan3A_277 = arith.constant 0 : i32
      %scan3A_278 = arith.constant 64 : i32
      %scan3A_279 = arith.addi %scan3A_277, %scan3A_278 : i32
      %scan3A_280 = arith.constant 2 : i32
      scf.for %scan3A_444 = %scan3A_277 to %scan3A_279 step %scan3A_280  : i32 {
        %mul3A_445 = arith.constant 1 : i32
        %mul3A_446 = arith.muli %scan3A_444, %mul3A_445 : i32
        %add3A_447 = arith.constant 0 : i32
        %add3A_448 = arith.addi %add3A_447, %mul3A_446 : i32
        %add3A_449 = vector.broadcast %add3A_448 : i32 to vector<16xi32>
        %add3A_450 = arith.addi %iota3A, %add3A_449 : vector<16xi32>
        %and3A = arith.constant 63 : i32
        %and3A_451 = vector.broadcast %and3A : i32 to vector<16xi32>
        %and3A_452 = arith.andi %add3A_450, %and3A_451 : vector<16xi32>
        %shift_right_logical3A = arith.constant 3 : i32
        %shift_right_logical3A_453 = vector.broadcast %shift_right_logical3A : i32 to vector<16xi32>
        %shift_right_logical3A_454 = arith.shrui %and3A_452, %shift_right_logical3A_453 : vector<16xi32>
        %and3A_455 = arith.constant 7 : i32
        %and3A_456 = vector.broadcast %and3A_455 : i32 to vector<16xi32>
        %and3A_457 = arith.andi %and3A_452, %and3A_456 : vector<16xi32>
        %mul3A_458 = arith.constant 2 : i32
        %mul3A_459 = arith.muli %add3A_150, %mul3A_458 : i32
        %add3A_460 = arith.constant 1 : i32
        %add3A_461 = arith.addi %mul3A_459, %add3A_460 : i32
        %mul3A_462 = arith.constant 64 : i32
        %mul3A_463 = arith.muli %add3A_461, %mul3A_462 : i32
        %add3A_464 = vector.broadcast %mul3A_463 : i32 to vector<16xi32>
        %add3A_465 = arith.addi %and3A_452, %add3A_464 : vector<16xi32>
        %gather3A_466 = tpu.vector_load_idx %arg9[%add3A_465] : memref<12800xf32, #tpu.memory_space<vmem>>[vector<16xi32>], vector<16xf32>,
        %gather3A_467 = tpu.vector_load_idx %arg10[%add3A_229, %and3A_452] : memref<256x64xf32, #tpu.memory_space<vmem>>[vector<16xi32>, vector<16xi32>], vector<16xf32>,
        %gather3A_468 = tpu.vector_load_idx %arg10[%add3A_232, %and3A_452] : memref<256x64xf32, #tpu.memory_space<vmem>>[vector<16xi32>, vector<16xi32>], vector<16xf32>,
        %gather3A_469 = tpu.vector_load_idx %arg10[%add3A_235, %and3A_452] : memref<256x64xf32, #tpu.memory_space<vmem>>[vector<16xi32>, vector<16xi32>], vector<16xf32>,
        %gather3A_470 = tpu.vector_load_idx %arg10[%add3A_238, %and3A_452] : memref<256x64xf32, #tpu.memory_space<vmem>>[vector<16xi32>, vector<16xi32>], vector<16xf32>,
        %gather3A_471 = tpu.vector_load_idx %arg10[%add3A_241, %and3A_452] : memref<256x64xf32, #tpu.memory_space<vmem>>[vector<16xi32>, vector<16xi32>], vector<16xf32>,
        %gather3A_472 = tpu.vector_load_idx %arg10[%add3A_244, %and3A_452] : memref<256x64xf32, #tpu.memory_space<vmem>>[vector<16xi32>, vector<16xi32>], vector<16xf32>,
        %gather3A_473 = tpu.vector_load_idx %arg10[%add3A_247, %and3A_452] : memref<256x64xf32, #tpu.memory_space<vmem>>[vector<16xi32>, vector<16xi32>], vector<16xf32>,
        %gather3A_474 = tpu.vector_load_idx %arg10[%add3A_250, %and3A_452] : memref<256x64xf32, #tpu.memory_space<vmem>>[vector<16xi32>, vector<16xi32>], vector<16xf32>,
        %mul3A_475 = arith.constant 8.000000e+00 : f32
        %mul3A_476 = vector.broadcast %mul3A_475 : f32 to vector<16xf32>
        %mul3A_477 = arith.mulf %gather3A_467, %mul3A_476 : vector<16xf32>
        %add3A_478 = arith.addf %mul3A_477, %gather3A_466 : vector<16xf32>
        tpu.vector_store_idx %arg12[%broadcast_in_dim3A_276, %shift_right_logical3A_454, %and3A_457, %add3A_253], %add3A_478 : memref<2x8x8x128xf32, #tpu.memory_space<vmem>>[vector<16xi32>, vector<16xi32>, vector<16xi32>, vector<16xi32>], vector<16xf32>,
        %mul3A_479 = arith.constant 8.000000e+00 : f32
        %mul3A_480 = vector.broadcast %mul3A_479 : f32 to vector<16xf32>
        %mul3A_481 = arith.mulf %gather3A_468, %mul3A_480 : vector<16xf32>
        %add3A_482 = arith.addf %mul3A_481, %gather3A_466 : vector<16xf32>
        tpu.vector_store_idx %arg12[%broadcast_in_dim3A_276, %shift_right_logical3A_454, %and3A_457, %add3A_256], %add3A_482 : memref<2x8x8x128xf32, #tpu.memory_space<vmem>>[vector<16xi32>, vector<16xi32>, vector<16xi32>, vector<16xi32>], vector<16xf32>,
        %mul3A_483 = arith.constant 8.000000e+00 : f32
        %mul3A_484 = vector.broadcast %mul3A_483 : f32 to vector<16xf32>
        %mul3A_485 = arith.mulf %gather3A_469, %mul3A_484 : vector<16xf32>
        %add3A_486 = arith.addf %mul3A_485, %gather3A_466 : vector<16xf32>
        tpu.vector_store_idx %arg12[%broadcast_in_dim3A_276, %shift_right_logical3A_454, %and3A_457, %add3A_259], %add3A_486 : memref<2x8x8x128xf32, #tpu.memory_space<vmem>>[vector<16xi32>, vector<16xi32>, vector<16xi32>, vector<16xi32>], vector<16xf32>,
        %mul3A_487 = arith.constant 8.000000e+00 : f32
        %mul3A_488 = vector.broadcast %mul3A_487 : f32 to vector<16xf32>
        %mul3A_489 = arith.mulf %gather3A_470, %mul3A_488 : vector<16xf32>
        %add3A_490 = arith.addf %mul3A_489, %gather3A_466 : vector<16xf32>
        tpu.vector_store_idx %arg12[%broadcast_in_dim3A_276, %shift_right_logical3A_454, %and3A_457, %add3A_262], %add3A_490 : memref<2x8x8x128xf32, #tpu.memory_space<vmem>>[vector<16xi32>, vector<16xi32>, vector<16xi32>, vector<16xi32>], vector<16xf32>,
        %mul3A_491 = arith.constant 8.000000e+00 : f32
        %mul3A_492 = vector.broadcast %mul3A_491 : f32 to vector<16xf32>
        %mul3A_493 = arith.mulf %gather3A_471, %mul3A_492 : vector<16xf32>
        %add3A_494 = arith.addf %mul3A_493, %gather3A_466 : vector<16xf32>
        tpu.vector_store_idx %arg12[%broadcast_in_dim3A_276, %shift_right_logical3A_454, %and3A_457, %add3A_265], %add3A_494 : memref<2x8x8x128xf32, #tpu.memory_space<vmem>>[vector<16xi32>, vector<16xi32>, vector<16xi32>, vector<16xi32>], vector<16xf32>,
        %mul3A_495 = arith.constant 8.000000e+00 : f32
        %mul3A_496 = vector.broadcast %mul3A_495 : f32 to vector<16xf32>
        %mul3A_497 = arith.mulf %gather3A_472, %mul3A_496 : vector<16xf32>
        %add3A_498 = arith.addf %mul3A_497, %gather3A_466 : vector<16xf32>
        tpu.vector_store_idx %arg12[%broadcast_in_dim3A_276, %shift_right_logical3A_454, %and3A_457, %add3A_268], %add3A_498 : memref<2x8x8x128xf32, #tpu.memory_space<vmem>>[vector<16xi32>, vector<16xi32>, vector<16xi32>, vector<16xi32>], vector<16xf32>,
        %mul3A_499 = arith.constant 8.000000e+00 : f32
        %mul3A_500 = vector.broadcast %mul3A_499 : f32 to vector<16xf32>
        %mul3A_501 = arith.mulf %gather3A_473, %mul3A_500 : vector<16xf32>
        %add3A_502 = arith.addf %mul3A_501, %gather3A_466 : vector<16xf32>
        tpu.vector_store_idx %arg12[%broadcast_in_dim3A_276, %shift_right_logical3A_454, %and3A_457, %add3A_271], %add3A_502 : memref<2x8x8x128xf32, #tpu.memory_space<vmem>>[vector<16xi32>, vector<16xi32>, vector<16xi32>, vector<16xi32>], vector<16xf32>,
        %mul3A_503 = arith.constant 8.000000e+00 : f32
        %mul3A_504 = vector.broadcast %mul3A_503 : f32 to vector<16xf32>
        %mul3A_505 = arith.mulf %gather3A_474, %mul3A_504 : vector<16xf32>
        %add3A_506 = arith.addf %mul3A_505, %gather3A_466 : vector<16xf32>
        tpu.vector_store_idx %arg12[%broadcast_in_dim3A_276, %shift_right_logical3A_454, %and3A_457, %add3A_274], %add3A_506 : memref<2x8x8x128xf32, #tpu.memory_space<vmem>>[vector<16xi32>, vector<16xi32>, vector<16xi32>, vector<16xi32>], vector<16xf32>,
        %scan3A_507 = arith.constant 1 : i32
        %scan3A_508 = arith.addi %scan3A_444, %scan3A_507 : i32
        %mul3A_509 = arith.constant 1 : i32
        %mul3A_510 = arith.muli %scan3A_508, %mul3A_509 : i32
        %add3A_511 = arith.constant 0 : i32
        %add3A_512 = arith.addi %add3A_511, %mul3A_510 : i32
        %add3A_513 = vector.broadcast %add3A_512 : i32 to vector<16xi32>
        %add3A_514 = arith.addi %iota3A, %add3A_513 : vector<16xi32>
        %and3A_515 = arith.constant 63 : i32
        %and3A_516 = vector.broadcast %and3A_515 : i32 to vector<16xi32>
        %and3A_517 = arith.andi %add3A_514, %and3A_516 : vector<16xi32>
        %shift_right_logical3A_518 = arith.constant 3 : i32
        %shift_right_logical3A_519 = vector.broadcast %shift_right_logical3A_518 : i32 to vector<16xi32>
        %shift_right_logical3A_520 = arith.shrui %and3A_517, %shift_right_logical3A_519 : vector<16xi32>
        %and3A_521 = arith.constant 7 : i32
        %and3A_522 = vector.broadcast %and3A_521 : i32 to vector<16xi32>
        %and3A_523 = arith.andi %and3A_517, %and3A_522 : vector<16xi32>
        %mul3A_524 = arith.constant 2 : i32
        %mul3A_525 = arith.muli %add3A_150, %mul3A_524 : i32
        %add3A_526 = arith.constant 1 : i32
        %add3A_527 = arith.addi %mul3A_525, %add3A_526 : i32
        %mul3A_528 = arith.constant 64 : i32
        %mul3A_529 = arith.muli %add3A_527, %mul3A_528 : i32
        %add3A_530 = vector.broadcast %mul3A_529 : i32 to vector<16xi32>
        %add3A_531 = arith.addi %and3A_517, %add3A_530 : vector<16xi32>
        %gather3A_532 = tpu.vector_load_idx %arg9[%add3A_531] : memref<12800xf32, #tpu.memory_space<vmem>>[vector<16xi32>], vector<16xf32>,
        %gather3A_533 = tpu.vector_load_idx %arg10[%add3A_229, %and3A_517] : memref<256x64xf32, #tpu.memory_space<vmem>>[vector<16xi32>, vector<16xi32>], vector<16xf32>,
        %gather3A_534 = tpu.vector_load_idx %arg10[%add3A_232, %and3A_517] : memref<256x64xf32, #tpu.memory_space<vmem>>[vector<16xi32>, vector<16xi32>], vector<16xf32>,
        %gather3A_535 = tpu.vector_load_idx %arg10[%add3A_235, %and3A_517] : memref<256x64xf32, #tpu.memory_space<vmem>>[vector<16xi32>, vector<16xi32>], vector<16xf32>,
        %gather3A_536 = tpu.vector_load_idx %arg10[%add3A_238, %and3A_517] : memref<256x64xf32, #tpu.memory_space<vmem>>[vector<16xi32>, vector<16xi32>], vector<16xf32>,
        %gather3A_537 = tpu.vector_load_idx %arg10[%add3A_241, %and3A_517] : memref<256x64xf32, #tpu.memory_space<vmem>>[vector<16xi32>, vector<16xi32>], vector<16xf32>,
        %gather3A_538 = tpu.vector_load_idx %arg10[%add3A_244, %and3A_517] : memref<256x64xf32, #tpu.memory_space<vmem>>[vector<16xi32>, vector<16xi32>], vector<16xf32>,
        %gather3A_539 = tpu.vector_load_idx %arg10[%add3A_247, %and3A_517] : memref<256x64xf32, #tpu.memory_space<vmem>>[vector<16xi32>, vector<16xi32>], vector<16xf32>,
        %gather3A_540 = tpu.vector_load_idx %arg10[%add3A_250, %and3A_517] : memref<256x64xf32, #tpu.memory_space<vmem>>[vector<16xi32>, vector<16xi32>], vector<16xf32>,
        %mul3A_541 = arith.constant 8.000000e+00 : f32
        %mul3A_542 = vector.broadcast %mul3A_541 : f32 to vector<16xf32>
        %mul3A_543 = arith.mulf %gather3A_533, %mul3A_542 : vector<16xf32>
        %add3A_544 = arith.addf %mul3A_543, %gather3A_532 : vector<16xf32>
        tpu.vector_store_idx %arg12[%broadcast_in_dim3A_276, %shift_right_logical3A_520, %and3A_523, %add3A_253], %add3A_544 : memref<2x8x8x128xf32, #tpu.memory_space<vmem>>[vector<16xi32>, vector<16xi32>, vector<16xi32>, vector<16xi32>], vector<16xf32>,
        %mul3A_545 = arith.constant 8.000000e+00 : f32
        %mul3A_546 = vector.broadcast %mul3A_545 : f32 to vector<16xf32>
        %mul3A_547 = arith.mulf %gather3A_534, %mul3A_546 : vector<16xf32>
        %add3A_548 = arith.addf %mul3A_547, %gather3A_532 : vector<16xf32>
        tpu.vector_store_idx %arg12[%broadcast_in_dim3A_276, %shift_right_logical3A_520, %and3A_523, %add3A_256], %add3A_548 : memref<2x8x8x128xf32, #tpu.memory_space<vmem>>[vector<16xi32>, vector<16xi32>, vector<16xi32>, vector<16xi32>], vector<16xf32>,
        %mul3A_549 = arith.constant 8.000000e+00 : f32
        %mul3A_550 = vector.broadcast %mul3A_549 : f32 to vector<16xf32>
        %mul3A_551 = arith.mulf %gather3A_535, %mul3A_550 : vector<16xf32>
        %add3A_552 = arith.addf %mul3A_551, %gather3A_532 : vector<16xf32>
        tpu.vector_store_idx %arg12[%broadcast_in_dim3A_276, %shift_right_logical3A_520, %and3A_523, %add3A_259], %add3A_552 : memref<2x8x8x128xf32, #tpu.memory_space<vmem>>[vector<16xi32>, vector<16xi32>, vector<16xi32>, vector<16xi32>], vector<16xf32>,
        %mul3A_553 = arith.constant 8.000000e+00 : f32
        %mul3A_554 = vector.broadcast %mul3A_553 : f32 to vector<16xf32>
        %mul3A_555 = arith.mulf %gather3A_536, %mul3A_554 : vector<16xf32>
        %add3A_556 = arith.addf %mul3A_555, %gather3A_532 : vector<16xf32>
        tpu.vector_store_idx %arg12[%broadcast_in_dim3A_276, %shift_right_logical3A_520, %and3A_523, %add3A_262], %add3A_556 : memref<2x8x8x128xf32, #tpu.memory_space<vmem>>[vector<16xi32>, vector<16xi32>, vector<16xi32>, vector<16xi32>], vector<16xf32>,
        %mul3A_557 = arith.constant 8.000000e+00 : f32
        %mul3A_558 = vector.broadcast %mul3A_557 : f32 to vector<16xf32>
        %mul3A_559 = arith.mulf %gather3A_537, %mul3A_558 : vector<16xf32>
        %add3A_560 = arith.addf %mul3A_559, %gather3A_532 : vector<16xf32>
        tpu.vector_store_idx %arg12[%broadcast_in_dim3A_276, %shift_right_logical3A_520, %and3A_523, %add3A_265], %add3A_560 : memref<2x8x8x128xf32, #tpu.memory_space<vmem>>[vector<16xi32>, vector<16xi32>, vector<16xi32>, vector<16xi32>], vector<16xf32>,
        %mul3A_561 = arith.constant 8.000000e+00 : f32
        %mul3A_562 = vector.broadcast %mul3A_561 : f32 to vector<16xf32>
        %mul3A_563 = arith.mulf %gather3A_538, %mul3A_562 : vector<16xf32>
        %add3A_564 = arith.addf %mul3A_563, %gather3A_532 : vector<16xf32>
        tpu.vector_store_idx %arg12[%broadcast_in_dim3A_276, %shift_right_logical3A_520, %and3A_523, %add3A_268], %add3A_564 : memref<2x8x8x128xf32, #tpu.memory_space<vmem>>[vector<16xi32>, vector<16xi32>, vector<16xi32>, vector<16xi32>], vector<16xf32>,
        %mul3A_565 = arith.constant 8.000000e+00 : f32
        %mul3A_566 = vector.broadcast %mul3A_565 : f32 to vector<16xf32>
        %mul3A_567 = arith.mulf %gather3A_539, %mul3A_566 : vector<16xf32>
        %add3A_568 = arith.addf %mul3A_567, %gather3A_532 : vector<16xf32>
        tpu.vector_store_idx %arg12[%broadcast_in_dim3A_276, %shift_right_logical3A_520, %and3A_523, %add3A_271], %add3A_568 : memref<2x8x8x128xf32, #tpu.memory_space<vmem>>[vector<16xi32>, vector<16xi32>, vector<16xi32>, vector<16xi32>], vector<16xf32>,
        %mul3A_569 = arith.constant 8.000000e+00 : f32
        %mul3A_570 = vector.broadcast %mul3A_569 : f32 to vector<16xf32>
        %mul3A_571 = arith.mulf %gather3A_540, %mul3A_570 : vector<16xf32>
        %add3A_572 = arith.addf %mul3A_571, %gather3A_532 : vector<16xf32>
        tpu.vector_store_idx %arg12[%broadcast_in_dim3A_276, %shift_right_logical3A_520, %and3A_523, %add3A_274], %add3A_572 : memref<2x8x8x128xf32, #tpu.memory_space<vmem>>[vector<16xi32>, vector<16xi32>, vector<16xi32>, vector<16xi32>], vector<16xf32>,
      }
      %scan3A_281 = arith.constant 64 : i32
      %mul3A_282 = arith.constant 2 : i32
      %mul3A_283 = arith.muli %add3A_150, %mul3A_282 : i32
      %dma_start3A_284 = arith.constant 0 : i32
      %dma_start3A_285 = arith.constant 0 : i32
      %dma_start3A_286 = arith.constant 0 : i32
      %dma_start3A_287 = tpu.memref_slice %arg5[%mul3A_283, %dma_start3A_284, %add3A, %dma_start3A_285, %dma_start3A_286] : memref<200x8x32x8x128xf32, #tpu.memory_space<hbm>> -> memref<2x8x1x8x128xf32, #tpu.memory_space<hbm>>
      %dma_start3A_288 = tpu.memref_squeeze %dma_start3A_287 : memref<2x8x1x8x128xf32, #tpu.memory_space<hbm>> -> memref<2x8x8x128xf32, #tpu.memory_space<hbm>>
      %dma_start3A_289 = arith.constant 0 : i32
      %dma_start3A_290 = arith.constant 0 : i32
      %dma_start3A_291 = arith.constant 0 : i32
      %dma_start3A_292 = tpu.memref_slice %arg5[%mul3A_283, %dma_start3A_289, %add3A, %dma_start3A_290, %dma_start3A_291] : memref<200x8x32x8x128xf32, #tpu.memory_space<hbm>> -> memref<2x8x1x8x128xf32, #tpu.memory_space<hbm>>
      %dma_start3A_293 = tpu.memref_squeeze %dma_start3A_292 : memref<2x8x1x8x128xf32, #tpu.memory_space<hbm>> -> memref<2x8x8x128xf32, #tpu.memory_space<hbm>>
      tpu.enqueue_dma source(%arg12 : memref<2x8x8x128xf32, #tpu.memory_space<vmem>>) target(%dma_start3A_293 : memref<2x8x8x128xf32, #tpu.memory_space<hbm>>) target_semaphore(%arg16 : memref<!tpu.dma_semaphore, #tpu.memory_space<semaphore_mem>>)
      %add3A_294 = arith.constant 1 : i32
      %add3A_295 = arith.addi %add3A_148, %add3A_294 : i32
      %dma_wait3A_296 = arith.constant 0 : i32
      %dma_wait3A_297 = arith.constant 0 : i32
      %dma_wait3A_298 = tpu.memref_slice %arg11[%dma_wait3A_296, %dma_wait3A_297] : memref<256x64xf32, #tpu.memory_space<vmem>> -> memref<128x64xf32, #tpu.memory_space<vmem>>
      %dma_wait3A_299 = arith.constant 0 : i32
      %dma_wait3A_300 = tpu.memref_slice %arg8[%dma_wait3A_299] : memref<256xi32, #tpu.memory_space<vmem>> -> memref<128xi32, #tpu.memory_space<vmem>>
      %dma_wait3A_301 = arith.constant 0 : i32
      %dma_wait3A_302 = arith.constant 0 : i32
      %dma_wait3A_303 = tpu.memref_slice %arg4[%dma_wait3A_301, %dma_wait3A_302] : memref<1000000x64xf32, #tpu.memory_space<hbm>> -> memref<1000000x64xf32, #tpu.memory_space<hbm>>
      tpu.wait_indirect_dma semaphore(%arg15 : memref<!tpu.dma_semaphore, #tpu.memory_space<semaphore_mem>>) src(%dma_wait3A_303 : memref<1000000x64xf32, #tpu.memory_space<hbm>>) dst(%dma_wait3A_298 : memref<128x64xf32, #tpu.memory_space<vmem>>)
      %dma_wait3A_304 = arith.constant 128 : i32
      %dma_wait3A_305 = arith.constant 0 : i32
      %dma_wait3A_306 = tpu.memref_slice %arg11[%dma_wait3A_304, %dma_wait3A_305] : memref<256x64xf32, #tpu.memory_space<vmem>> -> memref<128x64xf32, #tpu.memory_space<vmem>>
      %dma_wait3A_307 = arith.constant 128 : i32
      %dma_wait3A_308 = tpu.memref_slice %arg8[%dma_wait3A_307] : memref<256xi32, #tpu.memory_space<vmem>> -> memref<128xi32, #tpu.memory_space<vmem>>
      %dma_wait3A_309 = arith.constant 0 : i32
      %dma_wait3A_310 = arith.constant 0 : i32
      %dma_wait3A_311 = tpu.memref_slice %arg4[%dma_wait3A_309, %dma_wait3A_310] : memref<1000000x64xf32, #tpu.memory_space<hbm>> -> memref<1000000x64xf32, #tpu.memory_space<hbm>>
      tpu.wait_indirect_dma semaphore(%arg15 : memref<!tpu.dma_semaphore, #tpu.memory_space<semaphore_mem>>) src(%dma_wait3A_311 : memref<1000000x64xf32, #tpu.memory_space<hbm>>) dst(%dma_wait3A_306 : memref<128x64xf32, #tpu.memory_space<vmem>>)
      %lt3A_312 = arith.constant 99 : i32
      %lt3A_313 = arith.cmpi slt, %add3A_295, %lt3A_312 : i32
      %convert_element_type3A_314 = arith.extui %lt3A_313 : i1 to i32
      %cond3A_315 = arith.constant 0 : i32
      %cond3A_316 = arith.cmpi ne, %convert_element_type3A_314, %cond3A_315 : i32
      scf.if %cond3A_316 {
        %add3A_444 = arith.constant 1 : i32
        %add3A_445 = arith.addi %add3A_295, %add3A_444 : i32
        %mul3A_446 = arith.constant 2 : i32
        %mul3A_447 = arith.muli %add3A_445, %mul3A_446 : i32
        %add3A_448 = arith.constant 0 : i32
        %add3A_449 = arith.addi %add3A_448, %mul3A_447 : i32
        %add3A_450 = arith.constant 0 : i32
        %add3A_451 = arith.addi %add3A_449, %add3A_450 : i32
        %add3A_452 = vector.broadcast %add3A_451 : i32 to vector<16xi32>
        %add3A_453 = arith.addi %mul3A_7, %add3A_452 : vector<16xi32>
        %gather3A_454 = tpu.vector_load_idx %arg6[%add3A_453] : memref<25600xi32, #tpu.memory_space<vmem>>[vector<16xi32>], vector<16xi32>,
        %swap3A_455 = arith.constant 0 : index
        %swap3A_456 = tpu.vector_load %arg7[%swap3A_455] {strides = array<i32>} : memref<256xi32, #tpu.memory_space<vmem>>, vector<16xi32>,
        tpu.vector_store %arg7[%swap3A_455], %gather3A_454 {strides = array<i32>} : memref<256xi32, #tpu.memory_space<vmem>>, vector<16xi32>,
        %mul3A_457 = arith.constant 2 : i32
        %mul3A_458 = arith.muli %add3A_445, %mul3A_457 : i32
        %add3A_459 = arith.constant 3200 : i32
        %add3A_460 = arith.addi %add3A_459, %mul3A_458 : i32
        %add3A_461 = arith.constant 0 : i32
        %add3A_462 = arith.addi %add3A_460, %add3A_461 : i32
        %add3A_463 = vector.broadcast %add3A_462 : i32 to vector<16xi32>
        %add3A_464 = arith.addi %mul3A_7, %add3A_463 : vector<16xi32>
        %gather3A_465 = tpu.vector_load_idx %arg6[%add3A_464] : memref<25600xi32, #tpu.memory_space<vmem>>[vector<16xi32>], vector<16xi32>,
        %swap3A_466 = arith.constant 16 : index
        %swap3A_467 = tpu.vector_load %arg7[%swap3A_466] {strides = array<i32>} : memref<256xi32, #tpu.memory_space<vmem>>, vector<16xi32>,
        tpu.vector_store %arg7[%swap3A_466], %gather3A_465 {strides = array<i32>} : memref<256xi32, #tpu.memory_space<vmem>>, vector<16xi32>,
        %mul3A_468 = arith.constant 2 : i32
        %mul3A_469 = arith.muli %add3A_445, %mul3A_468 : i32
        %add3A_470 = arith.constant 6400 : i32
        %add3A_471 = arith.addi %add3A_470, %mul3A_469 : i32
        %add3A_472 = arith.constant 0 : i32
        %add3A_473 = arith.addi %add3A_471, %add3A_472 : i32
        %add3A_474 = vector.broadcast %add3A_473 : i32 to vector<16xi32>
        %add3A_475 = arith.addi %mul3A_7, %add3A_474 : vector<16xi32>
        %gather3A_476 = tpu.vector_load_idx %arg6[%add3A_475] : memref<25600xi32, #tpu.memory_space<vmem>>[vector<16xi32>], vector<16xi32>,
        %swap3A_477 = arith.constant 32 : index
        %swap3A_478 = tpu.vector_load %arg7[%swap3A_477] {strides = array<i32>} : memref<256xi32, #tpu.memory_space<vmem>>, vector<16xi32>,
        tpu.vector_store %arg7[%swap3A_477], %gather3A_476 {strides = array<i32>} : memref<256xi32, #tpu.memory_space<vmem>>, vector<16xi32>,
        %mul3A_479 = arith.constant 2 : i32
        %mul3A_480 = arith.muli %add3A_445, %mul3A_479 : i32
        %add3A_481 = arith.constant 9600 : i32
        %add3A_482 = arith.addi %add3A_481, %mul3A_480 : i32
        %add3A_483 = arith.constant 0 : i32
        %add3A_484 = arith.addi %add3A_482, %add3A_483 : i32
        %add3A_485 = vector.broadcast %add3A_484 : i32 to vector<16xi32>
        %add3A_486 = arith.addi %mul3A_7, %add3A_485 : vector<16xi32>
        %gather3A_487 = tpu.vector_load_idx %arg6[%add3A_486] : memref<25600xi32, #tpu.memory_space<vmem>>[vector<16xi32>], vector<16xi32>,
        %swap3A_488 = arith.constant 48 : index
        %swap3A_489 = tpu.vector_load %arg7[%swap3A_488] {strides = array<i32>} : memref<256xi32, #tpu.memory_space<vmem>>, vector<16xi32>,
        tpu.vector_store %arg7[%swap3A_488], %gather3A_487 {strides = array<i32>} : memref<256xi32, #tpu.memory_space<vmem>>, vector<16xi32>,
        %mul3A_490 = arith.constant 2 : i32
        %mul3A_491 = arith.muli %add3A_445, %mul3A_490 : i32
        %add3A_492 = arith.constant 12800 : i32
        %add3A_493 = arith.addi %add3A_492, %mul3A_491 : i32
        %add3A_494 = arith.constant 0 : i32
        %add3A_495 = arith.addi %add3A_493, %add3A_494 : i32
        %add3A_496 = vector.broadcast %add3A_495 : i32 to vector<16xi32>
        %add3A_497 = arith.addi %mul3A_7, %add3A_496 : vector<16xi32>
        %gather3A_498 = tpu.vector_load_idx %arg6[%add3A_497] : memref<25600xi32, #tpu.memory_space<vmem>>[vector<16xi32>], vector<16xi32>,
        %swap3A_499 = arith.constant 64 : index
        %swap3A_500 = tpu.vector_load %arg7[%swap3A_499] {strides = array<i32>} : memref<256xi32, #tpu.memory_space<vmem>>, vector<16xi32>,
        tpu.vector_store %arg7[%swap3A_499], %gather3A_498 {strides = array<i32>} : memref<256xi32, #tpu.memory_space<vmem>>, vector<16xi32>,
        %mul3A_501 = arith.constant 2 : i32
        %mul3A_502 = arith.muli %add3A_445, %mul3A_501 : i32
        %add3A_503 = arith.constant 16000 : i32
        %add3A_504 = arith.addi %add3A_503, %mul3A_502 : i32
        %add3A_505 = arith.constant 0 : i32
        %add3A_506 = arith.addi %add3A_504, %add3A_505 : i32
        %add3A_507 = vector.broadcast %add3A_506 : i32 to vector<16xi32>
        %add3A_508 = arith.addi %mul3A_7, %add3A_507 : vector<16xi32>
        %gather3A_509 = tpu.vector_load_idx %arg6[%add3A_508] : memref<25600xi32, #tpu.memory_space<vmem>>[vector<16xi32>], vector<16xi32>,
        %swap3A_510 = arith.constant 80 : index
        %swap3A_511 = tpu.vector_load %arg7[%swap3A_510] {strides = array<i32>} : memref<256xi32, #tpu.memory_space<vmem>>, vector<16xi32>,
        tpu.vector_store %arg7[%swap3A_510], %gather3A_509 {strides = array<i32>} : memref<256xi32, #tpu.memory_space<vmem>>, vector<16xi32>,
        %mul3A_512 = arith.constant 2 : i32
        %mul3A_513 = arith.muli %add3A_445, %mul3A_512 : i32
        %add3A_514 = arith.constant 19200 : i32
        %add3A_515 = arith.addi %add3A_514, %mul3A_513 : i32
        %add3A_516 = arith.constant 0 : i32
        %add3A_517 = arith.addi %add3A_515, %add3A_516 : i32
        %add3A_518 = vector.broadcast %add3A_517 : i32 to vector<16xi32>
        %add3A_519 = arith.addi %mul3A_7, %add3A_518 : vector<16xi32>
        %gather3A_520 = tpu.vector_load_idx %arg6[%add3A_519] : memref<25600xi32, #tpu.memory_space<vmem>>[vector<16xi32>], vector<16xi32>,
        %swap3A_521 = arith.constant 96 : index
        %swap3A_522 = tpu.vector_load %arg7[%swap3A_521] {strides = array<i32>} : memref<256xi32, #tpu.memory_space<vmem>>, vector<16xi32>,
        tpu.vector_store %arg7[%swap3A_521], %gather3A_520 {strides = array<i32>} : memref<256xi32, #tpu.memory_space<vmem>>, vector<16xi32>,
        %mul3A_523 = arith.constant 2 : i32
        %mul3A_524 = arith.muli %add3A_445, %mul3A_523 : i32
        %add3A_525 = arith.constant 22400 : i32
        %add3A_526 = arith.addi %add3A_525, %mul3A_524 : i32
        %add3A_527 = arith.constant 0 : i32
        %add3A_528 = arith.addi %add3A_526, %add3A_527 : i32
        %add3A_529 = vector.broadcast %add3A_528 : i32 to vector<16xi32>
        %add3A_530 = arith.addi %mul3A_7, %add3A_529 : vector<16xi32>
        %gather3A_531 = tpu.vector_load_idx %arg6[%add3A_530] : memref<25600xi32, #tpu.memory_space<vmem>>[vector<16xi32>], vector<16xi32>,
        %swap3A_532 = arith.constant 112 : index
        %swap3A_533 = tpu.vector_load %arg7[%swap3A_532] {strides = array<i32>} : memref<256xi32, #tpu.memory_space<vmem>>, vector<16xi32>,
        tpu.vector_store %arg7[%swap3A_532], %gather3A_531 {strides = array<i32>} : memref<256xi32, #tpu.memory_space<vmem>>, vector<16xi32>,
        %mul3A_534 = arith.constant 2 : i32
        %mul3A_535 = arith.muli %add3A_445, %mul3A_534 : i32
        %add3A_536 = arith.constant 0 : i32
        %add3A_537 = arith.addi %add3A_536, %mul3A_535 : i32
        %add3A_538 = arith.constant 1 : i32
        %add3A_539 = arith.addi %add3A_537, %add3A_538 : i32
        %add3A_540 = vector.broadcast %add3A_539 : i32 to vector<16xi32>
        %add3A_541 = arith.addi %mul3A_7, %add3A_540 : vector<16xi32>
        %gather3A_542 = tpu.vector_load_idx %arg6[%add3A_541] : memref<25600xi32, #tpu.memory_space<vmem>>[vector<16xi32>], vector<16xi32>,
        %swap3A_543 = arith.constant 128 : index
        %swap3A_544 = tpu.vector_load %arg7[%swap3A_543] {strides = array<i32>} : memref<256xi32, #tpu.memory_space<vmem>>, vector<16xi32>,
        tpu.vector_store %arg7[%swap3A_543], %gather3A_542 {strides = array<i32>} : memref<256xi32, #tpu.memory_space<vmem>>, vector<16xi32>,
        %mul3A_545 = arith.constant 2 : i32
        %mul3A_546 = arith.muli %add3A_445, %mul3A_545 : i32
        %add3A_547 = arith.constant 3200 : i32
        %add3A_548 = arith.addi %add3A_547, %mul3A_546 : i32
        %add3A_549 = arith.constant 1 : i32
        %add3A_550 = arith.addi %add3A_548, %add3A_549 : i32
        %add3A_551 = vector.broadcast %add3A_550 : i32 to vector<16xi32>
        %add3A_552 = arith.addi %mul3A_7, %add3A_551 : vector<16xi32>
        %gather3A_553 = tpu.vector_load_idx %arg6[%add3A_552] : memref<25600xi32, #tpu.memory_space<vmem>>[vector<16xi32>], vector<16xi32>,
        %swap3A_554 = arith.constant 144 : index
        %swap3A_555 = tpu.vector_load %arg7[%swap3A_554] {strides = array<i32>} : memref<256xi32, #tpu.memory_space<vmem>>, vector<16xi32>,
        tpu.vector_store %arg7[%swap3A_554], %gather3A_553 {strides = array<i32>} : memref<256xi32, #tpu.memory_space<vmem>>, vector<16xi32>,
        %mul3A_556 = arith.constant 2 : i32
        %mul3A_557 = arith.muli %add3A_445, %mul3A_556 : i32
        %add3A_558 = arith.constant 6400 : i32
        %add3A_559 = arith.addi %add3A_558, %mul3A_557 : i32
        %add3A_560 = arith.constant 1 : i32
        %add3A_561 = arith.addi %add3A_559, %add3A_560 : i32
        %add3A_562 = vector.broadcast %add3A_561 : i32 to vector<16xi32>
        %add3A_563 = arith.addi %mul3A_7, %add3A_562 : vector<16xi32>
        %gather3A_564 = tpu.vector_load_idx %arg6[%add3A_563] : memref<25600xi32, #tpu.memory_space<vmem>>[vector<16xi32>], vector<16xi32>,
        %swap3A_565 = arith.constant 160 : index
        %swap3A_566 = tpu.vector_load %arg7[%swap3A_565] {strides = array<i32>} : memref<256xi32, #tpu.memory_space<vmem>>, vector<16xi32>,
        tpu.vector_store %arg7[%swap3A_565], %gather3A_564 {strides = array<i32>} : memref<256xi32, #tpu.memory_space<vmem>>, vector<16xi32>,
        %mul3A_567 = arith.constant 2 : i32
        %mul3A_568 = arith.muli %add3A_445, %mul3A_567 : i32
        %add3A_569 = arith.constant 9600 : i32
        %add3A_570 = arith.addi %add3A_569, %mul3A_568 : i32
        %add3A_571 = arith.constant 1 : i32
        %add3A_572 = arith.addi %add3A_570, %add3A_571 : i32
        %add3A_573 = vector.broadcast %add3A_572 : i32 to vector<16xi32>
        %add3A_574 = arith.addi %mul3A_7, %add3A_573 : vector<16xi32>
        %gather3A_575 = tpu.vector_load_idx %arg6[%add3A_574] : memref<25600xi32, #tpu.memory_space<vmem>>[vector<16xi32>], vector<16xi32>,
        %swap3A_576 = arith.constant 176 : index
        %swap3A_577 = tpu.vector_load %arg7[%swap3A_576] {strides = array<i32>} : memref<256xi32, #tpu.memory_space<vmem>>, vector<16xi32>,
        tpu.vector_store %arg7[%swap3A_576], %gather3A_575 {strides = array<i32>} : memref<256xi32, #tpu.memory_space<vmem>>, vector<16xi32>,
        %mul3A_578 = arith.constant 2 : i32
        %mul3A_579 = arith.muli %add3A_445, %mul3A_578 : i32
        %add3A_580 = arith.constant 12800 : i32
        %add3A_581 = arith.addi %add3A_580, %mul3A_579 : i32
        %add3A_582 = arith.constant 1 : i32
        %add3A_583 = arith.addi %add3A_581, %add3A_582 : i32
        %add3A_584 = vector.broadcast %add3A_583 : i32 to vector<16xi32>
        %add3A_585 = arith.addi %mul3A_7, %add3A_584 : vector<16xi32>
        %gather3A_586 = tpu.vector_load_idx %arg6[%add3A_585] : memref<25600xi32, #tpu.memory_space<vmem>>[vector<16xi32>], vector<16xi32>,
        %swap3A_587 = arith.constant 192 : index
        %swap3A_588 = tpu.vector_load %arg7[%swap3A_587] {strides = array<i32>} : memref<256xi32, #tpu.memory_space<vmem>>, vector<16xi32>,
        tpu.vector_store %arg7[%swap3A_587], %gather3A_586 {strides = array<i32>} : memref<256xi32, #tpu.memory_space<vmem>>, vector<16xi32>,
        %mul3A_589 = arith.constant 2 : i32
        %mul3A_590 = arith.muli %add3A_445, %mul3A_589 : i32
        %add3A_591 = arith.constant 16000 : i32
        %add3A_592 = arith.addi %add3A_591, %mul3A_590 : i32
        %add3A_593 = arith.constant 1 : i32
        %add3A_594 = arith.addi %add3A_592, %add3A_593 : i32
        %add3A_595 = vector.broadcast %add3A_594 : i32 to vector<16xi32>
        %add3A_596 = arith.addi %mul3A_7, %add3A_595 : vector<16xi32>
        %gather3A_597 = tpu.vector_load_idx %arg6[%add3A_596] : memref<25600xi32, #tpu.memory_space<vmem>>[vector<16xi32>], vector<16xi32>,
        %swap3A_598 = arith.constant 208 : index
        %swap3A_599 = tpu.vector_load %arg7[%swap3A_598] {strides = array<i32>} : memref<256xi32, #tpu.memory_space<vmem>>, vector<16xi32>,
        tpu.vector_store %arg7[%swap3A_598], %gather3A_597 {strides = array<i32>} : memref<256xi32, #tpu.memory_space<vmem>>, vector<16xi32>,
        %mul3A_600 = arith.constant 2 : i32
        %mul3A_601 = arith.muli %add3A_445, %mul3A_600 : i32
        %add3A_602 = arith.constant 19200 : i32
        %add3A_603 = arith.addi %add3A_602, %mul3A_601 : i32
        %add3A_604 = arith.constant 1 : i32
        %add3A_605 = arith.addi %add3A_603, %add3A_604 : i32
        %add3A_606 = vector.broadcast %add3A_605 : i32 to vector<16xi32>
        %add3A_607 = arith.addi %mul3A_7, %add3A_606 : vector<16xi32>
        %gather3A_608 = tpu.vector_load_idx %arg6[%add3A_607] : memref<25600xi32, #tpu.memory_space<vmem>>[vector<16xi32>], vector<16xi32>,
        %swap3A_609 = arith.constant 224 : index
        %swap3A_610 = tpu.vector_load %arg7[%swap3A_609] {strides = array<i32>} : memref<256xi32, #tpu.memory_space<vmem>>, vector<16xi32>,
        tpu.vector_store %arg7[%swap3A_609], %gather3A_608 {strides = array<i32>} : memref<256xi32, #tpu.memory_space<vmem>>, vector<16xi32>,
        %mul3A_611 = arith.constant 2 : i32
        %mul3A_612 = arith.muli %add3A_445, %mul3A_611 : i32
        %add3A_613 = arith.constant 22400 : i32
        %add3A_614 = arith.addi %add3A_613, %mul3A_612 : i32
        %add3A_615 = arith.constant 1 : i32
        %add3A_616 = arith.addi %add3A_614, %add3A_615 : i32
        %add3A_617 = vector.broadcast %add3A_616 : i32 to vector<16xi32>
        %add3A_618 = arith.addi %mul3A_7, %add3A_617 : vector<16xi32>
        %gather3A_619 = tpu.vector_load_idx %arg6[%add3A_618] : memref<25600xi32, #tpu.memory_space<vmem>>[vector<16xi32>], vector<16xi32>,
        %swap3A_620 = arith.constant 240 : index
        %swap3A_621 = tpu.vector_load %arg7[%swap3A_620] {strides = array<i32>} : memref<256xi32, #tpu.memory_space<vmem>>, vector<16xi32>,
        tpu.vector_store %arg7[%swap3A_620], %gather3A_619 {strides = array<i32>} : memref<256xi32, #tpu.memory_space<vmem>>, vector<16xi32>,
        %dma_start3A_622 = arith.constant 0 : i32
        %dma_start3A_623 = arith.constant 0 : i32
        %dma_start3A_624 = tpu.memref_slice %arg10[%dma_start3A_622, %dma_start3A_623] : memref<256x64xf32, #tpu.memory_space<vmem>> -> memref<128x64xf32, #tpu.memory_space<vmem>>
        %dma_start3A_625 = arith.constant 0 : i32
        %dma_start3A_626 = tpu.memref_slice %arg7[%dma_start3A_625] : memref<256xi32, #tpu.memory_space<vmem>> -> memref<128xi32, #tpu.memory_space<vmem>>
        %dma_start3A_627 = arith.constant 0 : i32
        %dma_start3A_628 = arith.constant 0 : i32
        %dma_start3A_629 = tpu.memref_slice %arg4[%dma_start3A_627, %dma_start3A_628] : memref<1000000x64xf32, #tpu.memory_space<hbm>> -> memref<1000000x64xf32, #tpu.memory_space<hbm>>
        tpu.enqueue_indirect_dma source(%dma_start3A_629 : memref<1000000x64xf32, #tpu.memory_space<hbm>>) target(%dma_start3A_624 : memref<128x64xf32, #tpu.memory_space<vmem>>) offsets(%dma_start3A_626 : memref<128xi32, #tpu.memory_space<vmem>>) semaphore(%arg14 : memref<!tpu.dma_semaphore, #tpu.memory_space<semaphore_mem>>)
        %dma_start3A_630 = arith.constant 128 : i32
        %dma_start3A_631 = arith.constant 0 : i32
        %dma_start3A_632 = tpu.memref_slice %arg10[%dma_start3A_630, %dma_start3A_631] : memref<256x64xf32, #tpu.memory_space<vmem>> -> memref<128x64xf32, #tpu.memory_space<vmem>>
        %dma_start3A_633 = arith.constant 128 : i32
        %dma_start3A_634 = tpu.memref_slice %arg7[%dma_start3A_633] : memref<256xi32, #tpu.memory_space<vmem>> -> memref<128xi32, #tpu.memory_space<vmem>>
        %dma_start3A_635 = arith.constant 0 : i32
        %dma_start3A_636 = arith.constant 0 : i32
        %dma_start3A_637 = tpu.memref_slice %arg4[%dma_start3A_635, %dma_start3A_636] : memref<1000000x64xf32, #tpu.memory_space<hbm>> -> memref<1000000x64xf32, #tpu.memory_space<hbm>>
        tpu.enqueue_indirect_dma source(%dma_start3A_637 : memref<1000000x64xf32, #tpu.memory_space<hbm>>) target(%dma_start3A_632 : memref<128x64xf32, #tpu.memory_space<vmem>>) offsets(%dma_start3A_634 : memref<128xi32, #tpu.memory_space<vmem>>) semaphore(%arg14 : memref<!tpu.dma_semaphore, #tpu.memory_space<semaphore_mem>>)
      } else {
      }
      %ge3A_317 = arith.constant 2 : i32
      %ge3A_318 = arith.cmpi sge, %add3A_295, %ge3A_317 : i32
      %convert_element_type3A_319 = arith.extui %ge3A_318 : i1 to i32
      %cond3A_320 = arith.constant 0 : i32
      %cond3A_321 = arith.cmpi ne, %convert_element_type3A_319, %cond3A_320 : i32
      scf.if %cond3A_321 {
        %sub3A = arith.constant 2 : i32
        %sub3A_444 = arith.subi %add3A_295, %sub3A : i32
        %mul3A_445 = arith.constant 2 : i32
        %mul3A_446 = arith.muli %sub3A_444, %mul3A_445 : i32
        %dma_wait3A_447 = arith.constant 0 : i32
        %dma_wait3A_448 = arith.constant 0 : i32
        %dma_wait3A_449 = arith.constant 0 : i32
        %dma_wait3A_450 = tpu.memref_slice %arg5[%mul3A_446, %dma_wait3A_447, %add3A, %dma_wait3A_448, %dma_wait3A_449] : memref<200x8x32x8x128xf32, #tpu.memory_space<hbm>> -> memref<2x8x1x8x128xf32, #tpu.memory_space<hbm>>
        %dma_wait3A_451 = tpu.memref_squeeze %dma_wait3A_450 : memref<2x8x1x8x128xf32, #tpu.memory_space<hbm>> -> memref<2x8x8x128xf32, #tpu.memory_space<hbm>>
        %dma_wait3A_452 = arith.constant 0 : i32
        %dma_wait3A_453 = arith.constant 0 : i32
        %dma_wait3A_454 = arith.constant 0 : i32
        %dma_wait3A_455 = tpu.memref_slice %arg5[%mul3A_446, %dma_wait3A_452, %add3A, %dma_wait3A_453, %dma_wait3A_454] : memref<200x8x32x8x128xf32, #tpu.memory_space<hbm>> -> memref<2x8x1x8x128xf32, #tpu.memory_space<hbm>>
        %dma_wait3A_456 = tpu.memref_squeeze %dma_wait3A_455 : memref<2x8x1x8x128xf32, #tpu.memory_space<hbm>> -> memref<2x8x8x128xf32, #tpu.memory_space<hbm>>
        tpu.wait_dma2 semaphore(%arg17 : memref<!tpu.dma_semaphore, #tpu.memory_space<semaphore_mem>>) src(%arg13 : memref<2x8x8x128xf32, #tpu.memory_space<vmem>>) dst(%dma_wait3A_456 : memref<2x8x8x128xf32, #tpu.memory_space<hbm>>)
      } else {
      }
      %add3A_322 = arith.constant 0 : i32
      %add3A_323 = vector.broadcast %add3A_322 : i32 to vector<16xi32>
      %add3A_324 = arith.addi %iota3A, %add3A_323 : vector<16xi32>
      %add3A_325 = arith.constant 16 : i32
      %add3A_326 = vector.broadcast %add3A_325 : i32 to vector<16xi32>
      %add3A_327 = arith.addi %iota3A, %add3A_326 : vector<16xi32>
      %add3A_328 = arith.constant 32 : i32
      %add3A_329 = vector.broadcast %add3A_328 : i32 to vector<16xi32>
      %add3A_330 = arith.addi %iota3A, %add3A_329 : vector<16xi32>
      %add3A_331 = arith.constant 48 : i32
      %add3A_332 = vector.broadcast %add3A_331 : i32 to vector<16xi32>
      %add3A_333 = arith.addi %iota3A, %add3A_332 : vector<16xi32>
      %add3A_334 = arith.constant 64 : i32
      %add3A_335 = vector.broadcast %add3A_334 : i32 to vector<16xi32>
      %add3A_336 = arith.addi %iota3A, %add3A_335 : vector<16xi32>
      %add3A_337 = arith.constant 80 : i32
      %add3A_338 = vector.broadcast %add3A_337 : i32 to vector<16xi32>
      %add3A_339 = arith.addi %iota3A, %add3A_338 : vector<16xi32>
      %add3A_340 = arith.constant 96 : i32
      %add3A_341 = vector.broadcast %add3A_340 : i32 to vector<16xi32>
      %add3A_342 = arith.addi %iota3A, %add3A_341 : vector<16xi32>
      %add3A_343 = arith.constant 112 : i32
      %add3A_344 = vector.broadcast %add3A_343 : i32 to vector<16xi32>
      %add3A_345 = arith.addi %iota3A, %add3A_344 : vector<16xi32>
      %add3A_346 = arith.constant 0 : i32
      %add3A_347 = vector.broadcast %add3A_346 : i32 to vector<16xi32>
      %add3A_348 = arith.addi %iota3A, %add3A_347 : vector<16xi32>
      %add3A_349 = arith.constant 16 : i32
      %add3A_350 = vector.broadcast %add3A_349 : i32 to vector<16xi32>
      %add3A_351 = arith.addi %iota3A, %add3A_350 : vector<16xi32>
      %add3A_352 = arith.constant 32 : i32
      %add3A_353 = vector.broadcast %add3A_352 : i32 to vector<16xi32>
      %add3A_354 = arith.addi %iota3A, %add3A_353 : vector<16xi32>
      %add3A_355 = arith.constant 48 : i32
      %add3A_356 = vector.broadcast %add3A_355 : i32 to vector<16xi32>
      %add3A_357 = arith.addi %iota3A, %add3A_356 : vector<16xi32>
      %add3A_358 = arith.constant 64 : i32
      %add3A_359 = vector.broadcast %add3A_358 : i32 to vector<16xi32>
      %add3A_360 = arith.addi %iota3A, %add3A_359 : vector<16xi32>
      %add3A_361 = arith.constant 80 : i32
      %add3A_362 = vector.broadcast %add3A_361 : i32 to vector<16xi32>
      %add3A_363 = arith.addi %iota3A, %add3A_362 : vector<16xi32>
      %add3A_364 = arith.constant 96 : i32
      %add3A_365 = vector.broadcast %add3A_364 : i32 to vector<16xi32>
      %add3A_366 = arith.addi %iota3A, %add3A_365 : vector<16xi32>
      %add3A_367 = arith.constant 112 : i32
      %add3A_368 = vector.broadcast %add3A_367 : i32 to vector<16xi32>
      %add3A_369 = arith.addi %iota3A, %add3A_368 : vector<16xi32>
      %broadcast_in_dim3A_370 = arith.constant 0 : i32
      %broadcast_in_dim3A_371 = vector.broadcast %broadcast_in_dim3A_370 : i32 to vector<16xi32>
      %scan3A_372 = arith.constant 0 : i32
      %scan3A_373 = arith.constant 64 : i32
      %scan3A_374 = arith.addi %scan3A_372, %scan3A_373 : i32
      %scan3A_375 = arith.constant 2 : i32
      scf.for %scan3A_444 = %scan3A_372 to %scan3A_374 step %scan3A_375  : i32 {
        %mul3A_445 = arith.constant 1 : i32
        %mul3A_446 = arith.muli %scan3A_444, %mul3A_445 : i32
        %add3A_447 = arith.constant 0 : i32
        %add3A_448 = arith.addi %add3A_447, %mul3A_446 : i32
        %add3A_449 = vector.broadcast %add3A_448 : i32 to vector<16xi32>
        %add3A_450 = arith.addi %iota3A, %add3A_449 : vector<16xi32>
        %and3A = arith.constant 63 : i32
        %and3A_451 = vector.broadcast %and3A : i32 to vector<16xi32>
        %and3A_452 = arith.andi %add3A_450, %and3A_451 : vector<16xi32>
        %shift_right_logical3A = arith.constant 3 : i32
        %shift_right_logical3A_453 = vector.broadcast %shift_right_logical3A : i32 to vector<16xi32>
        %shift_right_logical3A_454 = arith.shrui %and3A_452, %shift_right_logical3A_453 : vector<16xi32>
        %and3A_455 = arith.constant 7 : i32
        %and3A_456 = vector.broadcast %and3A_455 : i32 to vector<16xi32>
        %and3A_457 = arith.andi %and3A_452, %and3A_456 : vector<16xi32>
        %mul3A_458 = arith.constant 2 : i32
        %mul3A_459 = arith.muli %add3A_295, %mul3A_458 : i32
        %add3A_460 = arith.constant 0 : i32
        %add3A_461 = arith.addi %mul3A_459, %add3A_460 : i32
        %mul3A_462 = arith.constant 64 : i32
        %mul3A_463 = arith.muli %add3A_461, %mul3A_462 : i32
        %add3A_464 = vector.broadcast %mul3A_463 : i32 to vector<16xi32>
        %add3A_465 = arith.addi %and3A_452, %add3A_464 : vector<16xi32>
        %gather3A_466 = tpu.vector_load_idx %arg9[%add3A_465] : memref<12800xf32, #tpu.memory_space<vmem>>[vector<16xi32>], vector<16xf32>,
        %gather3A_467 = tpu.vector_load_idx %arg11[%add3A_324, %and3A_452] : memref<256x64xf32, #tpu.memory_space<vmem>>[vector<16xi32>, vector<16xi32>], vector<16xf32>,
        %gather3A_468 = tpu.vector_load_idx %arg11[%add3A_327, %and3A_452] : memref<256x64xf32, #tpu.memory_space<vmem>>[vector<16xi32>, vector<16xi32>], vector<16xf32>,
        %gather3A_469 = tpu.vector_load_idx %arg11[%add3A_330, %and3A_452] : memref<256x64xf32, #tpu.memory_space<vmem>>[vector<16xi32>, vector<16xi32>], vector<16xf32>,
        %gather3A_470 = tpu.vector_load_idx %arg11[%add3A_333, %and3A_452] : memref<256x64xf32, #tpu.memory_space<vmem>>[vector<16xi32>, vector<16xi32>], vector<16xf32>,
        %gather3A_471 = tpu.vector_load_idx %arg11[%add3A_336, %and3A_452] : memref<256x64xf32, #tpu.memory_space<vmem>>[vector<16xi32>, vector<16xi32>], vector<16xf32>,
        %gather3A_472 = tpu.vector_load_idx %arg11[%add3A_339, %and3A_452] : memref<256x64xf32, #tpu.memory_space<vmem>>[vector<16xi32>, vector<16xi32>], vector<16xf32>,
        %gather3A_473 = tpu.vector_load_idx %arg11[%add3A_342, %and3A_452] : memref<256x64xf32, #tpu.memory_space<vmem>>[vector<16xi32>, vector<16xi32>], vector<16xf32>,
        %gather3A_474 = tpu.vector_load_idx %arg11[%add3A_345, %and3A_452] : memref<256x64xf32, #tpu.memory_space<vmem>>[vector<16xi32>, vector<16xi32>], vector<16xf32>,
        %mul3A_475 = arith.constant 8.000000e+00 : f32
        %mul3A_476 = vector.broadcast %mul3A_475 : f32 to vector<16xf32>
        %mul3A_477 = arith.mulf %gather3A_467, %mul3A_476 : vector<16xf32>
        %add3A_478 = arith.addf %mul3A_477, %gather3A_466 : vector<16xf32>
        tpu.vector_store_idx %arg13[%broadcast_in_dim3A_371, %shift_right_logical3A_454, %and3A_457, %add3A_348], %add3A_478 : memref<2x8x8x128xf32, #tpu.memory_space<vmem>>[vector<16xi32>, vector<16xi32>, vector<16xi32>, vector<16xi32>], vector<16xf32>,
        %mul3A_479 = arith.constant 8.000000e+00 : f32
        %mul3A_480 = vector.broadcast %mul3A_479 : f32 to vector<16xf32>
        %mul3A_481 = arith.mulf %gather3A_468, %mul3A_480 : vector<16xf32>
        %add3A_482 = arith.addf %mul3A_481, %gather3A_466 : vector<16xf32>
        tpu.vector_store_idx %arg13[%broadcast_in_dim3A_371, %shift_right_logical3A_454, %and3A_457, %add3A_351], %add3A_482 : memref<2x8x8x128xf32, #tpu.memory_space<vmem>>[vector<16xi32>, vector<16xi32>, vector<16xi32>, vector<16xi32>], vector<16xf32>,
        %mul3A_483 = arith.constant 8.000000e+00 : f32
        %mul3A_484 = vector.broadcast %mul3A_483 : f32 to vector<16xf32>
        %mul3A_485 = arith.mulf %gather3A_469, %mul3A_484 : vector<16xf32>
        %add3A_486 = arith.addf %mul3A_485, %gather3A_466 : vector<16xf32>
        tpu.vector_store_idx %arg13[%broadcast_in_dim3A_371, %shift_right_logical3A_454, %and3A_457, %add3A_354], %add3A_486 : memref<2x8x8x128xf32, #tpu.memory_space<vmem>>[vector<16xi32>, vector<16xi32>, vector<16xi32>, vector<16xi32>], vector<16xf32>,
        %mul3A_487 = arith.constant 8.000000e+00 : f32
        %mul3A_488 = vector.broadcast %mul3A_487 : f32 to vector<16xf32>
        %mul3A_489 = arith.mulf %gather3A_470, %mul3A_488 : vector<16xf32>
        %add3A_490 = arith.addf %mul3A_489, %gather3A_466 : vector<16xf32>
        tpu.vector_store_idx %arg13[%broadcast_in_dim3A_371, %shift_right_logical3A_454, %and3A_457, %add3A_357], %add3A_490 : memref<2x8x8x128xf32, #tpu.memory_space<vmem>>[vector<16xi32>, vector<16xi32>, vector<16xi32>, vector<16xi32>], vector<16xf32>,
        %mul3A_491 = arith.constant 8.000000e+00 : f32
        %mul3A_492 = vector.broadcast %mul3A_491 : f32 to vector<16xf32>
        %mul3A_493 = arith.mulf %gather3A_471, %mul3A_492 : vector<16xf32>
        %add3A_494 = arith.addf %mul3A_493, %gather3A_466 : vector<16xf32>
        tpu.vector_store_idx %arg13[%broadcast_in_dim3A_371, %shift_right_logical3A_454, %and3A_457, %add3A_360], %add3A_494 : memref<2x8x8x128xf32, #tpu.memory_space<vmem>>[vector<16xi32>, vector<16xi32>, vector<16xi32>, vector<16xi32>], vector<16xf32>,
        %mul3A_495 = arith.constant 8.000000e+00 : f32
        %mul3A_496 = vector.broadcast %mul3A_495 : f32 to vector<16xf32>
        %mul3A_497 = arith.mulf %gather3A_472, %mul3A_496 : vector<16xf32>
        %add3A_498 = arith.addf %mul3A_497, %gather3A_466 : vector<16xf32>
        tpu.vector_store_idx %arg13[%broadcast_in_dim3A_371, %shift_right_logical3A_454, %and3A_457, %add3A_363], %add3A_498 : memref<2x8x8x128xf32, #tpu.memory_space<vmem>>[vector<16xi32>, vector<16xi32>, vector<16xi32>, vector<16xi32>], vector<16xf32>,
        %mul3A_499 = arith.constant 8.000000e+00 : f32
        %mul3A_500 = vector.broadcast %mul3A_499 : f32 to vector<16xf32>
        %mul3A_501 = arith.mulf %gather3A_473, %mul3A_500 : vector<16xf32>
        %add3A_502 = arith.addf %mul3A_501, %gather3A_466 : vector<16xf32>
        tpu.vector_store_idx %arg13[%broadcast_in_dim3A_371, %shift_right_logical3A_454, %and3A_457, %add3A_366], %add3A_502 : memref<2x8x8x128xf32, #tpu.memory_space<vmem>>[vector<16xi32>, vector<16xi32>, vector<16xi32>, vector<16xi32>], vector<16xf32>,
        %mul3A_503 = arith.constant 8.000000e+00 : f32
        %mul3A_504 = vector.broadcast %mul3A_503 : f32 to vector<16xf32>
        %mul3A_505 = arith.mulf %gather3A_474, %mul3A_504 : vector<16xf32>
        %add3A_506 = arith.addf %mul3A_505, %gather3A_466 : vector<16xf32>
        tpu.vector_store_idx %arg13[%broadcast_in_dim3A_371, %shift_right_logical3A_454, %and3A_457, %add3A_369], %add3A_506 : memref<2x8x8x128xf32, #tpu.memory_space<vmem>>[vector<16xi32>, vector<16xi32>, vector<16xi32>, vector<16xi32>], vector<16xf32>,
        %scan3A_507 = arith.constant 1 : i32
        %scan3A_508 = arith.addi %scan3A_444, %scan3A_507 : i32
        %mul3A_509 = arith.constant 1 : i32
        %mul3A_510 = arith.muli %scan3A_508, %mul3A_509 : i32
        %add3A_511 = arith.constant 0 : i32
        %add3A_512 = arith.addi %add3A_511, %mul3A_510 : i32
        %add3A_513 = vector.broadcast %add3A_512 : i32 to vector<16xi32>
        %add3A_514 = arith.addi %iota3A, %add3A_513 : vector<16xi32>
        %and3A_515 = arith.constant 63 : i32
        %and3A_516 = vector.broadcast %and3A_515 : i32 to vector<16xi32>
        %and3A_517 = arith.andi %add3A_514, %and3A_516 : vector<16xi32>
        %shift_right_logical3A_518 = arith.constant 3 : i32
        %shift_right_logical3A_519 = vector.broadcast %shift_right_logical3A_518 : i32 to vector<16xi32>
        %shift_right_logical3A_520 = arith.shrui %and3A_517, %shift_right_logical3A_519 : vector<16xi32>
        %and3A_521 = arith.constant 7 : i32
        %and3A_522 = vector.broadcast %and3A_521 : i32 to vector<16xi32>
        %and3A_523 = arith.andi %and3A_517, %and3A_522 : vector<16xi32>
        %mul3A_524 = arith.constant 2 : i32
        %mul3A_525 = arith.muli %add3A_295, %mul3A_524 : i32
        %add3A_526 = arith.constant 0 : i32
        %add3A_527 = arith.addi %mul3A_525, %add3A_526 : i32
        %mul3A_528 = arith.constant 64 : i32
        %mul3A_529 = arith.muli %add3A_527, %mul3A_528 : i32
        %add3A_530 = vector.broadcast %mul3A_529 : i32 to vector<16xi32>
        %add3A_531 = arith.addi %and3A_517, %add3A_530 : vector<16xi32>
        %gather3A_532 = tpu.vector_load_idx %arg9[%add3A_531] : memref<12800xf32, #tpu.memory_space<vmem>>[vector<16xi32>], vector<16xf32>,
        %gather3A_533 = tpu.vector_load_idx %arg11[%add3A_324, %and3A_517] : memref<256x64xf32, #tpu.memory_space<vmem>>[vector<16xi32>, vector<16xi32>], vector<16xf32>,
        %gather3A_534 = tpu.vector_load_idx %arg11[%add3A_327, %and3A_517] : memref<256x64xf32, #tpu.memory_space<vmem>>[vector<16xi32>, vector<16xi32>], vector<16xf32>,
        %gather3A_535 = tpu.vector_load_idx %arg11[%add3A_330, %and3A_517] : memref<256x64xf32, #tpu.memory_space<vmem>>[vector<16xi32>, vector<16xi32>], vector<16xf32>,
        %gather3A_536 = tpu.vector_load_idx %arg11[%add3A_333, %and3A_517] : memref<256x64xf32, #tpu.memory_space<vmem>>[vector<16xi32>, vector<16xi32>], vector<16xf32>,
        %gather3A_537 = tpu.vector_load_idx %arg11[%add3A_336, %and3A_517] : memref<256x64xf32, #tpu.memory_space<vmem>>[vector<16xi32>, vector<16xi32>], vector<16xf32>,
        %gather3A_538 = tpu.vector_load_idx %arg11[%add3A_339, %and3A_517] : memref<256x64xf32, #tpu.memory_space<vmem>>[vector<16xi32>, vector<16xi32>], vector<16xf32>,
        %gather3A_539 = tpu.vector_load_idx %arg11[%add3A_342, %and3A_517] : memref<256x64xf32, #tpu.memory_space<vmem>>[vector<16xi32>, vector<16xi32>], vector<16xf32>,
        %gather3A_540 = tpu.vector_load_idx %arg11[%add3A_345, %and3A_517] : memref<256x64xf32, #tpu.memory_space<vmem>>[vector<16xi32>, vector<16xi32>], vector<16xf32>,
        %mul3A_541 = arith.constant 8.000000e+00 : f32
        %mul3A_542 = vector.broadcast %mul3A_541 : f32 to vector<16xf32>
        %mul3A_543 = arith.mulf %gather3A_533, %mul3A_542 : vector<16xf32>
        %add3A_544 = arith.addf %mul3A_543, %gather3A_532 : vector<16xf32>
        tpu.vector_store_idx %arg13[%broadcast_in_dim3A_371, %shift_right_logical3A_520, %and3A_523, %add3A_348], %add3A_544 : memref<2x8x8x128xf32, #tpu.memory_space<vmem>>[vector<16xi32>, vector<16xi32>, vector<16xi32>, vector<16xi32>], vector<16xf32>,
        %mul3A_545 = arith.constant 8.000000e+00 : f32
        %mul3A_546 = vector.broadcast %mul3A_545 : f32 to vector<16xf32>
        %mul3A_547 = arith.mulf %gather3A_534, %mul3A_546 : vector<16xf32>
        %add3A_548 = arith.addf %mul3A_547, %gather3A_532 : vector<16xf32>
        tpu.vector_store_idx %arg13[%broadcast_in_dim3A_371, %shift_right_logical3A_520, %and3A_523, %add3A_351], %add3A_548 : memref<2x8x8x128xf32, #tpu.memory_space<vmem>>[vector<16xi32>, vector<16xi32>, vector<16xi32>, vector<16xi32>], vector<16xf32>,
        %mul3A_549 = arith.constant 8.000000e+00 : f32
        %mul3A_550 = vector.broadcast %mul3A_549 : f32 to vector<16xf32>
        %mul3A_551 = arith.mulf %gather3A_535, %mul3A_550 : vector<16xf32>
        %add3A_552 = arith.addf %mul3A_551, %gather3A_532 : vector<16xf32>
        tpu.vector_store_idx %arg13[%broadcast_in_dim3A_371, %shift_right_logical3A_520, %and3A_523, %add3A_354], %add3A_552 : memref<2x8x8x128xf32, #tpu.memory_space<vmem>>[vector<16xi32>, vector<16xi32>, vector<16xi32>, vector<16xi32>], vector<16xf32>,
        %mul3A_553 = arith.constant 8.000000e+00 : f32
        %mul3A_554 = vector.broadcast %mul3A_553 : f32 to vector<16xf32>
        %mul3A_555 = arith.mulf %gather3A_536, %mul3A_554 : vector<16xf32>
        %add3A_556 = arith.addf %mul3A_555, %gather3A_532 : vector<16xf32>
        tpu.vector_store_idx %arg13[%broadcast_in_dim3A_371, %shift_right_logical3A_520, %and3A_523, %add3A_357], %add3A_556 : memref<2x8x8x128xf32, #tpu.memory_space<vmem>>[vector<16xi32>, vector<16xi32>, vector<16xi32>, vector<16xi32>], vector<16xf32>,
        %mul3A_557 = arith.constant 8.000000e+00 : f32
        %mul3A_558 = vector.broadcast %mul3A_557 : f32 to vector<16xf32>
        %mul3A_559 = arith.mulf %gather3A_537, %mul3A_558 : vector<16xf32>
        %add3A_560 = arith.addf %mul3A_559, %gather3A_532 : vector<16xf32>
        tpu.vector_store_idx %arg13[%broadcast_in_dim3A_371, %shift_right_logical3A_520, %and3A_523, %add3A_360], %add3A_560 : memref<2x8x8x128xf32, #tpu.memory_space<vmem>>[vector<16xi32>, vector<16xi32>, vector<16xi32>, vector<16xi32>], vector<16xf32>,
        %mul3A_561 = arith.constant 8.000000e+00 : f32
        %mul3A_562 = vector.broadcast %mul3A_561 : f32 to vector<16xf32>
        %mul3A_563 = arith.mulf %gather3A_538, %mul3A_562 : vector<16xf32>
        %add3A_564 = arith.addf %mul3A_563, %gather3A_532 : vector<16xf32>
        tpu.vector_store_idx %arg13[%broadcast_in_dim3A_371, %shift_right_logical3A_520, %and3A_523, %add3A_363], %add3A_564 : memref<2x8x8x128xf32, #tpu.memory_space<vmem>>[vector<16xi32>, vector<16xi32>, vector<16xi32>, vector<16xi32>], vector<16xf32>,
        %mul3A_565 = arith.constant 8.000000e+00 : f32
        %mul3A_566 = vector.broadcast %mul3A_565 : f32 to vector<16xf32>
        %mul3A_567 = arith.mulf %gather3A_539, %mul3A_566 : vector<16xf32>
        %add3A_568 = arith.addf %mul3A_567, %gather3A_532 : vector<16xf32>
        tpu.vector_store_idx %arg13[%broadcast_in_dim3A_371, %shift_right_logical3A_520, %and3A_523, %add3A_366], %add3A_568 : memref<2x8x8x128xf32, #tpu.memory_space<vmem>>[vector<16xi32>, vector<16xi32>, vector<16xi32>, vector<16xi32>], vector<16xf32>,
        %mul3A_569 = arith.constant 8.000000e+00 : f32
        %mul3A_570 = vector.broadcast %mul3A_569 : f32 to vector<16xf32>
        %mul3A_571 = arith.mulf %gather3A_540, %mul3A_570 : vector<16xf32>
        %add3A_572 = arith.addf %mul3A_571, %gather3A_532 : vector<16xf32>
        tpu.vector_store_idx %arg13[%broadcast_in_dim3A_371, %shift_right_logical3A_520, %and3A_523, %add3A_369], %add3A_572 : memref<2x8x8x128xf32, #tpu.memory_space<vmem>>[vector<16xi32>, vector<16xi32>, vector<16xi32>, vector<16xi32>], vector<16xf32>,
      }
      %scan3A_376 = arith.constant 64 : i32
      %add3A_377 = arith.constant 128 : i32
      %add3A_378 = vector.broadcast %add3A_377 : i32 to vector<16xi32>
      %add3A_379 = arith.addi %iota3A, %add3A_378 : vector<16xi32>
      %add3A_380 = arith.constant 144 : i32
      %add3A_381 = vector.broadcast %add3A_380 : i32 to vector<16xi32>
      %add3A_382 = arith.addi %iota3A, %add3A_381 : vector<16xi32>
      %add3A_383 = arith.constant 160 : i32
      %add3A_384 = vector.broadcast %add3A_383 : i32 to vector<16xi32>
      %add3A_385 = arith.addi %iota3A, %add3A_384 : vector<16xi32>
      %add3A_386 = arith.constant 176 : i32
      %add3A_387 = vector.broadcast %add3A_386 : i32 to vector<16xi32>
      %add3A_388 = arith.addi %iota3A, %add3A_387 : vector<16xi32>
      %add3A_389 = arith.constant 192 : i32
      %add3A_390 = vector.broadcast %add3A_389 : i32 to vector<16xi32>
      %add3A_391 = arith.addi %iota3A, %add3A_390 : vector<16xi32>
      %add3A_392 = arith.constant 208 : i32
      %add3A_393 = vector.broadcast %add3A_392 : i32 to vector<16xi32>
      %add3A_394 = arith.addi %iota3A, %add3A_393 : vector<16xi32>
      %add3A_395 = arith.constant 224 : i32
      %add3A_396 = vector.broadcast %add3A_395 : i32 to vector<16xi32>
      %add3A_397 = arith.addi %iota3A, %add3A_396 : vector<16xi32>
      %add3A_398 = arith.constant 240 : i32
      %add3A_399 = vector.broadcast %add3A_398 : i32 to vector<16xi32>
      %add3A_400 = arith.addi %iota3A, %add3A_399 : vector<16xi32>
      %add3A_401 = arith.constant 0 : i32
      %add3A_402 = vector.broadcast %add3A_401 : i32 to vector<16xi32>
      %add3A_403 = arith.addi %iota3A, %add3A_402 : vector<16xi32>
      %add3A_404 = arith.constant 16 : i32
      %add3A_405 = vector.broadcast %add3A_404 : i32 to vector<16xi32>
      %add3A_406 = arith.addi %iota3A, %add3A_405 : vector<16xi32>
      %add3A_407 = arith.constant 32 : i32
      %add3A_408 = vector.broadcast %add3A_407 : i32 to vector<16xi32>
      %add3A_409 = arith.addi %iota3A, %add3A_408 : vector<16xi32>
      %add3A_410 = arith.constant 48 : i32
      %add3A_411 = vector.broadcast %add3A_410 : i32 to vector<16xi32>
      %add3A_412 = arith.addi %iota3A, %add3A_411 : vector<16xi32>
      %add3A_413 = arith.constant 64 : i32
      %add3A_414 = vector.broadcast %add3A_413 : i32 to vector<16xi32>
      %add3A_415 = arith.addi %iota3A, %add3A_414 : vector<16xi32>
      %add3A_416 = arith.constant 80 : i32
      %add3A_417 = vector.broadcast %add3A_416 : i32 to vector<16xi32>
      %add3A_418 = arith.addi %iota3A, %add3A_417 : vector<16xi32>
      %add3A_419 = arith.constant 96 : i32
      %add3A_420 = vector.broadcast %add3A_419 : i32 to vector<16xi32>
      %add3A_421 = arith.addi %iota3A, %add3A_420 : vector<16xi32>
      %add3A_422 = arith.constant 112 : i32
      %add3A_423 = vector.broadcast %add3A_422 : i32 to vector<16xi32>
      %add3A_424 = arith.addi %iota3A, %add3A_423 : vector<16xi32>
      %broadcast_in_dim3A_425 = arith.constant 1 : i32
      %broadcast_in_dim3A_426 = vector.broadcast %broadcast_in_dim3A_425 : i32 to vector<16xi32>
      %scan3A_427 = arith.constant 0 : i32
      %scan3A_428 = arith.constant 64 : i32
      %scan3A_429 = arith.addi %scan3A_427, %scan3A_428 : i32
      %scan3A_430 = arith.constant 2 : i32
      scf.for %scan3A_444 = %scan3A_427 to %scan3A_429 step %scan3A_430  : i32 {
        %mul3A_445 = arith.constant 1 : i32
        %mul3A_446 = arith.muli %scan3A_444, %mul3A_445 : i32
        %add3A_447 = arith.constant 0 : i32
        %add3A_448 = arith.addi %add3A_447, %mul3A_446 : i32
        %add3A_449 = vector.broadcast %add3A_448 : i32 to vector<16xi32>
        %add3A_450 = arith.addi %iota3A, %add3A_449 : vector<16xi32>
        %and3A = arith.constant 63 : i32
        %and3A_451 = vector.broadcast %and3A : i32 to vector<16xi32>
        %and3A_452 = arith.andi %add3A_450, %and3A_451 : vector<16xi32>
        %shift_right_logical3A = arith.constant 3 : i32
        %shift_right_logical3A_453 = vector.broadcast %shift_right_logical3A : i32 to vector<16xi32>
        %shift_right_logical3A_454 = arith.shrui %and3A_452, %shift_right_logical3A_453 : vector<16xi32>
        %and3A_455 = arith.constant 7 : i32
        %and3A_456 = vector.broadcast %and3A_455 : i32 to vector<16xi32>
        %and3A_457 = arith.andi %and3A_452, %and3A_456 : vector<16xi32>
        %mul3A_458 = arith.constant 2 : i32
        %mul3A_459 = arith.muli %add3A_295, %mul3A_458 : i32
        %add3A_460 = arith.constant 1 : i32
        %add3A_461 = arith.addi %mul3A_459, %add3A_460 : i32
        %mul3A_462 = arith.constant 64 : i32
        %mul3A_463 = arith.muli %add3A_461, %mul3A_462 : i32
        %add3A_464 = vector.broadcast %mul3A_463 : i32 to vector<16xi32>
        %add3A_465 = arith.addi %and3A_452, %add3A_464 : vector<16xi32>
        %gather3A_466 = tpu.vector_load_idx %arg9[%add3A_465] : memref<12800xf32, #tpu.memory_space<vmem>>[vector<16xi32>], vector<16xf32>,
        %gather3A_467 = tpu.vector_load_idx %arg11[%add3A_379, %and3A_452] : memref<256x64xf32, #tpu.memory_space<vmem>>[vector<16xi32>, vector<16xi32>], vector<16xf32>,
        %gather3A_468 = tpu.vector_load_idx %arg11[%add3A_382, %and3A_452] : memref<256x64xf32, #tpu.memory_space<vmem>>[vector<16xi32>, vector<16xi32>], vector<16xf32>,
        %gather3A_469 = tpu.vector_load_idx %arg11[%add3A_385, %and3A_452] : memref<256x64xf32, #tpu.memory_space<vmem>>[vector<16xi32>, vector<16xi32>], vector<16xf32>,
        %gather3A_470 = tpu.vector_load_idx %arg11[%add3A_388, %and3A_452] : memref<256x64xf32, #tpu.memory_space<vmem>>[vector<16xi32>, vector<16xi32>], vector<16xf32>,
        %gather3A_471 = tpu.vector_load_idx %arg11[%add3A_391, %and3A_452] : memref<256x64xf32, #tpu.memory_space<vmem>>[vector<16xi32>, vector<16xi32>], vector<16xf32>,
        %gather3A_472 = tpu.vector_load_idx %arg11[%add3A_394, %and3A_452] : memref<256x64xf32, #tpu.memory_space<vmem>>[vector<16xi32>, vector<16xi32>], vector<16xf32>,
        %gather3A_473 = tpu.vector_load_idx %arg11[%add3A_397, %and3A_452] : memref<256x64xf32, #tpu.memory_space<vmem>>[vector<16xi32>, vector<16xi32>], vector<16xf32>,
        %gather3A_474 = tpu.vector_load_idx %arg11[%add3A_400, %and3A_452] : memref<256x64xf32, #tpu.memory_space<vmem>>[vector<16xi32>, vector<16xi32>], vector<16xf32>,
        %mul3A_475 = arith.constant 8.000000e+00 : f32
        %mul3A_476 = vector.broadcast %mul3A_475 : f32 to vector<16xf32>
        %mul3A_477 = arith.mulf %gather3A_467, %mul3A_476 : vector<16xf32>
        %add3A_478 = arith.addf %mul3A_477, %gather3A_466 : vector<16xf32>
        tpu.vector_store_idx %arg13[%broadcast_in_dim3A_426, %shift_right_logical3A_454, %and3A_457, %add3A_403], %add3A_478 : memref<2x8x8x128xf32, #tpu.memory_space<vmem>>[vector<16xi32>, vector<16xi32>, vector<16xi32>, vector<16xi32>], vector<16xf32>,
        %mul3A_479 = arith.constant 8.000000e+00 : f32
        %mul3A_480 = vector.broadcast %mul3A_479 : f32 to vector<16xf32>
        %mul3A_481 = arith.mulf %gather3A_468, %mul3A_480 : vector<16xf32>
        %add3A_482 = arith.addf %mul3A_481, %gather3A_466 : vector<16xf32>
        tpu.vector_store_idx %arg13[%broadcast_in_dim3A_426, %shift_right_logical3A_454, %and3A_457, %add3A_406], %add3A_482 : memref<2x8x8x128xf32, #tpu.memory_space<vmem>>[vector<16xi32>, vector<16xi32>, vector<16xi32>, vector<16xi32>], vector<16xf32>,
        %mul3A_483 = arith.constant 8.000000e+00 : f32
        %mul3A_484 = vector.broadcast %mul3A_483 : f32 to vector<16xf32>
        %mul3A_485 = arith.mulf %gather3A_469, %mul3A_484 : vector<16xf32>
        %add3A_486 = arith.addf %mul3A_485, %gather3A_466 : vector<16xf32>
        tpu.vector_store_idx %arg13[%broadcast_in_dim3A_426, %shift_right_logical3A_454, %and3A_457, %add3A_409], %add3A_486 : memref<2x8x8x128xf32, #tpu.memory_space<vmem>>[vector<16xi32>, vector<16xi32>, vector<16xi32>, vector<16xi32>], vector<16xf32>,
        %mul3A_487 = arith.constant 8.000000e+00 : f32
        %mul3A_488 = vector.broadcast %mul3A_487 : f32 to vector<16xf32>
        %mul3A_489 = arith.mulf %gather3A_470, %mul3A_488 : vector<16xf32>
        %add3A_490 = arith.addf %mul3A_489, %gather3A_466 : vector<16xf32>
        tpu.vector_store_idx %arg13[%broadcast_in_dim3A_426, %shift_right_logical3A_454, %and3A_457, %add3A_412], %add3A_490 : memref<2x8x8x128xf32, #tpu.memory_space<vmem>>[vector<16xi32>, vector<16xi32>, vector<16xi32>, vector<16xi32>], vector<16xf32>,
        %mul3A_491 = arith.constant 8.000000e+00 : f32
        %mul3A_492 = vector.broadcast %mul3A_491 : f32 to vector<16xf32>
        %mul3A_493 = arith.mulf %gather3A_471, %mul3A_492 : vector<16xf32>
        %add3A_494 = arith.addf %mul3A_493, %gather3A_466 : vector<16xf32>
        tpu.vector_store_idx %arg13[%broadcast_in_dim3A_426, %shift_right_logical3A_454, %and3A_457, %add3A_415], %add3A_494 : memref<2x8x8x128xf32, #tpu.memory_space<vmem>>[vector<16xi32>, vector<16xi32>, vector<16xi32>, vector<16xi32>], vector<16xf32>,
        %mul3A_495 = arith.constant 8.000000e+00 : f32
        %mul3A_496 = vector.broadcast %mul3A_495 : f32 to vector<16xf32>
        %mul3A_497 = arith.mulf %gather3A_472, %mul3A_496 : vector<16xf32>
        %add3A_498 = arith.addf %mul3A_497, %gather3A_466 : vector<16xf32>
        tpu.vector_store_idx %arg13[%broadcast_in_dim3A_426, %shift_right_logical3A_454, %and3A_457, %add3A_418], %add3A_498 : memref<2x8x8x128xf32, #tpu.memory_space<vmem>>[vector<16xi32>, vector<16xi32>, vector<16xi32>, vector<16xi32>], vector<16xf32>,
        %mul3A_499 = arith.constant 8.000000e+00 : f32
        %mul3A_500 = vector.broadcast %mul3A_499 : f32 to vector<16xf32>
        %mul3A_501 = arith.mulf %gather3A_473, %mul3A_500 : vector<16xf32>
        %add3A_502 = arith.addf %mul3A_501, %gather3A_466 : vector<16xf32>
        tpu.vector_store_idx %arg13[%broadcast_in_dim3A_426, %shift_right_logical3A_454, %and3A_457, %add3A_421], %add3A_502 : memref<2x8x8x128xf32, #tpu.memory_space<vmem>>[vector<16xi32>, vector<16xi32>, vector<16xi32>, vector<16xi32>], vector<16xf32>,
        %mul3A_503 = arith.constant 8.000000e+00 : f32
        %mul3A_504 = vector.broadcast %mul3A_503 : f32 to vector<16xf32>
        %mul3A_505 = arith.mulf %gather3A_474, %mul3A_504 : vector<16xf32>
        %add3A_506 = arith.addf %mul3A_505, %gather3A_466 : vector<16xf32>
        tpu.vector_store_idx %arg13[%broadcast_in_dim3A_426, %shift_right_logical3A_454, %and3A_457, %add3A_424], %add3A_506 : memref<2x8x8x128xf32, #tpu.memory_space<vmem>>[vector<16xi32>, vector<16xi32>, vector<16xi32>, vector<16xi32>], vector<16xf32>,
        %scan3A_507 = arith.constant 1 : i32
        %scan3A_508 = arith.addi %scan3A_444, %scan3A_507 : i32
        %mul3A_509 = arith.constant 1 : i32
        %mul3A_510 = arith.muli %scan3A_508, %mul3A_509 : i32
        %add3A_511 = arith.constant 0 : i32
        %add3A_512 = arith.addi %add3A_511, %mul3A_510 : i32
        %add3A_513 = vector.broadcast %add3A_512 : i32 to vector<16xi32>
        %add3A_514 = arith.addi %iota3A, %add3A_513 : vector<16xi32>
        %and3A_515 = arith.constant 63 : i32
        %and3A_516 = vector.broadcast %and3A_515 : i32 to vector<16xi32>
        %and3A_517 = arith.andi %add3A_514, %and3A_516 : vector<16xi32>
        %shift_right_logical3A_518 = arith.constant 3 : i32
        %shift_right_logical3A_519 = vector.broadcast %shift_right_logical3A_518 : i32 to vector<16xi32>
        %shift_right_logical3A_520 = arith.shrui %and3A_517, %shift_right_logical3A_519 : vector<16xi32>
        %and3A_521 = arith.constant 7 : i32
        %and3A_522 = vector.broadcast %and3A_521 : i32 to vector<16xi32>
        %and3A_523 = arith.andi %and3A_517, %and3A_522 : vector<16xi32>
        %mul3A_524 = arith.constant 2 : i32
        %mul3A_525 = arith.muli %add3A_295, %mul3A_524 : i32
        %add3A_526 = arith.constant 1 : i32
        %add3A_527 = arith.addi %mul3A_525, %add3A_526 : i32
        %mul3A_528 = arith.constant 64 : i32
        %mul3A_529 = arith.muli %add3A_527, %mul3A_528 : i32
        %add3A_530 = vector.broadcast %mul3A_529 : i32 to vector<16xi32>
        %add3A_531 = arith.addi %and3A_517, %add3A_530 : vector<16xi32>
        %gather3A_532 = tpu.vector_load_idx %arg9[%add3A_531] : memref<12800xf32, #tpu.memory_space<vmem>>[vector<16xi32>], vector<16xf32>,
        %gather3A_533 = tpu.vector_load_idx %arg11[%add3A_379, %and3A_517] : memref<256x64xf32, #tpu.memory_space<vmem>>[vector<16xi32>, vector<16xi32>], vector<16xf32>,
        %gather3A_534 = tpu.vector_load_idx %arg11[%add3A_382, %and3A_517] : memref<256x64xf32, #tpu.memory_space<vmem>>[vector<16xi32>, vector<16xi32>], vector<16xf32>,
        %gather3A_535 = tpu.vector_load_idx %arg11[%add3A_385, %and3A_517] : memref<256x64xf32, #tpu.memory_space<vmem>>[vector<16xi32>, vector<16xi32>], vector<16xf32>,
        %gather3A_536 = tpu.vector_load_idx %arg11[%add3A_388, %and3A_517] : memref<256x64xf32, #tpu.memory_space<vmem>>[vector<16xi32>, vector<16xi32>], vector<16xf32>,
        %gather3A_537 = tpu.vector_load_idx %arg11[%add3A_391, %and3A_517] : memref<256x64xf32, #tpu.memory_space<vmem>>[vector<16xi32>, vector<16xi32>], vector<16xf32>,
        %gather3A_538 = tpu.vector_load_idx %arg11[%add3A_394, %and3A_517] : memref<256x64xf32, #tpu.memory_space<vmem>>[vector<16xi32>, vector<16xi32>], vector<16xf32>,
        %gather3A_539 = tpu.vector_load_idx %arg11[%add3A_397, %and3A_517] : memref<256x64xf32, #tpu.memory_space<vmem>>[vector<16xi32>, vector<16xi32>], vector<16xf32>,
        %gather3A_540 = tpu.vector_load_idx %arg11[%add3A_400, %and3A_517] : memref<256x64xf32, #tpu.memory_space<vmem>>[vector<16xi32>, vector<16xi32>], vector<16xf32>,
        %mul3A_541 = arith.constant 8.000000e+00 : f32
        %mul3A_542 = vector.broadcast %mul3A_541 : f32 to vector<16xf32>
        %mul3A_543 = arith.mulf %gather3A_533, %mul3A_542 : vector<16xf32>
        %add3A_544 = arith.addf %mul3A_543, %gather3A_532 : vector<16xf32>
        tpu.vector_store_idx %arg13[%broadcast_in_dim3A_426, %shift_right_logical3A_520, %and3A_523, %add3A_403], %add3A_544 : memref<2x8x8x128xf32, #tpu.memory_space<vmem>>[vector<16xi32>, vector<16xi32>, vector<16xi32>, vector<16xi32>], vector<16xf32>,
        %mul3A_545 = arith.constant 8.000000e+00 : f32
        %mul3A_546 = vector.broadcast %mul3A_545 : f32 to vector<16xf32>
        %mul3A_547 = arith.mulf %gather3A_534, %mul3A_546 : vector<16xf32>
        %add3A_548 = arith.addf %mul3A_547, %gather3A_532 : vector<16xf32>
        tpu.vector_store_idx %arg13[%broadcast_in_dim3A_426, %shift_right_logical3A_520, %and3A_523, %add3A_406], %add3A_548 : memref<2x8x8x128xf32, #tpu.memory_space<vmem>>[vector<16xi32>, vector<16xi32>, vector<16xi32>, vector<16xi32>], vector<16xf32>,
        %mul3A_549 = arith.constant 8.000000e+00 : f32
        %mul3A_550 = vector.broadcast %mul3A_549 : f32 to vector<16xf32>
        %mul3A_551 = arith.mulf %gather3A_535, %mul3A_550 : vector<16xf32>
        %add3A_552 = arith.addf %mul3A_551, %gather3A_532 : vector<16xf32>
        tpu.vector_store_idx %arg13[%broadcast_in_dim3A_426, %shift_right_logical3A_520, %and3A_523, %add3A_409], %add3A_552 : memref<2x8x8x128xf32, #tpu.memory_space<vmem>>[vector<16xi32>, vector<16xi32>, vector<16xi32>, vector<16xi32>], vector<16xf32>,
        %mul3A_553 = arith.constant 8.000000e+00 : f32
        %mul3A_554 = vector.broadcast %mul3A_553 : f32 to vector<16xf32>
        %mul3A_555 = arith.mulf %gather3A_536, %mul3A_554 : vector<16xf32>
        %add3A_556 = arith.addf %mul3A_555, %gather3A_532 : vector<16xf32>
        tpu.vector_store_idx %arg13[%broadcast_in_dim3A_426, %shift_right_logical3A_520, %and3A_523, %add3A_412], %add3A_556 : memref<2x8x8x128xf32, #tpu.memory_space<vmem>>[vector<16xi32>, vector<16xi32>, vector<16xi32>, vector<16xi32>], vector<16xf32>,
        %mul3A_557 = arith.constant 8.000000e+00 : f32
        %mul3A_558 = vector.broadcast %mul3A_557 : f32 to vector<16xf32>
        %mul3A_559 = arith.mulf %gather3A_537, %mul3A_558 : vector<16xf32>
        %add3A_560 = arith.addf %mul3A_559, %gather3A_532 : vector<16xf32>
        tpu.vector_store_idx %arg13[%broadcast_in_dim3A_426, %shift_right_logical3A_520, %and3A_523, %add3A_415], %add3A_560 : memref<2x8x8x128xf32, #tpu.memory_space<vmem>>[vector<16xi32>, vector<16xi32>, vector<16xi32>, vector<16xi32>], vector<16xf32>,
        %mul3A_561 = arith.constant 8.000000e+00 : f32
        %mul3A_562 = vector.broadcast %mul3A_561 : f32 to vector<16xf32>
        %mul3A_563 = arith.mulf %gather3A_538, %mul3A_562 : vector<16xf32>
        %add3A_564 = arith.addf %mul3A_563, %gather3A_532 : vector<16xf32>
        tpu.vector_store_idx %arg13[%broadcast_in_dim3A_426, %shift_right_logical3A_520, %and3A_523, %add3A_418], %add3A_564 : memref<2x8x8x128xf32, #tpu.memory_space<vmem>>[vector<16xi32>, vector<16xi32>, vector<16xi32>, vector<16xi32>], vector<16xf32>,
        %mul3A_565 = arith.constant 8.000000e+00 : f32
        %mul3A_566 = vector.broadcast %mul3A_565 : f32 to vector<16xf32>
        %mul3A_567 = arith.mulf %gather3A_539, %mul3A_566 : vector<16xf32>
        %add3A_568 = arith.addf %mul3A_567, %gather3A_532 : vector<16xf32>
        tpu.vector_store_idx %arg13[%broadcast_in_dim3A_426, %shift_right_logical3A_520, %and3A_523, %add3A_421], %add3A_568 : memref<2x8x8x128xf32, #tpu.memory_space<vmem>>[vector<16xi32>, vector<16xi32>, vector<16xi32>, vector<16xi32>], vector<16xf32>,
        %mul3A_569 = arith.constant 8.000000e+00 : f32
        %mul3A_570 = vector.broadcast %mul3A_569 : f32 to vector<16xf32>
        %mul3A_571 = arith.mulf %gather3A_540, %mul3A_570 : vector<16xf32>
        %add3A_572 = arith.addf %mul3A_571, %gather3A_532 : vector<16xf32>
        tpu.vector_store_idx %arg13[%broadcast_in_dim3A_426, %shift_right_logical3A_520, %and3A_523, %add3A_424], %add3A_572 : memref<2x8x8x128xf32, #tpu.memory_space<vmem>>[vector<16xi32>, vector<16xi32>, vector<16xi32>, vector<16xi32>], vector<16xf32>,
      }
      %scan3A_431 = arith.constant 64 : i32
      %mul3A_432 = arith.constant 2 : i32
      %mul3A_433 = arith.muli %add3A_295, %mul3A_432 : i32
      %dma_start3A_434 = arith.constant 0 : i32
      %dma_start3A_435 = arith.constant 0 : i32
      %dma_start3A_436 = arith.constant 0 : i32
      %dma_start3A_437 = tpu.memref_slice %arg5[%mul3A_433, %dma_start3A_434, %add3A, %dma_start3A_435, %dma_start3A_436] : memref<200x8x32x8x128xf32, #tpu.memory_space<hbm>> -> memref<2x8x1x8x128xf32, #tpu.memory_space<hbm>>
      %dma_start3A_438 = tpu.memref_squeeze %dma_start3A_437 : memref<2x8x1x8x128xf32, #tpu.memory_space<hbm>> -> memref<2x8x8x128xf32, #tpu.memory_space<hbm>>
      %dma_start3A_439 = arith.constant 0 : i32
      %dma_start3A_440 = arith.constant 0 : i32
      %dma_start3A_441 = arith.constant 0 : i32
      %dma_start3A_442 = tpu.memref_slice %arg5[%mul3A_433, %dma_start3A_439, %add3A, %dma_start3A_440, %dma_start3A_441] : memref<200x8x32x8x128xf32, #tpu.memory_space<hbm>> -> memref<2x8x1x8x128xf32, #tpu.memory_space<hbm>>
      %dma_start3A_443 = tpu.memref_squeeze %dma_start3A_442 : memref<2x8x1x8x128xf32, #tpu.memory_space<hbm>> -> memref<2x8x8x128xf32, #tpu.memory_space<hbm>>
      tpu.enqueue_dma source(%arg13 : memref<2x8x8x128xf32, #tpu.memory_space<vmem>>) target(%dma_start3A_443 : memref<2x8x8x128xf32, #tpu.memory_space<hbm>>) target_semaphore(%arg17 : memref<!tpu.dma_semaphore, #tpu.memory_space<semaphore_mem>>)
    }
    %scan3A_120 = arith.constant 50 : i32
    %dma_wait3A = arith.constant 196 : i32
    %dma_wait3A_121 = arith.constant 0 : i32
    %dma_wait3A_122 = arith.constant 0 : i32
    %dma_wait3A_123 = arith.constant 0 : i32
    %dma_wait3A_124 = tpu.memref_slice %arg5[%dma_wait3A, %dma_wait3A_121, %add3A, %dma_wait3A_122, %dma_wait3A_123] : memref<200x8x32x8x128xf32, #tpu.memory_space<hbm>> -> memref<2x8x1x8x128xf32, #tpu.memory_space<hbm>>
    %dma_wait3A_125 = tpu.memref_squeeze %dma_wait3A_124 : memref<2x8x1x8x128xf32, #tpu.memory_space<hbm>> -> memref<2x8x8x128xf32, #tpu.memory_space<hbm>>
    %dma_wait3A_126 = arith.constant 196 : i32
    %dma_wait3A_127 = arith.constant 0 : i32
    %dma_wait3A_128 = arith.constant 0 : i32
    %dma_wait3A_129 = arith.constant 0 : i32
    %dma_wait3A_130 = tpu.memref_slice %arg5[%dma_wait3A_126, %dma_wait3A_127, %add3A, %dma_wait3A_128, %dma_wait3A_129] : memref<200x8x32x8x128xf32, #tpu.memory_space<hbm>> -> memref<2x8x1x8x128xf32, #tpu.memory_space<hbm>>
    %dma_wait3A_131 = tpu.memref_squeeze %dma_wait3A_130 : memref<2x8x1x8x128xf32, #tpu.memory_space<hbm>> -> memref<2x8x8x128xf32, #tpu.memory_space<hbm>>
    tpu.wait_dma2 semaphore(%arg16 : memref<!tpu.dma_semaphore, #tpu.memory_space<semaphore_mem>>) src(%arg12 : memref<2x8x8x128xf32, #tpu.memory_space<vmem>>) dst(%dma_wait3A_131 : memref<2x8x8x128xf32, #tpu.memory_space<hbm>>)
    %dma_wait3A_132 = arith.constant 198 : i32
    %dma_wait3A_133 = arith.constant 0 : i32
    %dma_wait3A_134 = arith.constant 0 : i32
    %dma_wait3A_135 = arith.constant 0 : i32
    %dma_wait3A_136 = tpu.memref_slice %arg5[%dma_wait3A_132, %dma_wait3A_133, %add3A, %dma_wait3A_134, %dma_wait3A_135] : memref<200x8x32x8x128xf32, #tpu.memory_space<hbm>> -> memref<2x8x1x8x128xf32, #tpu.memory_space<hbm>>
    %dma_wait3A_137 = tpu.memref_squeeze %dma_wait3A_136 : memref<2x8x1x8x128xf32, #tpu.memory_space<hbm>> -> memref<2x8x8x128xf32, #tpu.memory_space<hbm>>
    %dma_wait3A_138 = arith.constant 198 : i32
    %dma_wait3A_139 = arith.constant 0 : i32
    %dma_wait3A_140 = arith.constant 0 : i32
    %dma_wait3A_141 = arith.constant 0 : i32
    %dma_wait3A_142 = tpu.memref_slice %arg5[%dma_wait3A_138, %dma_wait3A_139, %add3A, %dma_wait3A_140, %dma_wait3A_141] : memref<200x8x32x8x128xf32, #tpu.memory_space<hbm>> -> memref<2x8x1x8x128xf32, #tpu.memory_space<hbm>>
    %dma_wait3A_143 = tpu.memref_squeeze %dma_wait3A_142 : memref<2x8x1x8x128xf32, #tpu.memory_space<hbm>> -> memref<2x8x8x128xf32, #tpu.memory_space<hbm>>
    tpu.wait_dma2 semaphore(%arg17 : memref<!tpu.dma_semaphore, #tpu.memory_space<semaphore_mem>>) src(%arg13 : memref<2x8x8x128xf32, #tpu.memory_space<vmem>>) dst(%dma_wait3A_143 : memref<2x8x8x128xf32, #tpu.memory_space<hbm>>)
    return
  }
}

</mosaic_0001>

<sc_bundles>
// kernel: kernel.3.cloned.1.call-start
scs
__scs_entry_jumppad:
0x0: {  	(pc) =	sbr.rel $0x88, $3  }
0x1: {  	(tag) =	ssettag $0x0;
	lr =	simm.s32 $0x1  }
0x2: {  	[smem:$0x3F9F] =	sst lr;
	_ =	strace $0xD0000000  }
0x3: {  	_ = 	snop  }
0x4: {  	_ = 	snop  }
0x5: {  	_ = 	snop  }
0x6: {  	_ = 	snop  }
0x7: {  	_ = 	snop  }
__scs_overlays_trampoline_lowered:
0x8: {  	[smem:$0x3FAE] =	sst s0  }
0x9: {  	[smem:$0x3FAF] =	sst s1  }
0xa: {  	[smem:$0x3FB0] =	sst s2  }
0xb: {  	[smem:$0x3FB1] =	sst s3  }
0xc: {  	[smem:$0x3FB2] =	sst s4  }
0xd: {  	[smem:$0x3FB3] =	sst s5  }
0xe: {  	[smem:$0x3FB4] =	sst s6  }
0xf: {  	[smem:$0x3FB5] =	sst s7  }
0x10: {  	[smem:$0x3FB6] =	sst s8  }
0x11: {  	[smem:$0x3FB7] =	sst s9;
	s0 =	simm.s32 @!p0 $0x0  }
0x12: {  	s1 =	sld [smem:$0x3F9D];
	s0 =	simm.s32 @p0 $0x1  }
0x13: {  	[smem:$0x3FB8] =	sst s0;
	s0 =	simm.s32 @!p1 $0x0  }
0x14: {  	s2 =	sld [smem:$0x3F9C];
	s0 =	simm.s32 @p1 $0x1  }
0x15: {  	[smem:$0x3FB9] =	sst s0;
	s0 =	simm.s32 @!p2 $0x0  }
0x16: {  	s3 =	sld [smem:$0x3FDB];
	s0 =	simm.s32 @p2 $0x1  }
0x17: {  	s4 =	simm.s32 $0x1BF5;
	[smem:$0x3FBB] =	sst s0  }
0x18: {  	s0 =	sld [smem:$0x3F9E];
	_ =	swait.ge [sflag:s4], $0x0  }
0x19: {  	s7 =	sld [smem:$0x3F9F]  }
0x1a: {  	s8 =	sadd.s32 $0xFFFFE003, lr  }
0x1b: {  	s9 =	sadd.s32 $0xFFFFFEF7, lr;
	s5 =	simm.s32 $0xFFFFFFFF;
	p2 =	slt.u32 s8, $0xFFFFF086  }
0x1c: {  	p1 =	slt.u32 s9, $0xF7A;
	s5 =	simm.s32 @!p2 $0x0  }
0x1d: {  	s5 =	simm.s32 @p1 $0x1;
	p0 =	seq.s32 s7, s2  }
0x1e: {  	s7 =	smul.u32 @!p0 $0xF7A, s2;
	p2 =	seq.s32 @!p0 s5, $0x0  }
0x1f: {  	s9 =	smul.u32 $0xF7A, s1;
	s8 =	simm.s32 @!p0 $0x1BF5;
	p2 =	por !p2, p0  }
0x20: {  	[sflag:s8] =	ssyncset.s32 @!p0 $0xFFFFF086;
	s6 =	sadd.s32 @!p0 s3, s7;
	s7 =	simm.s32 @!p0 $0x108  }
0x21: {  	s3 =	sadd.s32 s3, s9;
	s6 =	sadd.s32 @!p0 $0x88, s6;
	s7 =	simm.s32 @p2 $0x1082  }
0x22: {  	[simem:s7], [sflag:s8] =	dma.local @!p0 [hbm:s6], $0xF7A  }
0x23: {  	s9 =	sor.u32 $0xD0000000, s2;
	s6 =	simm.s32 $0x108;
	_ =	swait.ge @!p0 [sflag:s8], $0x0  }
0x24: {  	s3 =	sadd.s32 $0x88, s3;
	s6 =	simm.s32 @!p1 $0x1082;
	[sflag:s4] =	ssyncset.s32 $0xFFFFF086  }
0x25: {  	[simem:s6], [sflag:s4] =	dma.local [hbm:s3], $0xF7A  }
0x26: {  	[smem:$0x3F9F] =	sst s1;
	(tag) =	ssettag s2;
	_ =	strace s9  }
0x27: {  	s1 =	sld [smem:$0x3FAF]  }
0x28: {  	s2 =	sld [smem:$0x3FB0]  }
0x29: {  	s4 =	sld [smem:$0x3FB2]  }
0x2a: {  	p0 =	seq.s32 s5, $0x0;
	s5 =	sld [smem:$0x3FB3]  }
0x2b: {  	s6 =	sld [smem:$0x3FB4]  }
0x2c: {  	s7 =	sld [smem:$0x3FB5]  }
0x2d: {  	s3 =	simm.s32 $0x108;
	s8 =	sld [smem:$0x3FB6]  }
0x2e: {  	s3 =	simm.s32 @!p0 $0x1082;
	s9 =	sld [smem:$0x3FB7]  }
0x2f: {  	lr =	sadd.s32 s0, s3;
	s0 =	sld [smem:$0x3FAE]  }
0x30: {  	s3 =	sld [smem:$0x3FB1]  }
0x31: {  	[smem:$0x3FBA] =	sst s10  }
0x32: {  	s10 =	sld [smem:$0x3FB8];
	_ =	sdelay $0x3  }
0x33: {  	p0 =	seq.s32 s10, $0x1;
	s10 =	sld [smem:$0x3FBA];
	_ =	sdelay $0x3  }
0x34: {  	[smem:$0x3FBA] =	sst s10  }
0x35: {  	s10 =	sld [smem:$0x3FB9];
	_ =	sdelay $0x3  }
0x36: {  	p1 =	seq.s32 s10, $0x1;
	s10 =	sld [smem:$0x3FBA];
	_ =	sdelay $0x3  }
0x37: {  	[smem:$0x3FBA] =	sst s10  }
0x38: {  	s10 =	sld [smem:$0x3FBB]  }
0x39: {  	_ = 	snop;
	(pc) =	sbr.ind lr, $3  }
0x3a: {  	_ = 	snop  }
0x3b: {  	_ = 	snop  }
0x3c: {  	p2 =	seq.s32 s10, $0x1;
	s10 =	sld [smem:$0x3FBA]  }
0x3d: {  	_ =	shalt  }
0x3e: {  	_ =	shalt  }
0x3f: {  	_ =	shalt  }
0x40: {  	_ =	shalt  }
0x41: {  	_ =	shalt  }
0x42: {  	_ =	shalt  }
0x43: {  	_ =	shalt  }
0x44: {  	_ =	shalt  }
0x45: {  	_ =	shalt  }
0x46: {  	_ =	shalt  }
0x47: {  	_ =	shalt  }
0x48: {  	_ =	shalt  }
0x49: {  	_ =	shalt  }
0x4a: {  	_ =	shalt  }
0x4b: {  	_ =	shalt  }
0x4c: {  	_ =	shalt  }
0x4d: {  	_ =	shalt  }
0x4e: {  	_ =	shalt  }
0x4f: {  	_ =	shalt  }
0x50: {  	_ =	shalt  }
0x51: {  	_ =	shalt  }
0x52: {  	_ =	shalt  }
0x53: {  	_ =	shalt  }
0x54: {  	_ =	shalt  }
0x55: {  	_ =	shalt  }
0x56: {  	_ =	shalt  }
0x57: {  	_ =	shalt  }
0x58: {  	_ =	shalt  }
0x59: {  	_ =	shalt  }
0x5a: {  	_ =	shalt  }
0x5b: {  	_ =	shalt  }
0x5c: {  	_ =	shalt  }
0x5d: {  	_ =	shalt  }
0x5e: {  	_ =	shalt  }
0x5f: {  	_ =	shalt  }
0x60: {  	_ =	shalt  }
0x61: {  	_ =	shalt  }
0x62: {  	_ =	shalt  }
0x63: {  	_ =	shalt  }
0x64: {  	_ =	shalt  }
0x65: {  	_ =	shalt  }
0x66: {  	_ =	shalt  }
0x67: {  	_ =	shalt  }
0x68: {  	_ =	shalt  }
0x69: {  	_ =	shalt  }
0x6a: {  	_ =	shalt  }
0x6b: {  	_ =	shalt  }
0x6c: {  	_ =	shalt  }
0x6d: {  	_ =	shalt  }
0x6e: {  	_ =	shalt  }
0x6f: {  	_ =	shalt  }
0x70: {  	_ =	shalt  }
0x71: {  	_ =	shalt  }
0x72: {  	_ =	shalt  }
0x73: {  	_ =	shalt  }
0x74: {  	_ =	shalt  }
0x75: {  	_ =	shalt  }
0x76: {  	_ =	shalt  }
0x77: {  	_ =	shalt  }
0x78: {  	_ =	shalt  }
0x79: {  	_ =	shalt  }
0x7a: {  	_ =	shalt  }
0x7b: {  	_ =	shalt  }
0x7c: {  	_ =	shalt  }
0x7d: {  	_ =	shalt  }
0x7e: {  	_ =	shalt  }
0x7f: {  	_ =	shalt  }
0x80: {  	_ =	shalt  }
0x81: {  	_ =	shalt  }
0x82: {  	_ =	shalt  }
0x83: {  	_ =	shalt  }
0x84: {  	_ =	shalt  }
0x85: {  	_ =	shalt  }
0x86: {  	_ =	shalt  }
0x87: {  	_ =	shalt  }
.Lfunc_end0:
.L_simem_size_0:
called_computation_lowered:
.L_overlay_start_0:
0x88: {  	s2 =	sld [smem:$0x3FD9]  }
0x89: {  	s3 =	sld [smem:$0x3FFE];
	_ =	sdelay $0x1  }
0x8a: {  	s1 =	srdreg.scid  }
0x8b: {  	s0 =	sand.u32 $0x1, s1  }
0x8c: {  	s17 =	sshll.u32 s0, $0xA;
	s2 =	sadd.s32 s3, s2  }
0x8d: {  	s2 =	sadd.s32 s2, s17  }
0x8e: {  	[smem:$0x3FC6] =	sst s2  }
0x8f: {  	_ = 	snop  }
0x90: {  	s2 =	sld [smem:$0x3FD0];
	(tm) =	ssettm $0x1  }
0x91: {  	s18 =	sld [smem:$0x3FFB];
	_ =	sdelay $0x3  }
0x92: {  	_ =	strace s18  }
0x93: {  	s3 =	sld [smem:$0x3FFC];
	_ =	sdelay $0x3  }
0x94: {  	_ =	strace s3  }
0x95: {  	s3 =	sld [smem:$0x3FFD];
	_ =	sdelay $0x3  }
0x96: {  	_ =	strace s3  }
0x97: {  	_ =	strace $0x8FFFFFFF  }
0x98: {  	s19 =	sld [smem:$0x3FDB];
	_ =	sdelay $0x1  }
0x99: {  	s4 =	simm.s32 $_scs_section_size  }
0x9a: {  	s5 =	simm.s32 $_size__tile_overlayer_lowered;
	s6 =	simm.s32 $_tile_overlayer_lowered  }
0x9b: {  	s22 =	simm.s32 $0x1BFF;
	s21 =	sshll.u32 s6, $0x1;
	s3 =	sadd.s32 s4, s19  }
0x9c: {  	s7 =	simm.s32 $0x0;
	s20 =	sshll.u32 s5, $0x1;
	s5 =	sadd.s32 s21, s3  }
0x9d: {  	[timem:s7], [sflag:s22] =	dma.local [hbm:s5], s20  }
0x9e: {  	_ =	swait.ge [sflag:s22], s20  }
0x9f: {  	s4 =	ssub.s32 $0x0, s20;
	[sflag:s22] =	ssyncset.done $0x0  }
0xa0: {  	[sflag:s22] =	ssyncadd.s32 s4;
	_ =	sdelay $0x1  }
0xa1: {  	s23 =	simm.s32 $0x1B8B  }
0xa2: {  	_ =	swait.ge [sflag:s23], $0x1  }
0xa3: {  	[sflag:s23] =	ssyncset.done $0x0  }
0xa4: {  	s25 =	simm.s32 $0x1B8E;
	s24 =	sld [smem:$0x3FFE];
	[sflag:s23] =	ssyncadd.s32 $0xFFFFFFFF  }
0xa5: {  	s26 =	simm.s32 $execute0_lowered;
	[smem:$0x3FD2] =	sst s25  }
0xa6: {  	s5 =	sshll.u32 s26, $0x1;
	_ =	strace $0x80000046;
	[dreg:$0x1] =	wrdreg $0xFFFFFFFF  }
0xa7: {  	s28 =	simm.s32 $_size_execute0_lowered;
	s3 =	sadd.s32 s3, s5;
	[dreg:$0x0] =	wrdreg $0x0  }
0xa8: {  	s5 =	sshll.u32 s28, $0x1;
	[dreg:$0x2] =	wrdreg s3  }
0xa9: {  	[dreg:$0x3] =	wrdreg s5  }
0xaa: {  	[dreg:$0x4] =	wrdreg $0xC0  }
0xab: {  	_ =	task [dreg:s7], $0x5FFFF  }
0xac: {  	[dreg:$0x1] =	wrdreg $0xFFFFFFFF  }
0xad: {  	[dreg:$0x0] =	wrdreg $0x60  }
0xae: {  	[dreg:$0x2] =	wrdreg s24  }
0xaf: {  	[dreg:$0x3] =	wrdreg s2  }
0xb0: {  	[dreg:$0x4] =	wrdreg $0x9  }
0xb1: {  	_ =	task.clear_ibuf [dreg:s7], $0x5FFFF;
	_ =	strace $0x90000046  }
0xb2: {  	s29 =	simm.s32 $0x9;
	_ =	strace $0x80000048  }
0xb3: {  	_ =	swait.ge [sflag:s29], $0x1  }
0xb4: {  	[sflag:s29] =	ssyncadd.s32 $0xFFFFFFFF  }
0xb5: {  	_ =	strace $0x90000048  }
0xb6: {  	_ =	sfence  }
0xb7: {  	s30 =	sld [smem:$0x0];
	_ =	sdelay $0x2  }
0xb8: {  	s31 =	sshll.u32 s1, $0xD;
	s1 =	sshrl.u32 s1, $0x2  }
0xb9: {  	s3 =	sand.u32 $0x4000, s31;
	s1 =	sadd.s32 s1, s30  }
0xba: {  	s0 =	sor.u32 s3, s0;
	s1 =	sshll.u32 s1, $0x11  }
0xbb: {  	s0 =	sor.u32 s1, s0  }
0xbc: {  	s0 =	sadd.s32 $0x8F2B, s0  }
0xbd: {  	[sflag:s0] =	ssyncadd.remote.s32 $0x1  }
0xbe: {  	_ =	sfence.sel $0xFFFF  }
0xbf: {  	[dreg:$0x0] =	wrdreg $0xFFFFFFFF;
	(pc) =	sbr.abs _section_cstart, $3  }
0xc0: {  	[dreg:$0x1] =	wrdreg $0xFFFFFFFF  }
0xc1: {  	_ =	task.clear_ibuf [dreg:s7], $0x2FFFF;
	_ =	strace $0x9FFFFFFF  }
0xc2: {  	(tm) =	ssettm $0x7FFFFFFF  }
0xc3: {  	_ =	shalt  }
tec
execute0_lowered:
.L_overlay_start_1:
0x0: {  	(tag) =	ssettag $0x1  }
0x1: {  	v0 =	vlaneseq.u32  }
0x2: {  	v1 =	vmul.u32 $0xC8, v0;
	v14 =	vmul.u32 $0x40, v0  }
0x3: {  	v25 =	vor.u32 $0x10, v0;
	v26 =	vor.u32 $0x20, v0;
	v27 =	vor.u32 $0x30, v0  }
0x4: {  	s5 =	rddreg [dreg:$0x0];
	s0 =	srdreg.scid;
	v28 =	vor.u32 $0x40, v0;
	v29 =	vor.u32 $0x50, v0;
	v30 =	vor.u32 $0x60, v0  }
0x5: {  	s1 =	stileid.u32;
	s3 =	rddreg [dreg:$0x1];
	v31 =	vor.u32 $0x70, v0;
	v40 =	vor.u32 $0x2000, v0;
	v2 =	vadd.s32 $0xC80, v1  }
0x6: {  	s4 =	simm.s32 $0x0;
	s9 =	simm.s32 $0x6600;
	s12 =	simm.s32 $0x6400;
	v41 =	vor.u32 $0x2010, v0;
	v42 =	vor.u32 $0x2020, v0;
	[tilespmem:$0x1FF60] =	vst v2;
	v2 =	vadd.s32 $0x1900, v1  }
0x7: {  	s10 =	simm.s32 $0x5;
	s13 =	simm.s32 $0x9800;
	s14 =	simm.s32 $0x6480;
	v43 =	vor.u32 $0x2030, v0;
	v44 =	vor.u32 $0x2040, v0;
	[tilespmem:$0x1FF70] =	vst v2;
	v2 =	vadd.s32 $0x2580, v1  }
0x8: {  	s11 =	simm.s32 $0x80;
	s15 =	simm.s32 $0xB800;
	s17 =	simm.s32 $0x6500;
	v45 =	vor.u32 $0x2050, v0;
	v46 =	vor.u32 $0x2060, v0;
	[tilespmem:$0x1FF80] =	vst v2;
	v2 =	vadd.s32 $0x3200, v1  }
0x9: {  	s16 =	simm.s32 $0x1;
	s18 =	simm.s32 $0xD800;
	s19 =	simm.s32 $0x6580;
	v47 =	vor.u32 $0x2070, v0;
	v12 =	vadd.s32 $0x2581, v1;
	[tilespmem:$0x1FF90] =	vst v2;
	v2 =	vadd.s32 $0x3E80, v1  }
0xa: {  	s20 =	simm.s32 $0xF800;
	s0 =	sand.u32 $0x1, s0;
	s1 =	sshll.u32 s1, $0x1;
	v13 =	vadd.s32 $0x3201, v1;
	v15 =	vadd.s32 $0x3E81, v1;
	[tilespmem:$0x1FFA0] =	vst v2;
	v2 =	vadd.s32 $0x4B00, v1  }
0xb: {  	s21 =	simm.s32 $0x11800;
	s22 =	simm.s32 $0x400;
	s1 =	sor.u32 s0, s1;
	v16 =	vadd.s32 $0x4B01, v1;
	v17 =	vadd.s32 $0x5781, v1;
	[tilespmem:$0x1FFB0] =	vst v2;
	v2 =	vadd.s32 $0x5780, v1  }
0xc: {  	s23 =	simm.s32 $0x8000;
	s24 =	simm.s32 $0x2;
	s2 =	smul.u32 $0xC80, s1;
	v18 =	vor.u32 $0x400, v14;
	v19 =	vor.u32 $0x800, v14;
	[tilespmem:$0x1FFC0] =	vst v2;
	v2 =	vor.u32 $0x1, v1  }
0xd: {  	s25 =	simm.s32 $0x15800;
	s28 =	simm.s32 $0x4;
	s0 =	ssub.s32 $0x2, s0;
	v20 =	vor.u32 $0xC00, v14;
	v21 =	vor.u32 $0x1000, v14;
	[tilespmem:$0x1FFD0] =	vst v2;
	v2 =	vadd.s32 $0xC81, v1  }
0xe: {  	s29 =	simm.s32 $0x0;
	s6 =	sshrl.u32 s0, $0x1;
	v22 =	vor.u32 $0x1400, v14;
	v23 =	vor.u32 $0x1800, v14;
	s2 =	sadd.s32 s2, s5;
	[tilespmem:$0x1FFE0] =	vst v2;
	v2 =	vadd.s32 $0x1901, v1  }
0xf: {  	[smem:$0x7FF] =	sst s4;
	v24 =	vor.u32 $0x1C00, v14;
	v32 =	vor.u32 $0x2000, v14;
	v33 =	vor.u32 $0x2400, v14;
	s0 =	ssub.s32 s0, s6;
	s2 =	sadd.s32 $0x800, s2;
	[tilespmem:$0x1FFF0] =	vst v2  }
0x10: {  	v34 =	vor.u32 $0x2800, v14;
	v35 =	vor.u32 $0x2C00, v14;
	v36 =	vor.u32 $0x3000, v14;
	s0 =	smax.u32 s0, $0x1;
	_ =	strace $0x80000047;
	[dreg:$0x3] =	wrdreg s2  }
0x11: {  	s7 =	sshll.u32 s1, $0xA;
	v37 =	vor.u32 $0x3400, v14;
	v38 =	vor.u32 $0x3800, v14;
	v39 =	vor.u32 $0x3C00, v14;
	s5 =	sadd.s32 $0xF42C00, s5;
	[dreg:$0x4] =	wrdreg s0  }
.LBB2_1:
0x12: {  	s0 =	rddreg [dreg:$0x0]  }
0x13: {  	[tilespmem:s9], [sflag:$0x5] =	stream.linear.gather [hbm4b:s0+s4], $0x3200, $0x38;
	[tilespmem:$0x19800] =	vst v63  }
0x14: {  	_ =	swait.ge [sflag:s10], $0x3200  }
0x15: {  	[sflag:s10] =	ssyncset.done $0x0  }
0x16: {  	s31 =	rddreg [dreg:$0x3];
	[sflag:s10] =	ssyncadd.s32 $0xFFFFCE00  }
0x17: {  	[tilespmem:s4], [sflag:$0x5] =	stream.linear.gather [hbm4b:s31+s4], $0x6400, $0x38;
	[tilespmem:$0x19800] =	vst v63  }
0x18: {  	_ =	swait.ge [sflag:s10], $0x6400  }
0x19: {  	[sflag:s10] =	ssyncset.done $0x0  }
0x1a: {  	[sflag:s10] =	ssyncadd.s32 $0xFFFF9C00  }
0x1b: {  	v2 =	vld.idx.msk [tilespmem:v1+s4+$0x0], $0xffff;
	_ =	sdelay $0x4  }
0x1c: {  	[tilespmem:$0x6400] =	vst v2;
	v2 =	vld [tilespmem:$0x1FF60];
	_ =	sdelay $0x7  }
0x1d: {  	v2 =	vld.idx.msk [tilespmem:v2+s4+$0x0], $0xffff;
	_ =	sdelay $0x4  }
0x1e: {  	[tilespmem:$0x6410] =	vst v2;
	v2 =	vld [tilespmem:$0x1FF70];
	_ =	sdelay $0x7  }
0x1f: {  	v2 =	vld.idx.msk [tilespmem:v2+s4+$0x0], $0xffff;
	_ =	sdelay $0x4  }
0x20: {  	[tilespmem:$0x6420] =	vst v2;
	v2 =	vld [tilespmem:$0x1FF80];
	_ =	sdelay $0x7  }
0x21: {  	v2 =	vld.idx.msk [tilespmem:v2+s4+$0x0], $0xffff;
	_ =	sdelay $0x4  }
0x22: {  	[tilespmem:$0x6430] =	vst v2;
	v2 =	vld [tilespmem:$0x1FF90];
	_ =	sdelay $0x7  }
0x23: {  	v2 =	vld.idx.msk [tilespmem:v2+s4+$0x0], $0xffff;
	_ =	sdelay $0x4  }
0x24: {  	[tilespmem:$0x6440] =	vst v2;
	v2 =	vld [tilespmem:$0x1FFA0];
	_ =	sdelay $0x7  }
0x25: {  	v2 =	vld.idx.msk [tilespmem:v2+s4+$0x0], $0xffff;
	_ =	sdelay $0x4  }
0x26: {  	[tilespmem:$0x6450] =	vst v2;
	v2 =	vld [tilespmem:$0x1FFB0];
	_ =	sdelay $0x7  }
0x27: {  	v2 =	vld.idx.msk [tilespmem:v2+s4+$0x0], $0xffff;
	_ =	sdelay $0x4  }
0x28: {  	[tilespmem:$0x6460] =	vst v2;
	v2 =	vld [tilespmem:$0x1FFC0];
	_ =	sdelay $0x7  }
0x29: {  	v2 =	vld.idx.msk [tilespmem:v2+s4+$0x0], $0xffff;
	_ =	sdelay $0x4  }
0x2a: {  	[tilespmem:$0x6470] =	vst v2;
	v2 =	vld [tilespmem:$0x1FFD0];
	_ =	sdelay $0x7  }
0x2b: {  	v2 =	vld.idx.msk [tilespmem:v2+s4+$0x0], $0xffff;
	_ =	sdelay $0x4  }
0x2c: {  	[tilespmem:$0x6480] =	vst v2;
	v2 =	vld [tilespmem:$0x1FFE0];
	_ =	sdelay $0x7  }
0x2d: {  	v2 =	vld.idx.msk [tilespmem:v2+s4+$0x0], $0xffff;
	_ =	sdelay $0x4  }
0x2e: {  	[tilespmem:$0x6490] =	vst v2;
	v2 =	vld [tilespmem:$0x1FFF0];
	_ =	sdelay $0x7  }
0x2f: {  	v2 =	vld.idx.msk [tilespmem:v2+s4+$0x0], $0xffff;
	_ =	sdelay $0x4  }
0x30: {  	[tilespmem:$0x64A0] =	vst v2  }
0x31: {  	v2 =	vld.idx.msk [tilespmem:v12+s4+$0x0], $0xffff;
	_ =	sdelay $0x4  }
0x32: {  	[tilespmem:$0x64B0] =	vst v2  }
0x33: {  	v2 =	vld.idx.msk [tilespmem:v13+s4+$0x0], $0xffff;
	_ =	sdelay $0x4  }
0x34: {  	[tilespmem:$0x64C0] =	vst v2  }
0x35: {  	v2 =	vld.idx.msk [tilespmem:v15+s4+$0x0], $0xffff;
	_ =	sdelay $0x4  }
0x36: {  	[tilespmem:$0x64D0] =	vst v2  }
0x37: {  	v2 =	vld.idx.msk [tilespmem:v16+s4+$0x0], $0xffff;
	_ =	sdelay $0x4  }
0x38: {  	[tilespmem:$0x64E0] =	vst v2  }
0x39: {  	v2 =	vld.idx.msk [tilespmem:v17+s4+$0x0], $0xffff;
	_ =	sdelay $0x4  }
0x3a: {  	[tilespmem:$0x64F0] =	vst v2  }
0x3b: {  	[tilespmem:s13], [sflag:$0x1] =	stream.indirect.gather [hbm4b:s5+s11], $0x40, s12, s11, $0xb8;
	[tilespmem:$0x19800] =	vst v63  }
0x3c: {  	s30 =	simm.s32 $0x0  }
0x3d: {  	[tilespmem:s15], [sflag:$0x1] =	stream.indirect.gather [hbm4b:s5+s11], $0x40, s14, s11, $0xb8;
	[tilespmem:$0x19800] =	vst v63  }
.LBB2_2:
0x3e: {  	s31 =	sshll.u32 s30, $0x2  }
0x3f: {  	s0 =	sor.u32 $0x2, s31  }
0x40: {  	v2 =	vmov s0;
	v3 =	vadd.s32 s0, v1  }
0x41: {  	_ =	swait.ge [sflag:s16], $0x2000;
	v3 =	vand.u32 $0x1FF8, v3;
	v2 =	vand.u32 $0x6, v2  }
0x42: {  	[sflag:s16] =	ssyncset.done $0x0;
	v2 =	vor.u32 v2, v3  }
0x43: {  	[sflag:s16] =	ssyncadd.s32 $0xFFFFE000  }
0x44: {  	_ =	swait.ge [sflag:s16], $0x2000  }
0x45: {  	s8 =	sadd.s32 $0xC82, s31;
	[sflag:s16] =	ssyncset.done $0x0  }
0x46: {  	v4 =	vadd.s32 s8, v1;
	v3 =	vmov s8;
	[sflag:s16] =	ssyncadd.s32 $0xFFFFE000  }
0x47: {  	v4 =	vand.u32 $0x1FF8, v4;
	v3 =	vand.u32 $0x6, v3;
	v2 =	vld.idx.msk [tilespmem:v2+s4+$0x0], $0xffff  }
0x48: {  	v3 =	vor.u32 v3, v4;
	_ =	sdelay $0x2  }
0x49: {  	s26 =	sor.u32 $0x1902, s31  }
0x4a: {  	v4 =	vadd.s32 s26, v1;
	[tilespmem:$0x6500] =	vst v2;
	v2 =	vmov s26  }
0x4b: {  	v4 =	vand.u32 $0x3FF8, v4;
	v3 =	vld.idx.msk [tilespmem:v3+s4+$0x0], $0xffff;
	v2 =	vand.u32 $0x6, v2  }
0x4c: {  	v2 =	vor.u32 v2, v4;
	_ =	sdelay $0x2  }
0x4d: {  	s1 =	sadd.s32 $0x2582, s31  }
0x4e: {  	v4 =	vadd.s32 s1, v1;
	[tilespmem:$0x6510] =	vst v3;
	v3 =	vmov s1  }
0x4f: {  	v4 =	vand.u32 $0x3FF8, v4;
	v2 =	vld.idx.msk [tilespmem:v2+s4+$0x0], $0xffff;
	v3 =	vand.u32 $0x6, v3  }
0x50: {  	v3 =	vor.u32 v3, v4;
	_ =	sdelay $0x2  }
0x51: {  	s2 =	sor.u32 $0x3202, s31  }
0x52: {  	v4 =	vadd.s32 s2, v1;
	[tilespmem:$0x6520] =	vst v2;
	v2 =	vmov s2  }
0x53: {  	v4 =	vand.u32 $0x7FF8, v4;
	v3 =	vld.idx.msk [tilespmem:v3+s4+$0x0], $0xffff;
	v2 =	vand.u32 $0x6, v2  }
0x54: {  	v2 =	vor.u32 v2, v4;
	_ =	sdelay $0x2  }
0x55: {  	s6 =	sadd.s32 $0x3E82, s31  }
0x56: {  	v4 =	vadd.s32 s6, v1;
	[tilespmem:$0x6530] =	vst v3;
	v3 =	vmov s6  }
0x57: {  	v4 =	vand.u32 $0x7FF8, v4;
	v2 =	vld.idx.msk [tilespmem:v2+s4+$0x0], $0xffff;
	v3 =	vand.u32 $0x6, v3  }
0x58: {  	v3 =	vor.u32 v3, v4;
	_ =	sdelay $0x2  }
0x59: {  	s8 =	sor.u32 $0x4B02, s31  }
0x5a: {  	v4 =	vadd.s32 s8, v1;
	[tilespmem:$0x6540] =	vst v2;
	v2 =	vmov s8  }
0x5b: {  	v4 =	vand.u32 $0x5FF8, v4;
	v3 =	vld.idx.msk [tilespmem:v3+s4+$0x0], $0xffff;
	v2 =	vand.u32 $0x6, v2  }
0x5c: {  	v2 =	vor.u32 v2, v4;
	_ =	sdelay $0x2  }
0x5d: {  	s26 =	sadd.s32 $0x5782, s31  }
0x5e: {  	v4 =	vadd.s32 s26, v1;
	[tilespmem:$0x6550] =	vst v3;
	v3 =	vmov s26  }
0x5f: {  	v4 =	vand.u32 $0x7FF8, v4;
	v2 =	vld.idx.msk [tilespmem:v2+s4+$0x0], $0xffff;
	v3 =	vand.u32 $0x6, v3  }
0x60: {  	v3 =	vor.u32 v3, v4;
	_ =	sdelay $0x3  }
0x61: {  	[tilespmem:$0x6560] =	vst v2  }
0x62: {  	s1 =	sshllo.u32 s30, $0x2;
	v2 =	vld.idx.msk [tilespmem:v3+s4+$0x0], $0xffff  }
0x63: {  	v3 =	vadd.s32 s1, v1;
	_ =	sdelay $0x3  }
0x64: {  	[tilespmem:$0x6570] =	vst v2  }
0x65: {  	s2 =	sadd.s32 $0xC83, s31;
	v2 =	vld.idx.msk [tilespmem:v3+s4+$0x0], $0xffff  }
0x66: {  	v3 =	vadd.s32 s2, v1;
	_ =	sdelay $0x3  }
0x67: {  	[tilespmem:$0x6580] =	vst v2  }
0x68: {  	s6 =	sor.u32 $0x1903, s31;
	v2 =	vld.idx.msk [tilespmem:v3+s4+$0x0], $0xffff  }
0x69: {  	v3 =	vadd.s32 s6, v1;
	_ =	sdelay $0x3  }
0x6a: {  	[tilespmem:$0x6590] =	vst v2  }
0x6b: {  	s8 =	sadd.s32 $0x2583, s31;
	v2 =	vld.idx.msk [tilespmem:v3+s4+$0x0], $0xffff  }
0x6c: {  	v3 =	vadd.s32 s8, v1;
	_ =	sdelay $0x3  }
0x6d: {  	[tilespmem:$0x65A0] =	vst v2  }
0x6e: {  	s26 =	sor.u32 $0x3203, s31;
	v2 =	vld.idx.msk [tilespmem:v3+s4+$0x0], $0xffff  }
0x6f: {  	v3 =	vadd.s32 s26, v1;
	_ =	sdelay $0x3  }
0x70: {  	[tilespmem:$0x65B0] =	vst v2  }
0x71: {  	s1 =	sadd.s32 $0x3E83, s31;
	v2 =	vld.idx.msk [tilespmem:v3+s4+$0x0], $0xffff  }
0x72: {  	v3 =	vadd.s32 s1, v1;
	_ =	sdelay $0x3  }
0x73: {  	[tilespmem:$0x65C0] =	vst v2  }
0x74: {  	s2 =	sor.u32 $0x4B03, s31;
	v2 =	vld.idx.msk [tilespmem:v3+s4+$0x0], $0xffff  }
0x75: {  	v3 =	vadd.s32 s2, v1;
	_ =	sdelay $0x3  }
0x76: {  	[tilespmem:$0x65D0] =	vst v2  }
0x77: {  	s6 =	sadd.s32 $0x5783, s31;
	v2 =	vld.idx.msk [tilespmem:v3+s4+$0x0], $0xffff  }
0x78: {  	v3 =	vadd.s32 s6, v1;
	_ =	sdelay $0x3  }
0x79: {  	[tilespmem:$0x65E0] =	vst v2  }
0x7a: {  	v2 =	vld.idx.msk [tilespmem:v3+s4+$0x0], $0xffff;
	_ =	sdelay $0x3  }
0x7b: {  	s8 =	simm.s32 $0x0  }
0x7c: {  	p0 =	seq.s32 s30, $0x0;
	[tilespmem:$0x65F0] =	vst v2;
	v2 =	vadd.s32 s8, v0  }
0x7d: {  	[tilespmem:s18], [sflag:$0x2] =	stream.indirect.gather [hbm4b:s5+s11], $0x40, s17, s11, $0xb8;
	v3 =	vand.u32 $0x3F, v2;
	[tilespmem:$0x19800] =	vst v63  }
0x7e: {  	s0 =	simm.s32 @!p0 $0x3;
	s1 =	sshll.u32 s30, $0x8;
	v4 =	vor.u32 v19, v3  }
0x7f: {  	v5 =	vor.u32 v14, v3;
	[tilespmem:s20], [sflag:$0x2] =	stream.indirect.gather [hbm4b:s5+s11], $0x40, s19, s11, $0xb8;
	[tilespmem:$0x19800] =	vst v63  }
0x80: {  	v48 =	vmov s1;
	v6 =	vor.u32 v18, v3;
	_ =	swait.ge @!p0 [sflag:s0], $0x4000  }
0x81: {  	v7 =	vor.u32 v48, v3;
	[sflag:s0] =	ssyncset.done @!p0 $0x0  }
0x82: {  	v8 =	vor.u32 v20, v3;
	[sflag:s0] =	ssyncadd.s32 @!p0 $0xFFFFC000  }
0x83: {  	v49 =	vor.u32 v21, v3;
	v4 =	vld.idx.msk [tilespmem:v4+s13+$0x0], $0xffff  }
0x84: {  	v50 =	vor.u32 v22, v3;
	v5 =	vld.idx.msk [tilespmem:v5+s13+$0x0], $0xffff  }
0x85: {  	v51 =	vor.u32 v23, v3;
	v6 =	vld.idx.msk [tilespmem:v6+s13+$0x0], $0xffff  }
0x86: {  	v2 =	vshll.u32 v2, $0x7;
	v3 =	vor.u32 v24, v3;
	v7 =	vld.idx.msk [tilespmem:v7+s9+$0x0], $0xffff  }
0x87: {  	v2 =	vand.u32 $0x1F80, v2;
	v8 =	vld.idx.msk [tilespmem:v8+s13+$0x0], $0xffff  }
0x88: {  	s26 =	simm.s32 $0x1;
	v52 =	vor.u32 v0, v2;
	v49 =	vld.idx.msk [tilespmem:v49+s13+$0x0], $0xffff  }
0x89: {  	v58 =	vadd.s32 s26, v0;
	v53 =	vor.u32 v25, v2;
	v50 =	vld.idx.msk [tilespmem:v50+s13+$0x0], $0xffff;
	v5 =	vmul.f32 $8.000000000e+00, v5  }
0x8a: {  	v54 =	vor.u32 v26, v2;
	v55 =	vor.u32 v31, v2;
	v51 =	vld.idx.msk [tilespmem:v51+s13+$0x0], $0xffff;
	v6 =	vmul.f32 $8.000000000e+00, v6  }
0x8b: {  	v56 =	vor.u32 v27, v2;
	v3 =	vld.idx.msk [tilespmem:v3+s13+$0x0], $0xffff;
	v4 =	vmul.f32 $8.000000000e+00, v4;
	v5 =	vadd.f32 v5, v7  }
0x8c: {  	v57 =	vor.u32 v28, v2;
	v8 =	vmul.f32 $8.000000000e+00, v8;
	v6 =	vadd.f32 v6, v7  }
0x8d: {  	v63 =	vor.u32 v29, v2;
	v4 =	vadd.f32 v4, v7;
	[tilespmem:v52+s21+$0x0] =	vst.idx.msk $0xffff, v5;
	v5 =	vmul.f32 $8.000000000e+00, v49  }
0x8e: {  	v2 =	vor.u32 v30, v2;
	[tilespmem:v53+s21+$0x0] =	vst.idx.msk $0xffff, v6;
	v6 =	vadd.f32 v8, v7;
	v8 =	vmul.f32 $8.000000000e+00, v50  }
0x8f: {  	v59 =	vand.u32 $0x3F, v58;
	[tilespmem:v54+s21+$0x0] =	vst.idx.msk $0xffff, v4;
	v4 =	vadd.f32 v5, v7;
	v5 =	vmul.f32 $8.000000000e+00, v51  }
0x90: {  	v3 =	vmul.f32 $8.000000000e+00, v3;
	[tilespmem:v56+s21+$0x0] =	vst.idx.msk $0xffff, v6;
	v6 =	vadd.f32 v8, v7;
	v8 =	vor.u32 v14, v59  }
0x91: {  	[tilespmem:v57+s21+$0x0] =	vst.idx.msk $0xffff, v4;
	v4 =	vadd.f32 v5, v7;
	v5 =	vor.u32 v18, v59  }
0x92: {  	v3 =	vadd.f32 v3, v7;
	v7 =	vor.u32 v21, v59;
	[tilespmem:v63+s21+$0x0] =	vst.idx.msk $0xffff, v6  }
0x93: {  	v6 =	vor.u32 v48, v59;
	[tilespmem:v2+s21+$0x0] =	vst.idx.msk $0xffff, v4  }
0x94: {  	v2 =	vor.u32 v19, v59;
	[tilespmem:v55+s21+$0x0] =	vst.idx.msk $0xffff, v3  }
0x95: {  	v3 =	vor.u32 v20, v59;
	v4 =	vld.idx.msk [tilespmem:v8+s13+$0x0], $0xffff  }
0x96: {  	v55 =	vor.u32 v22, v59;
	v8 =	vshll.u32 v58, $0x7;
	v5 =	vld.idx.msk [tilespmem:v5+s13+$0x0], $0xffff  }
0x97: {  	v50 =	vand.u32 $0x1F80, v8;
	v8 =	vor.u32 v23, v59;
	v63 =	vld.idx.msk [tilespmem:v7+s13+$0x0], $0xffff  }
0x98: {  	v9 =	vor.u32 v24, v59;
	v49 =	vld.idx.msk [tilespmem:v6+s9+$0x0], $0xffff;
	v52 =	vor.u32 v27, v50  }
0x99: {  	s0 =	simm.s32 $0x2;
	v58 =	vor.u32 v26, v50;
	v54 =	vor.u32 v28, v50;
	v53 =	vor.u32 v29, v50;
	v62 =	vld.idx.msk [tilespmem:v2+s13+$0x0], $0xffff  }
0x9a: {  	v6 =	vor.u32 v0, v50;
	v2 =	vor.u32 v25, v50;
	v61 =	vld.idx.msk [tilespmem:v3+s13+$0x0], $0xffff;
	v3 =	vadd.s32 s0, v0  }
0x9b: {  	v51 =	vand.u32 $0x3F, v3;
	v60 =	vshll.u32 v3, $0x7;
	v3 =	vld.idx.msk [tilespmem:v55+s13+$0x0], $0xffff;
	v10 =	vmul.f32 $8.000000000e+00, v4  }
0x9c: {  	v56 =	vor.u32 v14, v51;
	v55 =	vor.u32 v18, v51;
	v4 =	vld.idx.msk [tilespmem:v8+s13+$0x0], $0xffff;
	v7 =	vmul.f32 $8.000000000e+00, v5  }
0x9d: {  	s2 =	sshll.u32 s30, $0x1;
	s6 =	simm.s32 $0x4;
	v57 =	vor.u32 v48, v51;
	v59 =	vor.u32 v19, v51;
	v5 =	vld.idx.msk [tilespmem:v9+s13+$0x0], $0xffff;
	v8 =	vadd.f32 v10, v49  }
.LBB2_3:
0x9e: {  	p1 =	slt.u32 s6, $0x3E;
	v9 =	vor.u32 v20, v51;
	v10 =	vor.u32 v21, v51;
	v62 =	vmul.f32 $8.000000000e+00, v62;
	s8 =	smov.u32 s6;
	s6 =	sadd.s32 $0x2, s6  }
0x9f: {  	v11 =	vor.u32 v22, v51;
	[tilespmem:v6+s21+$0x0] =	vst.idx.msk $0xffff, v8;
	v6 =	vadd.f32 v7, v49;
	v7 =	vmul.f32 $8.000000000e+00, v61  }
0xa0: {  	v8 =	vand.u32 $0x1F80, v60;
	v61 =	vmul.f32 $8.000000000e+00, v63;
	v60 =	vadd.f32 v62, v49  }
0xa1: {  	v3 =	vmul.f32 $8.000000000e+00, v3;
	[tilespmem:v2+s21+$0x0] =	vst.idx.msk $0xffff, v6;
	v2 =	vadd.f32 v7, v49;
	v6 =	vor.u32 v30, v50  }
0xa2: {  	v7 =	vadd.f32 v61, v49;
	v4 =	vmul.f32 $8.000000000e+00, v4;
	v50 =	vor.u32 v31, v50;
	[tilespmem:v58+s21+$0x0] =	vst.idx.msk $0xffff, v60  }
0xa3: {  	[tilespmem:v52+s21+$0x0] =	vst.idx.msk $0xffff, v2;
	v2 =	vadd.f32 v3, v49;
	v3 =	vmul.f32 $8.000000000e+00, v5  }
0xa4: {  	v4 =	vadd.f32 v4, v49;
	[tilespmem:v54+s21+$0x0] =	vst.idx.msk $0xffff, v7  }
0xa5: {  	[tilespmem:v53+s21+$0x0] =	vst.idx.msk $0xffff, v2;
	v2 =	vadd.f32 v3, v49  }
0xa6: {  	[tilespmem:v6+s21+$0x0] =	vst.idx.msk $0xffff, v4  }
0xa7: {  	[tilespmem:v50+s21+$0x0] =	vst.idx.msk $0xffff, v2  }
0xa8: {  	v2 =	vld.idx.msk [tilespmem:v59+s13+$0x0], $0xffff  }
0xa9: {  	v3 =	vld.idx.msk [tilespmem:v56+s13+$0x0], $0xffff  }
0xaa: {  	v5 =	vor.u32 v23, v51;
	v4 =	vld.idx.msk [tilespmem:v55+s13+$0x0], $0xffff  }
0xab: {  	v7 =	vor.u32 v24, v51;
	v6 =	vld.idx.msk [tilespmem:v57+s9+$0x0], $0xffff  }
0xac: {  	v9 =	vld.idx.msk [tilespmem:v9+s13+$0x0], $0xffff  }
0xad: {  	v10 =	vld.idx.msk [tilespmem:v10+s13+$0x0], $0xffff  }
0xae: {  	v49 =	vor.u32 v0, v8;
	v2 =	vmul.f32 $8.000000000e+00, v2;
	v11 =	vld.idx.msk [tilespmem:v11+s13+$0x0], $0xffff  }
0xaf: {  	v50 =	vor.u32 v25, v8;
	v3 =	vmul.f32 $8.000000000e+00, v3;
	v5 =	vld.idx.msk [tilespmem:v5+s13+$0x0], $0xffff  }
0xb0: {  	v51 =	vor.u32 v26, v8;
	v53 =	vor.u32 v31, v8;
	v4 =	vmul.f32 $8.000000000e+00, v4;
	v7 =	vld.idx.msk [tilespmem:v7+s13+$0x0], $0xffff  }
0xb1: {  	v52 =	vor.u32 v27, v8;
	v3 =	vadd.f32 v3, v6;
	v2 =	vadd.f32 v2, v6  }
0xb2: {  	v54 =	vor.u32 v28, v8;
	v4 =	vadd.f32 v4, v6;
	v9 =	vmul.f32 $8.000000000e+00, v9  }
0xb3: {  	s26 =	sadd.s32 $0x1, s0;
	s0 =	smov.u32 s8;
	[tilespmem:v49+s21+$0x0] =	vst.idx.msk $0xffff, v3;
	v3 =	vmul.f32 $8.000000000e+00, v10;
	v10 =	vor.u32 v29, v8;
	v8 =	vor.u32 v30, v8  }
0xb4: {  	[tilespmem:v50+s21+$0x0] =	vst.idx.msk $0xffff, v4;
	v4 =	vadd.f32 v9, v6;
	v9 =	vmul.f32 $8.000000000e+00, v11;
	v11 =	vadd.s32 s26, v0  }
0xb5: {  	[tilespmem:v51+s21+$0x0] =	vst.idx.msk $0xffff, v2;
	v2 =	vadd.f32 v3, v6;
	v3 =	vmul.f32 $8.000000000e+00, v5;
	v5 =	vand.u32 $0x3F, v11  }
0xb6: {  	v7 =	vmul.f32 $8.000000000e+00, v7;
	[tilespmem:v52+s21+$0x0] =	vst.idx.msk $0xffff, v4;
	v4 =	vadd.f32 v9, v6;
	v9 =	vor.u32 v14, v5  }
0xb7: {  	v11 =	vshll.u32 v11, $0x7;
	[tilespmem:v54+s21+$0x0] =	vst.idx.msk $0xffff, v2;
	v2 =	vadd.f32 v3, v6;
	v3 =	vor.u32 v18, v5  }
0xb8: {  	v50 =	vand.u32 $0x1F80, v11;
	[tilespmem:v10+s21+$0x0] =	vst.idx.msk $0xffff, v4;
	v4 =	vadd.f32 v7, v6;
	v6 =	vor.u32 v48, v5  }
0xb9: {  	v52 =	vor.u32 v27, v50;
	[tilespmem:v8+s21+$0x0] =	vst.idx.msk $0xffff, v2;
	v2 =	vor.u32 v19, v5  }
0xba: {  	[tilespmem:v53+s21+$0x0] =	vst.idx.msk $0xffff, v4;
	v4 =	vor.u32 v20, v5  }
0xbb: {  	v8 =	vor.u32 v21, v5;
	v7 =	vld.idx.msk [tilespmem:v9+s13+$0x0], $0xffff  }
0xbc: {  	v9 =	vld.idx.msk [tilespmem:v3+s13+$0x0], $0xffff;
	v3 =	vor.u32 v22, v5  }
0xbd: {  	v10 =	vor.u32 v23, v5;
	v49 =	vld.idx.msk [tilespmem:v6+s9+$0x0], $0xffff  }
0xbe: {  	v5 =	vor.u32 v24, v5;
	v62 =	vld.idx.msk [tilespmem:v2+s13+$0x0], $0xffff  }
.Ltmp0:
0xbf: {  	v58 =	vor.u32 v26, v50;
	v54 =	vor.u32 v28, v50;
	v53 =	vor.u32 v29, v50;
	v61 =	vld.idx.msk [tilespmem:v4+s13+$0x0], $0xffff;
	(pc) =	sbr.rel @p1 .LBB2_3-.Ltmp0, $4  }
0xc0: {  	v6 =	vor.u32 v0, v50;
	v2 =	vor.u32 v25, v50;
	v4 =	vadd.s32 s0, v0;
	v63 =	vld.idx.msk [tilespmem:v8+s13+$0x0], $0xffff  }
0xc1: {  	v51 =	vand.u32 $0x3F, v4;
	v60 =	vshll.u32 v4, $0x7;
	v8 =	vmul.f32 $8.000000000e+00, v7;
	v3 =	vld.idx.msk [tilespmem:v3+s13+$0x0], $0xffff  }
0xc2: {  	v56 =	vor.u32 v14, v51;
	v55 =	vor.u32 v18, v51;
	v7 =	vmul.f32 $8.000000000e+00, v9;
	v4 =	vld.idx.msk [tilespmem:v10+s13+$0x0], $0xffff  }
0xc3: {  	v57 =	vor.u32 v48, v51;
	v59 =	vor.u32 v19, v51;
	v8 =	vadd.f32 v8, v49;
	v5 =	vld.idx.msk [tilespmem:v5+s13+$0x0], $0xffff  }
0xc4: {  	_ =	sdelay $0x1  }
0xc5: {  	v9 =	vmul.f32 $8.000000000e+00, v62  }
0xc6: {  	v7 =	vadd.f32 v7, v49;
	v10 =	vmul.f32 $8.000000000e+00, v61  }
0xc7: {  	[tilespmem:v6+s21+$0x0] =	vst.idx.msk $0xffff, v8;
	v8 =	vmul.f32 $8.000000000e+00, v63;
	v6 =	vadd.f32 v9, v49  }
0xc8: {  	[tilespmem:v2+s21+$0x0] =	vst.idx.msk $0xffff, v7;
	v2 =	vadd.f32 v10, v49;
	v3 =	vmul.f32 $8.000000000e+00, v3;
	v7 =	vor.u32 v30, v50  }
0xc9: {  	v4 =	vmul.f32 $8.000000000e+00, v4;
	[tilespmem:v58+s21+$0x0] =	vst.idx.msk $0xffff, v6;
	v6 =	vadd.f32 v8, v49;
	v8 =	vor.u32 v31, v50  }
0xca: {  	[tilespmem:v52+s21+$0x0] =	vst.idx.msk $0xffff, v2;
	v2 =	vadd.f32 v3, v49;
	v3 =	vmul.f32 $8.000000000e+00, v5  }
0xcb: {  	v4 =	vadd.f32 v4, v49;
	[tilespmem:v54+s21+$0x0] =	vst.idx.msk $0xffff, v6  }
0xcc: {  	[tilespmem:v53+s21+$0x0] =	vst.idx.msk $0xffff, v2;
	v2 =	vadd.f32 v3, v49  }
0xcd: {  	[tilespmem:v7+s21+$0x0] =	vst.idx.msk $0xffff, v4  }
0xce: {  	v5 =	vor.u32 v22, v51;
	[tilespmem:v8+s21+$0x0] =	vst.idx.msk $0xffff, v2  }
0xcf: {  	v3 =	vor.u32 v20, v51;
	v4 =	vld.idx.msk [tilespmem:v59+s13+$0x0], $0xffff  }
0xd0: {  	v2 =	vor.u32 v21, v51;
	v6 =	vld.idx.msk [tilespmem:v56+s13+$0x0], $0xffff  }
0xd1: {  	v7 =	vld.idx.msk [tilespmem:v55+s13+$0x0], $0xffff  }
0xd2: {  	v8 =	vor.u32 v23, v51;
	v9 =	vld.idx.msk [tilespmem:v57+s9+$0x0], $0xffff  }
0xd3: {  	v10 =	vor.u32 v24, v51;
	v5 =	vld.idx.msk [tilespmem:v5+s13+$0x0], $0xffff  }
0xd4: {  	v11 =	vand.u32 $0x1F80, v60;
	v3 =	vld.idx.msk [tilespmem:v3+s13+$0x0], $0xffff  }
0xd5: {  	v61 =	vor.u32 v0, v11;
	v2 =	vld.idx.msk [tilespmem:v2+s13+$0x0], $0xffff  }
0xd6: {  	v62 =	vor.u32 v25, v11;
	v63 =	vor.u32 v26, v11;
	v6 =	vmul.f32 $8.000000000e+00, v6  }
0xd7: {  	v58 =	vor.u32 v27, v11;
	v57 =	vor.u32 v31, v11;
	v8 =	vld.idx.msk [tilespmem:v8+s13+$0x0], $0xffff;
	v7 =	vmul.f32 $8.000000000e+00, v7  }
0xd8: {  	v10 =	vld.idx.msk [tilespmem:v10+s13+$0x0], $0xffff;
	v59 =	vor.u32 v28, v11;
	v4 =	vmul.f32 $8.000000000e+00, v4;
	v6 =	vadd.f32 v6, v9  }
0xd9: {  	v5 =	vmul.f32 $8.000000000e+00, v5;
	v7 =	vadd.f32 v7, v9;
	v3 =	vmul.f32 $8.000000000e+00, v3  }
0xda: {  	s0 =	sadd.s32 $0x1, s0;
	v4 =	vadd.f32 v4, v9;
	[tilespmem:v61+s21+$0x0] =	vst.idx.msk $0xffff, v6;
	v2 =	vmul.f32 $8.000000000e+00, v2;
	v6 =	vor.u32 v29, v11  }
0xdb: {  	v11 =	vor.u32 v30, v11;
	v3 =	vadd.f32 v3, v9;
	[tilespmem:v62+s21+$0x0] =	vst.idx.msk $0xffff, v7;
	v7 =	vadd.s32 s0, v0  }
0xdc: {  	[tilespmem:v63+s21+$0x0] =	vst.idx.msk $0xffff, v4;
	v2 =	vadd.f32 v2, v9;
	v4 =	vmul.f32 $8.000000000e+00, v8;
	v8 =	vand.u32 $0x3F, v7  }
0xdd: {  	[tilespmem:v58+s21+$0x0] =	vst.idx.msk $0xffff, v3;
	v3 =	vadd.f32 v5, v9;
	v5 =	vmul.f32 $8.000000000e+00, v10;
	v10 =	vor.u32 v14, v8  }
0xde: {  	[tilespmem:v59+s21+$0x0] =	vst.idx.msk $0xffff, v2;
	v2 =	vadd.f32 v4, v9;
	v4 =	vor.u32 v18, v8  }
0xdf: {  	[tilespmem:v6+s21+$0x0] =	vst.idx.msk $0xffff, v3;
	v3 =	vadd.f32 v5, v9;
	v5 =	vor.u32 v48, v8  }
0xe0: {  	[tilespmem:v11+s21+$0x0] =	vst.idx.msk $0xffff, v2;
	v2 =	vor.u32 v19, v8  }
0xe1: {  	[tilespmem:v57+s21+$0x0] =	vst.idx.msk $0xffff, v3;
	v3 =	vor.u32 v20, v8  }
0xe2: {  	v9 =	vor.u32 v21, v8;
	v6 =	vld.idx.msk [tilespmem:v10+s13+$0x0], $0xffff  }
0xe3: {  	v10 =	vor.u32 v22, v8;
	v4 =	vld.idx.msk [tilespmem:v4+s13+$0x0], $0xffff  }
0xe4: {  	v11 =	vor.u32 v23, v8;
	v5 =	vld.idx.msk [tilespmem:v5+s9+$0x0], $0xffff  }
0xe5: {  	v7 =	vshll.u32 v7, $0x7;
	v8 =	vor.u32 v24, v8;
	v2 =	vld.idx.msk [tilespmem:v2+s13+$0x0], $0xffff  }
0xe6: {  	v7 =	vand.u32 $0x1F80, v7;
	v3 =	vld.idx.msk [tilespmem:v3+s13+$0x0], $0xffff  }
0xe7: {  	v60 =	vor.u32 v0, v7;
	v9 =	vld.idx.msk [tilespmem:v9+s13+$0x0], $0xffff  }
0xe8: {  	v61 =	vor.u32 v25, v7;
	v10 =	vld.idx.msk [tilespmem:v10+s13+$0x0], $0xffff;
	v6 =	vmul.f32 $8.000000000e+00, v6  }
0xe9: {  	v62 =	vor.u32 v26, v7;
	v11 =	vld.idx.msk [tilespmem:v11+s13+$0x0], $0xffff;
	v4 =	vmul.f32 $8.000000000e+00, v4  }
0xea: {  	v63 =	vor.u32 v27, v7;
	v8 =	vld.idx.msk [tilespmem:v8+s13+$0x0], $0xffff;
	v6 =	vadd.f32 v6, v5;
	v2 =	vmul.f32 $8.000000000e+00, v2  }
0xeb: {  	v56 =	vor.u32 v28, v7;
	v4 =	vadd.f32 v4, v5;
	v3 =	vmul.f32 $8.000000000e+00, v3  }
0xec: {  	v57 =	vor.u32 v29, v7;
	[tilespmem:v60+s21+$0x0] =	vst.idx.msk $0xffff, v6;
	v6 =	vmul.f32 $8.000000000e+00, v9;
	v2 =	vadd.f32 v2, v5  }
0xed: {  	v9 =	vor.u32 v30, v7;
	[tilespmem:v61+s21+$0x0] =	vst.idx.msk $0xffff, v4;
	v4 =	vmul.f32 $8.000000000e+00, v10;
	v3 =	vadd.f32 v3, v5  }
0xee: {  	v7 =	vor.u32 v31, v7;
	[tilespmem:v62+s21+$0x0] =	vst.idx.msk $0xffff, v2;
	v2 =	vadd.f32 v6, v5;
	v6 =	vmul.f32 $8.000000000e+00, v11  }
0xef: {  	[tilespmem:v63+s21+$0x0] =	vst.idx.msk $0xffff, v3;
	v3 =	vadd.f32 v4, v5;
	v4 =	vmul.f32 $8.000000000e+00, v8  }
0xf0: {  	[tilespmem:v56+s21+$0x0] =	vst.idx.msk $0xffff, v2;
	v2 =	vadd.f32 v6, v5  }
0xf1: {  	s8 =	simm.s32 $0x0;
	[tilespmem:v57+s21+$0x0] =	vst.idx.msk $0xffff, v3;
	v3 =	vadd.f32 v4, v5  }
0xf2: {  	[tilespmem:v9+s21+$0x0] =	vst.idx.msk $0xffff, v2;
	v2 =	vadd.s32 s8, v0  }
0xf3: {  	[tilespmem:v7+s21+$0x0] =	vst.idx.msk $0xffff, v3;
	v3 =	vand.u32 $0x3F, v2  }
0xf4: {  	v4 =	vor.u32 v32, v3  }
0xf5: {  	s6 =	sor.u32 $0x40, s1;
	v5 =	vor.u32 v33, v3  }
0xf6: {  	v48 =	vmov s6;
	v6 =	vor.u32 v34, v3  }
0xf7: {  	v7 =	vor.u32 v48, v2  }
0xf8: {  	v8 =	vor.u32 v35, v3  }
0xf9: {  	v9 =	vor.u32 v36, v3;
	v4 =	vld.idx.msk [tilespmem:v4+s13+$0x0], $0xffff  }
0xfa: {  	v10 =	vor.u32 v37, v3;
	v5 =	vld.idx.msk [tilespmem:v5+s13+$0x0], $0xffff  }
0xfb: {  	v11 =	vor.u32 v38, v3;
	v6 =	vld.idx.msk [tilespmem:v6+s13+$0x0], $0xffff  }
0xfc: {  	v3 =	vor.u32 v39, v3;
	v7 =	vld.idx.msk [tilespmem:v7+s9+$0x0], $0xffff  }
0xfd: {  	v2 =	vshll.u32 v2, $0x7;
	v8 =	vld.idx.msk [tilespmem:v8+s13+$0x0], $0xffff  }
0xfe: {  	v58 =	vor.u32 v40, v2;
	v9 =	vld.idx.msk [tilespmem:v9+s13+$0x0], $0xffff  }
0xff: {  	v59 =	vor.u32 v41, v2;
	v60 =	vor.u32 v42, v2;
	v10 =	vld.idx.msk [tilespmem:v10+s13+$0x0], $0xffff;
	v4 =	vmul.f32 $8.000000000e+00, v4  }
0x100: {  	v61 =	vor.u32 v47, v2;
	v11 =	vld.idx.msk [tilespmem:v11+s13+$0x0], $0xffff;
	v5 =	vmul.f32 $8.000000000e+00, v5;
	v6 =	vmul.f32 $8.000000000e+00, v6  }
0x101: {  	v62 =	vor.u32 v43, v2;
	v63 =	vor.u32 v44, v2;
	v3 =	vld.idx.msk [tilespmem:v3+s13+$0x0], $0xffff;
	v4 =	vadd.f32 v4, v7  }
0x102: {  	v8 =	vmul.f32 $8.000000000e+00, v8;
	v5 =	vadd.f32 v5, v7;
	v6 =	vadd.f32 v6, v7  }
0x103: {  	s26 =	simm.s32 $0x1;
	[tilespmem:v58+s21+$0x0] =	vst.idx.msk $0xffff, v4;
	v4 =	vmul.f32 $8.000000000e+00, v9;
	v9 =	vor.u32 v45, v2;
	v2 =	vor.u32 v46, v2  }
0x104: {  	[tilespmem:v59+s21+$0x0] =	vst.idx.msk $0xffff, v5;
	v5 =	vadd.f32 v8, v7;
	v8 =	vmul.f32 $8.000000000e+00, v10;
	v10 =	vadd.s32 s26, v0  }
0x105: {  	[tilespmem:v60+s21+$0x0] =	vst.idx.msk $0xffff, v6;
	v4 =	vadd.f32 v4, v7;
	v6 =	vmul.f32 $8.000000000e+00, v11;
	v11 =	vand.u32 $0x3F, v10  }
0x106: {  	v3 =	vmul.f32 $8.000000000e+00, v3;
	[tilespmem:v62+s21+$0x0] =	vst.idx.msk $0xffff, v5;
	v5 =	vadd.f32 v8, v7;
	v8 =	vor.u32 v32, v11  }
0x107: {  	[tilespmem:v63+s21+$0x0] =	vst.idx.msk $0xffff, v4;
	v4 =	vadd.f32 v6, v7;
	v6 =	vor.u32 v48, v10  }
0x108: {  	v3 =	vadd.f32 v3, v7;
	[tilespmem:v9+s21+$0x0] =	vst.idx.msk $0xffff, v5;
	v5 =	vor.u32 v33, v11  }
0x109: {  	[tilespmem:v2+s21+$0x0] =	vst.idx.msk $0xffff, v4;
	v2 =	vor.u32 v34, v11  }
0x10a: {  	v7 =	vor.u32 v36, v11;
	[tilespmem:v61+s21+$0x0] =	vst.idx.msk $0xffff, v3  }
0x10b: {  	v3 =	vor.u32 v35, v11;
	v4 =	vld.idx.msk [tilespmem:v8+s13+$0x0], $0xffff  }
0x10c: {  	v8 =	vor.u32 v37, v11;
	v50 =	vld.idx.msk [tilespmem:v6+s9+$0x0], $0xffff  }
0x10d: {  	v6 =	vshll.u32 v10, $0x7;
	v10 =	vor.u32 v38, v11;
	v9 =	vld.idx.msk [tilespmem:v5+s13+$0x0], $0xffff  }
0x10e: {  	s0 =	simm.s32 $0x2;
	v11 =	vor.u32 v39, v11;
	v60 =	vld.idx.msk [tilespmem:v2+s13+$0x0], $0xffff  }
0x10f: {  	v54 =	vadd.s32 s0, v0;
	v52 =	vand.u32 $0x1F80, v6;
	v2 =	vld.idx.msk [tilespmem:v7+s13+$0x0], $0xffff  }
0x110: {  	v51 =	vand.u32 $0x3F, v54;
	v49 =	vshll.u32 v54, $0x7;
	v6 =	vor.u32 v40, v52;
	v5 =	vld.idx.msk [tilespmem:v3+s13+$0x0], $0xffff  }
0x111: {  	v55 =	vor.u32 v33, v51;
	v56 =	vor.u32 v32, v51;
	v3 =	vld.idx.msk [tilespmem:v8+s13+$0x0], $0xffff;
	v7 =	vmul.f32 $8.000000000e+00, v4  }
0x112: {  	v57 =	vor.u32 v34, v51;
	v53 =	vor.u32 v43, v52;
	v61 =	vor.u32 v41, v52;
	v4 =	vld.idx.msk [tilespmem:v10+s13+$0x0], $0xffff  }
0x113: {  	s1 =	simm.s32 $0x4;
	v58 =	vor.u32 v42, v52;
	v59 =	vld.idx.msk [tilespmem:v11+s13+$0x0], $0xffff;
	v7 =	vadd.f32 v7, v50;
	v8 =	vmul.f32 $8.000000000e+00, v9  }
.LBB2_5:
0x114: {  	p1 =	slt.u32 s1, $0x3E;
	v9 =	vmul.f32 $8.000000000e+00, v60;
	s6 =	smov.u32 s1;
	s1 =	sadd.s32 $0x2, s1  }
0x115: {  	v5 =	vmul.f32 $8.000000000e+00, v5;
	[tilespmem:v6+s21+$0x0] =	vst.idx.msk $0xffff, v7;
	v6 =	vadd.f32 v8, v50;
	v7 =	vor.u32 v44, v52  }
0x116: {  	v2 =	vmul.f32 $8.000000000e+00, v2;
	v8 =	vadd.f32 v9, v50;
	v9 =	vor.u32 v45, v52  }
0x117: {  	v5 =	vadd.f32 v5, v50;
	v3 =	vmul.f32 $8.000000000e+00, v3;
	[tilespmem:v61+s21+$0x0] =	vst.idx.msk $0xffff, v6;
	v6 =	vor.u32 v46, v52  }
0x118: {  	v2 =	vadd.f32 v2, v50;
	v4 =	vmul.f32 $8.000000000e+00, v4;
	[tilespmem:v58+s21+$0x0] =	vst.idx.msk $0xffff, v8;
	v8 =	vor.u32 v47, v52  }
0x119: {  	v3 =	vadd.f32 v3, v50;
	[tilespmem:v53+s21+$0x0] =	vst.idx.msk $0xffff, v5;
	v5 =	vmul.f32 $8.000000000e+00, v59  }
0x11a: {  	[tilespmem:v7+s21+$0x0] =	vst.idx.msk $0xffff, v2;
	v2 =	vadd.f32 v4, v50  }
0x11b: {  	[tilespmem:v9+s21+$0x0] =	vst.idx.msk $0xffff, v3;
	v3 =	vadd.f32 v5, v50  }
0x11c: {  	v4 =	vor.u32 v48, v54;
	[tilespmem:v6+s21+$0x0] =	vst.idx.msk $0xffff, v2  }
0x11d: {  	v2 =	vor.u32 v35, v51;
	[tilespmem:v8+s21+$0x0] =	vst.idx.msk $0xffff, v3  }
0x11e: {  	v5 =	vor.u32 v36, v51;
	v3 =	vld.idx.msk [tilespmem:v56+s13+$0x0], $0xffff  }
0x11f: {  	v7 =	vor.u32 v37, v51;
	v6 =	vld.idx.msk [tilespmem:v55+s13+$0x0], $0xffff  }
0x120: {  	v9 =	vor.u32 v38, v51;
	v8 =	vld.idx.msk [tilespmem:v57+s13+$0x0], $0xffff  }
0x121: {  	v10 =	vor.u32 v39, v51;
	v4 =	vld.idx.msk [tilespmem:v4+s9+$0x0], $0xffff  }
0x122: {  	v2 =	vld.idx.msk [tilespmem:v2+s13+$0x0], $0xffff  }
0x123: {  	v5 =	vld.idx.msk [tilespmem:v5+s13+$0x0], $0xffff  }
0x124: {  	v11 =	vor.u32 v40, v49;
	v7 =	vld.idx.msk [tilespmem:v7+s13+$0x0], $0xffff  }
0x125: {  	v50 =	vor.u32 v41, v49;
	v3 =	vmul.f32 $8.000000000e+00, v3;
	v6 =	vmul.f32 $8.000000000e+00, v6;
	v9 =	vld.idx.msk [tilespmem:v9+s13+$0x0], $0xffff  }
0x126: {  	v54 =	vor.u32 v47, v49;
	v51 =	vor.u32 v42, v49;
	v8 =	vmul.f32 $8.000000000e+00, v8;
	v10 =	vld.idx.msk [tilespmem:v10+s13+$0x0], $0xffff  }
0x127: {  	v52 =	vor.u32 v43, v49;
	v3 =	vadd.f32 v3, v4;
	v6 =	vadd.f32 v6, v4  }
0x128: {  	v53 =	vor.u32 v44, v49;
	v8 =	vadd.f32 v8, v4;
	v2 =	vmul.f32 $8.000000000e+00, v2  }
0x129: {  	s8 =	sadd.s32 $0x1, s0;
	s0 =	smov.u32 s6;
	[tilespmem:v11+s21+$0x0] =	vst.idx.msk $0xffff, v3;
	v3 =	vmul.f32 $8.000000000e+00, v5;
	v5 =	vor.u32 v45, v49;
	v11 =	vor.u32 v46, v49  }
0x12a: {  	v2 =	vadd.f32 v2, v4;
	[tilespmem:v50+s21+$0x0] =	vst.idx.msk $0xffff, v6;
	v6 =	vmul.f32 $8.000000000e+00, v7;
	v7 =	vadd.s32 s8, v0  }
0x12b: {  	[tilespmem:v51+s21+$0x0] =	vst.idx.msk $0xffff, v8;
	v3 =	vadd.f32 v3, v4;
	v8 =	vmul.f32 $8.000000000e+00, v9;
	v9 =	vand.u32 $0x3F, v7  }
0x12c: {  	[tilespmem:v52+s21+$0x0] =	vst.idx.msk $0xffff, v2;
	v2 =	vadd.f32 v6, v4;
	v6 =	vmul.f32 $8.000000000e+00, v10;
	v10 =	vor.u32 v32, v9  }
0x12d: {  	[tilespmem:v53+s21+$0x0] =	vst.idx.msk $0xffff, v3;
	v3 =	vadd.f32 v8, v4;
	v8 =	vor.u32 v48, v7;
	v7 =	vshll.u32 v7, $0x7  }
0x12e: {  	[tilespmem:v5+s21+$0x0] =	vst.idx.msk $0xffff, v2;
	v2 =	vadd.f32 v6, v4;
	v4 =	vor.u32 v33, v9;
	v52 =	vand.u32 $0x1F80, v7  }
0x12f: {  	[tilespmem:v11+s21+$0x0] =	vst.idx.msk $0xffff, v3;
	v3 =	vor.u32 v34, v9;
	v53 =	vor.u32 v43, v52  }
0x130: {  	[tilespmem:v54+s21+$0x0] =	vst.idx.msk $0xffff, v2;
	v2 =	vor.u32 v35, v9  }
0x131: {  	v6 =	vor.u32 v36, v9;
	v7 =	vld.idx.msk [tilespmem:v10+s13+$0x0], $0xffff  }
0x132: {  	v50 =	vld.idx.msk [tilespmem:v8+s9+$0x0], $0xffff;
	v8 =	vor.u32 v37, v9  }
0x133: {  	v10 =	vld.idx.msk [tilespmem:v4+s13+$0x0], $0xffff;
	v4 =	vor.u32 v38, v9  }
0x134: {  	v9 =	vor.u32 v39, v9;
	v60 =	vld.idx.msk [tilespmem:v3+s13+$0x0], $0xffff  }
.Ltmp1:
0x135: {  	v5 =	vld.idx.msk [tilespmem:v2+s13+$0x0], $0xffff;
	(pc) =	sbr.rel @p1 .LBB2_5-.Ltmp1, $4  }
0x136: {  	v58 =	vor.u32 v42, v52;
	v54 =	vadd.s32 s0, v0;
	v2 =	vld.idx.msk [tilespmem:v6+s13+$0x0], $0xffff;
	v6 =	vor.u32 v40, v52  }
0x137: {  	v51 =	vand.u32 $0x3F, v54;
	v49 =	vshll.u32 v54, $0x7;
	v7 =	vmul.f32 $8.000000000e+00, v7;
	v3 =	vld.idx.msk [tilespmem:v8+s13+$0x0], $0xffff  }
0x138: {  	v61 =	vor.u32 v41, v52;
	v56 =	vor.u32 v32, v51;
	v55 =	vor.u32 v33, v51;
	v4 =	vld.idx.msk [tilespmem:v4+s13+$0x0], $0xffff  }
0x139: {  	v57 =	vor.u32 v34, v51;
	v7 =	vadd.f32 v7, v50;
	v8 =	vmul.f32 $8.000000000e+00, v10;
	v59 =	vld.idx.msk [tilespmem:v9+s13+$0x0], $0xffff  }
0x13a: {  	_ =	sdelay $0x1  }
0x13b: {  	v9 =	vmul.f32 $8.000000000e+00, v60  }
0x13c: {  	v5 =	vmul.f32 $8.000000000e+00, v5;
	v10 =	vor.u32 v44, v52;
	v8 =	vadd.f32 v8, v50  }
0x13d: {  	v62 =	vor.u32 v45, v52;
	[tilespmem:v6+s21+$0x0] =	vst.idx.msk $0xffff, v7;
	v2 =	vmul.f32 $8.000000000e+00, v2;
	v60 =	vadd.f32 v9, v50  }
0x13e: {  	v63 =	vor.u32 v46, v52;
	v5 =	vadd.f32 v5, v50;
	v3 =	vmul.f32 $8.000000000e+00, v3;
	[tilespmem:v61+s21+$0x0] =	vst.idx.msk $0xffff, v8  }
0x13f: {  	v52 =	vor.u32 v47, v52;
	v2 =	vadd.f32 v2, v50;
	v4 =	vmul.f32 $8.000000000e+00, v4;
	[tilespmem:v58+s21+$0x0] =	vst.idx.msk $0xffff, v60  }
0x140: {  	v3 =	vadd.f32 v3, v50;
	[tilespmem:v53+s21+$0x0] =	vst.idx.msk $0xffff, v5;
	v53 =	vmul.f32 $8.000000000e+00, v59  }
0x141: {  	[tilespmem:v10+s21+$0x0] =	vst.idx.msk $0xffff, v2;
	v2 =	vadd.f32 v4, v50  }
0x142: {  	[tilespmem:v62+s21+$0x0] =	vst.idx.msk $0xffff, v3;
	v3 =	vadd.f32 v53, v50  }
0x143: {  	v58 =	vor.u32 v48, v54;
	[tilespmem:v63+s21+$0x0] =	vst.idx.msk $0xffff, v2  }
0x144: {  	v2 =	vor.u32 v35, v51;
	[tilespmem:v52+s21+$0x0] =	vst.idx.msk $0xffff, v3  }
0x145: {  	v59 =	vor.u32 v36, v51;
	v3 =	vld.idx.msk [tilespmem:v56+s13+$0x0], $0xffff  }
0x146: {  	v60 =	vor.u32 v37, v51;
	v6 =	vld.idx.msk [tilespmem:v55+s13+$0x0], $0xffff  }
0x147: {  	v61 =	vor.u32 v38, v51;
	v8 =	vld.idx.msk [tilespmem:v57+s13+$0x0], $0xffff  }
0x148: {  	v62 =	vor.u32 v39, v51;
	v4 =	vld.idx.msk [tilespmem:v58+s9+$0x0], $0xffff  }
0x149: {  	v2 =	vld.idx.msk [tilespmem:v2+s13+$0x0], $0xffff  }
0x14a: {  	v11 =	vor.u32 v40, v49;
	v5 =	vld.idx.msk [tilespmem:v59+s13+$0x0], $0xffff  }
0x14b: {  	v63 =	vor.u32 v41, v49;
	v7 =	vld.idx.msk [tilespmem:v60+s13+$0x0], $0xffff;
	v57 =	vor.u32 v42, v49;
	v3 =	vmul.f32 $8.000000000e+00, v3  }
0x14c: {  	v9 =	vld.idx.msk [tilespmem:v61+s13+$0x0], $0xffff;
	v58 =	vor.u32 v47, v49;
	v59 =	vor.u32 v43, v49;
	v6 =	vmul.f32 $8.000000000e+00, v6  }
0x14d: {  	v60 =	vor.u32 v44, v49;
	v10 =	vld.idx.msk [tilespmem:v62+s13+$0x0], $0xffff;
	v8 =	vmul.f32 $8.000000000e+00, v8;
	v3 =	vadd.f32 v3, v4  }
0x14e: {  	v61 =	vor.u32 v45, v49;
	v6 =	vadd.f32 v6, v4;
	v2 =	vmul.f32 $8.000000000e+00, v2  }
0x14f: {  	s0 =	sadd.s32 $0x1, s0;
	v62 =	vor.u32 v46, v49;
	v8 =	vadd.f32 v8, v4;
	[tilespmem:v11+s21+$0x0] =	vst.idx.msk $0xffff, v3;
	v3 =	vmul.f32 $8.000000000e+00, v5  }
0x150: {  	v49 =	vadd.s32 s0, v0;
	[tilespmem:v63+s21+$0x0] =	vst.idx.msk $0xffff, v6;
	v2 =	vadd.f32 v2, v4;
	v63 =	vmul.f32 $8.000000000e+00, v7  }
0x151: {  	v51 =	vand.u32 $0x3F, v49;
	v50 =	vmul.f32 $8.000000000e+00, v9;
	[tilespmem:v57+s21+$0x0] =	vst.idx.msk $0xffff, v8;
	v3 =	vadd.f32 v3, v4  }
0x152: {  	v55 =	vor.u32 v32, v51;
	v53 =	vmul.f32 $8.000000000e+00, v10;
	[tilespmem:v59+s21+$0x0] =	vst.idx.msk $0xffff, v2;
	v2 =	vadd.f32 v63, v4  }
0x153: {  	v56 =	vor.u32 v48, v49;
	[tilespmem:v60+s21+$0x0] =	vst.idx.msk $0xffff, v3;
	v3 =	vadd.f32 v50, v4  }
0x154: {  	v57 =	vor.u32 v33, v51;
	[tilespmem:v61+s21+$0x0] =	vst.idx.msk $0xffff, v2;
	v2 =	vadd.f32 v53, v4  }
0x155: {  	[tilespmem:v62+s21+$0x0] =	vst.idx.msk $0xffff, v3;
	v3 =	vor.u32 v34, v51  }
0x156: {  	[tilespmem:v58+s21+$0x0] =	vst.idx.msk $0xffff, v2;
	v2 =	vor.u32 v35, v51  }
0x157: {  	v58 =	vor.u32 v36, v51;
	v5 =	vld.idx.msk [tilespmem:v55+s13+$0x0], $0xffff  }
0x158: {  	v59 =	vor.u32 v37, v51;
	v8 =	vld.idx.msk [tilespmem:v56+s9+$0x0], $0xffff  }
0x159: {  	v60 =	vor.u32 v38, v51;
	v4 =	vld.idx.msk [tilespmem:v57+s13+$0x0], $0xffff  }
0x15a: {  	v9 =	vor.u32 v39, v51;
	v7 =	vshll.u32 v49, $0x7;
	v3 =	vld.idx.msk [tilespmem:v3+s13+$0x0], $0xffff  }
0x15b: {  	v7 =	vand.u32 $0x1F80, v7;
	v2 =	vld.idx.msk [tilespmem:v2+s13+$0x0], $0xffff  }
0x15c: {  	v61 =	vor.u32 v40, v7;
	v6 =	vld.idx.msk [tilespmem:v58+s13+$0x0], $0xffff  }
0x15d: {  	v62 =	vor.u32 v41, v7;
	v10 =	vld.idx.msk [tilespmem:v59+s13+$0x0], $0xffff;
	v5 =	vmul.f32 $8.000000000e+00, v5  }
0x15e: {  	v63 =	vor.u32 v42, v7;
	v11 =	vld.idx.msk [tilespmem:v60+s13+$0x0], $0xffff;
	v4 =	vmul.f32 $8.000000000e+00, v4  }
0x15f: {  	v56 =	vor.u32 v43, v7;
	v9 =	vld.idx.msk [tilespmem:v9+s13+$0x0], $0xffff;
	v5 =	vadd.f32 v5, v8;
	v3 =	vmul.f32 $8.000000000e+00, v3  }
0x160: {  	v57 =	vor.u32 v44, v7;
	v4 =	vadd.f32 v4, v8;
	v2 =	vmul.f32 $8.000000000e+00, v2  }
0x161: {  	v59 =	vor.u32 v45, v7;
	[tilespmem:v61+s21+$0x0] =	vst.idx.msk $0xffff, v5;
	v58 =	vmul.f32 $8.000000000e+00, v6;
	v3 =	vadd.f32 v3, v8  }
0x162: {  	v60 =	vmul.f32 $8.000000000e+00, v10;
	v61 =	vor.u32 v46, v7;
	[tilespmem:v62+s21+$0x0] =	vst.idx.msk $0xffff, v4;
	v2 =	vadd.f32 v2, v8  }
0x163: {  	v7 =	vor.u32 v47, v7;
	v62 =	vmul.f32 $8.000000000e+00, v11;
	[tilespmem:v63+s21+$0x0] =	vst.idx.msk $0xffff, v3;
	v3 =	vadd.f32 v58, v8  }
0x164: {  	v63 =	vmul.f32 $8.000000000e+00, v9;
	[tilespmem:v56+s21+$0x0] =	vst.idx.msk $0xffff, v2;
	v2 =	vadd.f32 v60, v8  }
0x165: {  	s26 =	sshll.u32 s30, $0x14;
	[tilespmem:v57+s21+$0x0] =	vst.idx.msk $0xffff, v3;
	v3 =	vadd.f32 v62, v8  }
0x166: {  	s0 =	sor.u32 s7, s26;
	[tilespmem:v59+s21+$0x0] =	vst.idx.msk $0xffff, v2;
	v2 =	vadd.f32 v63, v8  }
0x167: {  	s0 =	sshrl.u32 s0, $0x3;
	[tilespmem:v61+s21+$0x0] =	vst.idx.msk $0xffff, v3  }
0x168: {  	s2 =	sor.u32 $0x1, s2;
	s0 =	sadd.s32 s3, s0;
	[tilespmem:v7+s21+$0x0] =	vst.idx.msk $0xffff, v2  }
0x169: {  	[hbm4b:s0+s22] =	stream.strided.scatter [tilespmem:s21], [sflag:$0x3], $0x4000, s23, s22, $0x38;
	[tilespmem:$0x19800] =	vst v63  }
0x16a: {  	p1 =	sgt.u32 s2, $0x62;
	_ =	swait.ge [sflag:s24], $0x2000  }
.Ltmp2:
0x16b: {  	[sflag:s24] =	ssyncset.done $0x0;
	(pc) =	sbr.rel @p1 .LBB2_8-.Ltmp2, $4  }
0x16c: {  	[sflag:s24] =	ssyncadd.s32 $0xFFFFE000  }
0x16d: {  	_ =	swait.ge [sflag:s24], $0x2000  }
0x16e: {  	[sflag:s24] =	ssyncset.done $0x0  }
0x16f: {  	[sflag:s24] =	ssyncadd.s32 $0xFFFFE000  }
0x170: {  	s0 =	sadd.s32 $0x4, s31  }
0x171: {  	v2 =	vmov s0;
	v3 =	vadd.s32 s0, v1  }
0x172: {  	v3 =	vand.u32 $0x1FF8, v3;
	v2 =	vand.u32 $0x4, v2  }
0x173: {  	v2 =	vor.u32 v2, v3;
	_ =	sdelay $0x2  }
0x174: {  	s8 =	sadd.s32 $0xC84, s31  }
0x175: {  	v4 =	vadd.s32 s8, v1;
	v3 =	vmov s8  }
0x176: {  	v4 =	vand.u32 $0x1FF8, v4;
	v3 =	vand.u32 $0x4, v3;
	v2 =	vld.idx.msk [tilespmem:v2+s4+$0x0], $0xffff  }
0x177: {  	v3 =	vor.u32 v3, v4;
	_ =	sdelay $0x2  }
0x178: {  	s26 =	sadd.s32 $0x1904, s31  }
0x179: {  	v50 =	vadd.s32 s26, v1;
	[tilespmem:$0x6400] =	vst v2;
	v2 =	vmov s26  }
0x17a: {  	v4 =	vand.u32 $0x3FF8, v50;
	v3 =	vld.idx.msk [tilespmem:v3+s4+$0x0], $0xffff;
	v2 =	vand.u32 $0x4, v2  }
0x17b: {  	v2 =	vor.u32 v2, v4;
	_ =	sdelay $0x2  }
0x17c: {  	s1 =	sadd.s32 $0x2584, s31  }
0x17d: {  	v51 =	vadd.s32 s1, v1;
	[tilespmem:$0x6410] =	vst v3;
	v3 =	vmov s1  }
0x17e: {  	v4 =	vand.u32 $0x3FF8, v51;
	v2 =	vld.idx.msk [tilespmem:v2+s4+$0x0], $0xffff;
	v3 =	vand.u32 $0x4, v3  }
0x17f: {  	v3 =	vor.u32 v3, v4;
	_ =	sdelay $0x2  }
0x180: {  	s6 =	sadd.s32 $0x3204, s31  }
0x181: {  	v52 =	vadd.s32 s6, v1;
	[tilespmem:$0x6420] =	vst v2;
	v2 =	vmov s6  }
0x182: {  	v4 =	vand.u32 $0x7FF8, v52;
	v3 =	vld.idx.msk [tilespmem:v3+s4+$0x0], $0xffff;
	v2 =	vand.u32 $0x4, v2  }
0x183: {  	v2 =	vor.u32 v2, v4;
	_ =	sdelay $0x2  }
0x184: {  	s8 =	sadd.s32 $0x3E84, s31  }
0x185: {  	v53 =	vadd.s32 s8, v1;
	[tilespmem:$0x6430] =	vst v3;
	v3 =	vmov s8  }
0x186: {  	v4 =	vand.u32 $0x7FF8, v53;
	v2 =	vld.idx.msk [tilespmem:v2+s4+$0x0], $0xffff;
	v3 =	vand.u32 $0x4, v3  }
0x187: {  	v3 =	vor.u32 v3, v4;
	_ =	sdelay $0x2  }
0x188: {  	s26 =	sadd.s32 $0x4B04, s31  }
0x189: {  	v54 =	vadd.s32 s26, v1;
	[tilespmem:$0x6440] =	vst v2;
	v2 =	vmov s26  }
0x18a: {  	v4 =	vand.u32 $0x5FF8, v54;
	v3 =	vld.idx.msk [tilespmem:v3+s4+$0x0], $0xffff;
	v2 =	vand.u32 $0x4, v2  }
0x18b: {  	v2 =	vor.u32 v2, v4;
	_ =	sdelay $0x2  }
0x18c: {  	s1 =	sadd.s32 $0x5784, s31  }
0x18d: {  	v55 =	vadd.s32 s1, v1;
	[tilespmem:$0x6450] =	vst v3;
	v3 =	vmov s1  }
0x18e: {  	v4 =	vand.u32 $0x7FF8, v55;
	v2 =	vld.idx.msk [tilespmem:v2+s4+$0x0], $0xffff;
	v3 =	vand.u32 $0x4, v3  }
0x18f: {  	v3 =	vor.u32 v3, v4;
	_ =	sdelay $0x2  }
0x190: {  	s6 =	sadd.s32 $0x5, s31  }
0x191: {  	v56 =	vadd.s32 s6, v1;
	[tilespmem:$0x6460] =	vst v2;
	v2 =	vmov s6  }
0x192: {  	v4 =	vand.u32 $0x1FF8, v56;
	v3 =	vld.idx.msk [tilespmem:v3+s4+$0x0], $0xffff;
	v2 =	vand.u32 $0x5, v2  }
0x193: {  	v2 =	vor.u32 v2, v4;
	_ =	sdelay $0x2  }
0x194: {  	s8 =	sadd.s32 $0xC85, s31  }
0x195: {  	v57 =	vadd.s32 s8, v1;
	[tilespmem:$0x6470] =	vst v3;
	v3 =	vmov s8  }
0x196: {  	v4 =	vand.u32 $0x1FF8, v57;
	v2 =	vld.idx.msk [tilespmem:v2+s4+$0x0], $0xffff;
	v3 =	vand.u32 $0x5, v3  }
0x197: {  	v3 =	vor.u32 v3, v4;
	_ =	sdelay $0x2  }
0x198: {  	s26 =	sadd.s32 $0x1905, s31  }
0x199: {  	v58 =	vadd.s32 s26, v1;
	[tilespmem:$0x6480] =	vst v2;
	v2 =	vmov s26  }
0x19a: {  	v4 =	vand.u32 $0x3FF8, v58;
	v3 =	vld.idx.msk [tilespmem:v3+s4+$0x0], $0xffff;
	v2 =	vand.u32 $0x5, v2  }
0x19b: {  	v2 =	vor.u32 v2, v4;
	_ =	sdelay $0x2  }
0x19c: {  	s1 =	sadd.s32 $0x2585, s31  }
0x19d: {  	v59 =	vadd.s32 s1, v1;
	[tilespmem:$0x6490] =	vst v3;
	v3 =	vmov s1  }
0x19e: {  	v4 =	vand.u32 $0x3FF8, v59;
	v2 =	vld.idx.msk [tilespmem:v2+s4+$0x0], $0xffff;
	v3 =	vand.u32 $0x5, v3  }
0x19f: {  	v3 =	vor.u32 v3, v4;
	_ =	sdelay $0x2  }
0x1a0: {  	s6 =	sadd.s32 $0x3205, s31  }
0x1a1: {  	v60 =	vadd.s32 s6, v1;
	[tilespmem:$0x64A0] =	vst v2;
	v2 =	vmov s6  }
0x1a2: {  	v4 =	vand.u32 $0x7FF8, v60;
	v3 =	vld.idx.msk [tilespmem:v3+s4+$0x0], $0xffff;
	v2 =	vand.u32 $0x5, v2  }
0x1a3: {  	v2 =	vor.u32 v2, v4;
	_ =	sdelay $0x2  }
0x1a4: {  	s8 =	sadd.s32 $0x3E85, s31  }
0x1a5: {  	v61 =	vadd.s32 s8, v1;
	[tilespmem:$0x64B0] =	vst v3;
	v3 =	vmov s8  }
0x1a6: {  	v4 =	vand.u32 $0x7FF8, v61;
	v2 =	vld.idx.msk [tilespmem:v2+s4+$0x0], $0xffff;
	v3 =	vand.u32 $0x5, v3  }
0x1a7: {  	v3 =	vor.u32 v3, v4;
	_ =	sdelay $0x2  }
0x1a8: {  	s26 =	sadd.s32 $0x4B05, s31  }
0x1a9: {  	v62 =	vadd.s32 s26, v1;
	[tilespmem:$0x64C0] =	vst v2;
	v2 =	vmov s26  }
0x1aa: {  	v4 =	vand.u32 $0x5FF8, v62;
	v3 =	vld.idx.msk [tilespmem:v3+s4+$0x0], $0xffff;
	v2 =	vand.u32 $0x5, v2  }
0x1ab: {  	v2 =	vor.u32 v2, v4;
	_ =	sdelay $0x2  }
0x1ac: {  	s31 =	sadd.s32 $0x5785, s31  }
0x1ad: {  	v63 =	vadd.s32 s31, v1;
	[tilespmem:$0x64D0] =	vst v3;
	v3 =	vmov s31  }
0x1ae: {  	v4 =	vand.u32 $0x7FF8, v63;
	v2 =	vld.idx.msk [tilespmem:v2+s4+$0x0], $0xffff;
	v3 =	vand.u32 $0x5, v3  }
0x1af: {  	v3 =	vor.u32 v3, v4;
	_ =	sdelay $0x3  }
0x1b0: {  	[tilespmem:$0x64E0] =	vst v2  }
0x1b1: {  	v2 =	vld.idx.msk [tilespmem:v3+s4+$0x0], $0xffff;
	_ =	sdelay $0x4  }
0x1b2: {  	[tilespmem:$0x64F0] =	vst v2  }
0x1b3: {  	[tilespmem:s13], [sflag:$0x1] =	stream.indirect.gather [hbm4b:s5+s11], $0x40, s12, s11, $0xb8;
	[tilespmem:$0x19800] =	vst v63  }
0x1b4: {  	_ = 	snop  }
0x1b5: {  	[tilespmem:s15], [sflag:$0x1] =	stream.indirect.gather [hbm4b:s5+s11], $0x40, s14, s11, $0xb8;
	[tilespmem:$0x19800] =	vst v63  }
.LBB2_8:
0x1b6: {  	s26 =	simm.s32 $0x0  }
0x1b7: {  	v2 =	vadd.s32 s26, v0  }
0x1b8: {  	v3 =	vand.u32 $0x3F, v2  }
0x1b9: {  	v4 =	vor.u32 v19, v3  }
0x1ba: {  	s0 =	simm.s32 @!p0 $0x4;
	s1 =	sshll.u32 s2, $0x7;
	v5 =	vor.u32 v14, v3  }
0x1bb: {  	_ =	swait.ge @!p0 [sflag:s0], $0x4000;
	v48 =	vmov s1;
	v6 =	vor.u32 v18, v3  }
0x1bc: {  	[sflag:s0] =	ssyncset.done @!p0 $0x0;
	v7 =	vor.u32 v48, v3  }
0x1bd: {  	[sflag:s0] =	ssyncadd.s32 @!p0 $0xFFFFC000;
	v8 =	vor.u32 v20, v3  }
0x1be: {  	v9 =	vor.u32 v21, v3;
	v4 =	vld.idx.msk [tilespmem:v4+s18+$0x0], $0xffff  }
0x1bf: {  	v10 =	vor.u32 v22, v3;
	v5 =	vld.idx.msk [tilespmem:v5+s18+$0x0], $0xffff  }
0x1c0: {  	v11 =	vor.u32 v23, v3;
	v6 =	vld.idx.msk [tilespmem:v6+s18+$0x0], $0xffff  }
0x1c1: {  	v2 =	vshll.u32 v2, $0x7;
	v3 =	vor.u32 v24, v3;
	v7 =	vld.idx.msk [tilespmem:v7+s9+$0x0], $0xffff  }
0x1c2: {  	v2 =	vand.u32 $0x1F80, v2;
	v8 =	vld.idx.msk [tilespmem:v8+s18+$0x0], $0xffff  }
0x1c3: {  	v49 =	vor.u32 v0, v2;
	v9 =	vld.idx.msk [tilespmem:v9+s18+$0x0], $0xffff  }
0x1c4: {  	v50 =	vor.u32 v25, v2;
	v51 =	vor.u32 v26, v2;
	v10 =	vld.idx.msk [tilespmem:v10+s18+$0x0], $0xffff;
	v5 =	vmul.f32 $8.000000000e+00, v5  }
0x1c5: {  	v52 =	vor.u32 v31, v2;
	v11 =	vld.idx.msk [tilespmem:v11+s18+$0x0], $0xffff;
	v4 =	vmul.f32 $8.000000000e+00, v4;
	v6 =	vmul.f32 $8.000000000e+00, v6  }
0x1c6: {  	v53 =	vor.u32 v27, v2;
	v54 =	vor.u32 v28, v2;
	v3 =	vld.idx.msk [tilespmem:v3+s18+$0x0], $0xffff;
	v5 =	vadd.f32 v5, v7  }
0x1c7: {  	v8 =	vmul.f32 $8.000000000e+00, v8;
	v4 =	vadd.f32 v4, v7;
	v6 =	vadd.f32 v6, v7  }
0x1c8: {  	s31 =	simm.s32 $0x1;
	[tilespmem:v49+s25+$0x0] =	vst.idx.msk $0xffff, v5;
	v5 =	vmul.f32 $8.000000000e+00, v9;
	v9 =	vor.u32 v29, v2;
	v2 =	vor.u32 v30, v2  }
0x1c9: {  	[tilespmem:v50+s25+$0x0] =	vst.idx.msk $0xffff, v6;
	v6 =	vadd.f32 v8, v7;
	v8 =	vmul.f32 $8.000000000e+00, v10;
	v10 =	vadd.s32 s31, v0  }
0x1ca: {  	[tilespmem:v51+s25+$0x0] =	vst.idx.msk $0xffff, v4;
	v4 =	vadd.f32 v5, v7;
	v5 =	vmul.f32 $8.000000000e+00, v11;
	v11 =	vand.u32 $0x3F, v10  }
0x1cb: {  	v3 =	vmul.f32 $8.000000000e+00, v3;
	[tilespmem:v53+s25+$0x0] =	vst.idx.msk $0xffff, v6;
	v6 =	vadd.f32 v8, v7;
	v8 =	vor.u32 v14, v11  }
0x1cc: {  	[tilespmem:v54+s25+$0x0] =	vst.idx.msk $0xffff, v4;
	v4 =	vadd.f32 v5, v7;
	v5 =	vor.u32 v18, v11  }
0x1cd: {  	v3 =	vadd.f32 v3, v7;
	v7 =	vor.u32 v21, v11;
	[tilespmem:v9+s25+$0x0] =	vst.idx.msk $0xffff, v6  }
0x1ce: {  	v6 =	vor.u32 v48, v11;
	[tilespmem:v2+s25+$0x0] =	vst.idx.msk $0xffff, v4  }
0x1cf: {  	v2 =	vor.u32 v19, v11;
	[tilespmem:v52+s25+$0x0] =	vst.idx.msk $0xffff, v3  }
0x1d0: {  	v3 =	vor.u32 v20, v11;
	v4 =	vld.idx.msk [tilespmem:v8+s18+$0x0], $0xffff  }
0x1d1: {  	v9 =	vor.u32 v22, v11;
	v8 =	vshll.u32 v10, $0x7;
	v5 =	vld.idx.msk [tilespmem:v5+s18+$0x0], $0xffff  }
0x1d2: {  	v50 =	vand.u32 $0x1F80, v8;
	v8 =	vor.u32 v23, v11;
	v63 =	vld.idx.msk [tilespmem:v7+s18+$0x0], $0xffff  }
0x1d3: {  	v10 =	vor.u32 v24, v11;
	v49 =	vld.idx.msk [tilespmem:v6+s9+$0x0], $0xffff;
	v52 =	vor.u32 v27, v50  }
0x1d4: {  	s0 =	simm.s32 $0x2;
	v58 =	vor.u32 v26, v50;
	v54 =	vor.u32 v28, v50;
	v53 =	vor.u32 v29, v50;
	v62 =	vld.idx.msk [tilespmem:v2+s18+$0x0], $0xffff  }
0x1d5: {  	v6 =	vor.u32 v0, v50;
	v2 =	vor.u32 v25, v50;
	v61 =	vld.idx.msk [tilespmem:v3+s18+$0x0], $0xffff;
	v3 =	vadd.s32 s0, v0  }
0x1d6: {  	v51 =	vand.u32 $0x3F, v3;
	v60 =	vshll.u32 v3, $0x7;
	v3 =	vld.idx.msk [tilespmem:v9+s18+$0x0], $0xffff;
	v9 =	vmul.f32 $8.000000000e+00, v4  }
0x1d7: {  	v56 =	vor.u32 v14, v51;
	v55 =	vor.u32 v18, v51;
	v4 =	vld.idx.msk [tilespmem:v8+s18+$0x0], $0xffff;
	v7 =	vmul.f32 $8.000000000e+00, v5  }
0x1d8: {  	s6 =	simm.s32 $0x4;
	v57 =	vor.u32 v48, v51;
	v59 =	vor.u32 v19, v51;
	v5 =	vld.idx.msk [tilespmem:v10+s18+$0x0], $0xffff;
	v8 =	vadd.f32 v9, v49  }
.LBB2_9:
0x1d9: {  	p0 =	slt.u32 s6, $0x3E;
	v9 =	vor.u32 v20, v51;
	v10 =	vor.u32 v21, v51;
	v11 =	vmul.f32 $8.000000000e+00, v62;
	s8 =	smov.u32 s6;
	s6 =	sadd.s32 $0x2, s6  }
0x1da: {  	v62 =	vor.u32 v22, v51;
	[tilespmem:v6+s25+$0x0] =	vst.idx.msk $0xffff, v8;
	v6 =	vadd.f32 v7, v49;
	v7 =	vmul.f32 $8.000000000e+00, v61  }
0x1db: {  	v8 =	vand.u32 $0x1F80, v60;
	v60 =	vmul.f32 $8.000000000e+00, v63;
	v11 =	vadd.f32 v11, v49  }
0x1dc: {  	v3 =	vmul.f32 $8.000000000e+00, v3;
	[tilespmem:v2+s25+$0x0] =	vst.idx.msk $0xffff, v6;
	v2 =	vadd.f32 v7, v49;
	v6 =	vor.u32 v30, v50  }
0x1dd: {  	v7 =	vadd.f32 v60, v49;
	v4 =	vmul.f32 $8.000000000e+00, v4;
	[tilespmem:v58+s25+$0x0] =	vst.idx.msk $0xffff, v11;
	v11 =	vor.u32 v31, v50  }
0x1de: {  	[tilespmem:v52+s25+$0x0] =	vst.idx.msk $0xffff, v2;
	v2 =	vadd.f32 v3, v49;
	v3 =	vmul.f32 $8.000000000e+00, v5  }
0x1df: {  	v4 =	vadd.f32 v4, v49;
	[tilespmem:v54+s25+$0x0] =	vst.idx.msk $0xffff, v7  }
0x1e0: {  	[tilespmem:v53+s25+$0x0] =	vst.idx.msk $0xffff, v2;
	v2 =	vadd.f32 v3, v49  }
0x1e1: {  	[tilespmem:v6+s25+$0x0] =	vst.idx.msk $0xffff, v4  }
0x1e2: {  	[tilespmem:v11+s25+$0x0] =	vst.idx.msk $0xffff, v2  }
0x1e3: {  	v2 =	vld.idx.msk [tilespmem:v59+s18+$0x0], $0xffff  }
0x1e4: {  	v3 =	vld.idx.msk [tilespmem:v56+s18+$0x0], $0xffff  }
0x1e5: {  	v5 =	vor.u32 v23, v51;
	v4 =	vld.idx.msk [tilespmem:v55+s18+$0x0], $0xffff  }
0x1e6: {  	v7 =	vor.u32 v24, v51;
	v6 =	vld.idx.msk [tilespmem:v57+s9+$0x0], $0xffff  }
0x1e7: {  	v9 =	vld.idx.msk [tilespmem:v9+s18+$0x0], $0xffff  }
0x1e8: {  	v10 =	vld.idx.msk [tilespmem:v10+s18+$0x0], $0xffff  }
0x1e9: {  	v49 =	vor.u32 v0, v8;
	v2 =	vmul.f32 $8.000000000e+00, v2;
	v11 =	vld.idx.msk [tilespmem:v62+s18+$0x0], $0xffff  }
0x1ea: {  	v50 =	vor.u32 v25, v8;
	v3 =	vmul.f32 $8.000000000e+00, v3;
	v5 =	vld.idx.msk [tilespmem:v5+s18+$0x0], $0xffff  }
0x1eb: {  	v51 =	vor.u32 v26, v8;
	v53 =	vor.u32 v31, v8;
	v4 =	vmul.f32 $8.000000000e+00, v4;
	v7 =	vld.idx.msk [tilespmem:v7+s18+$0x0], $0xffff  }
0x1ec: {  	v52 =	vor.u32 v27, v8;
	v3 =	vadd.f32 v3, v6;
	v2 =	vadd.f32 v2, v6  }
0x1ed: {  	v54 =	vor.u32 v28, v8;
	v4 =	vadd.f32 v4, v6;
	v9 =	vmul.f32 $8.000000000e+00, v9  }
0x1ee: {  	s26 =	sadd.s32 $0x1, s0;
	s0 =	smov.u32 s8;
	[tilespmem:v49+s25+$0x0] =	vst.idx.msk $0xffff, v3;
	v3 =	vmul.f32 $8.000000000e+00, v10;
	v10 =	vor.u32 v29, v8;
	v8 =	vor.u32 v30, v8  }
0x1ef: {  	[tilespmem:v50+s25+$0x0] =	vst.idx.msk $0xffff, v4;
	v4 =	vadd.f32 v9, v6;
	v9 =	vmul.f32 $8.000000000e+00, v11;
	v11 =	vadd.s32 s26, v0  }
0x1f0: {  	[tilespmem:v51+s25+$0x0] =	vst.idx.msk $0xffff, v2;
	v2 =	vadd.f32 v3, v6;
	v3 =	vmul.f32 $8.000000000e+00, v5;
	v5 =	vand.u32 $0x3F, v11  }
0x1f1: {  	v7 =	vmul.f32 $8.000000000e+00, v7;
	[tilespmem:v52+s25+$0x0] =	vst.idx.msk $0xffff, v4;
	v4 =	vadd.f32 v9, v6;
	v9 =	vor.u32 v14, v5  }
0x1f2: {  	v11 =	vshll.u32 v11, $0x7;
	[tilespmem:v54+s25+$0x0] =	vst.idx.msk $0xffff, v2;
	v2 =	vadd.f32 v3, v6;
	v3 =	vor.u32 v18, v5  }
0x1f3: {  	v50 =	vand.u32 $0x1F80, v11;
	[tilespmem:v10+s25+$0x0] =	vst.idx.msk $0xffff, v4;
	v4 =	vadd.f32 v7, v6;
	v6 =	vor.u32 v48, v5  }
0x1f4: {  	v52 =	vor.u32 v27, v50;
	[tilespmem:v8+s25+$0x0] =	vst.idx.msk $0xffff, v2;
	v2 =	vor.u32 v19, v5  }
0x1f5: {  	[tilespmem:v53+s25+$0x0] =	vst.idx.msk $0xffff, v4;
	v4 =	vor.u32 v20, v5  }
0x1f6: {  	v8 =	vor.u32 v21, v5;
	v7 =	vld.idx.msk [tilespmem:v9+s18+$0x0], $0xffff  }
0x1f7: {  	v9 =	vld.idx.msk [tilespmem:v3+s18+$0x0], $0xffff;
	v3 =	vor.u32 v22, v5  }
0x1f8: {  	v10 =	vor.u32 v23, v5;
	v49 =	vld.idx.msk [tilespmem:v6+s9+$0x0], $0xffff  }
0x1f9: {  	v5 =	vor.u32 v24, v5;
	v62 =	vld.idx.msk [tilespmem:v2+s18+$0x0], $0xffff  }
.Ltmp3:
0x1fa: {  	v58 =	vor.u32 v26, v50;
	v54 =	vor.u32 v28, v50;
	v53 =	vor.u32 v29, v50;
	v61 =	vld.idx.msk [tilespmem:v4+s18+$0x0], $0xffff;
	(pc) =	sbr.rel @p0 .LBB2_9-.Ltmp3, $4  }
0x1fb: {  	v6 =	vor.u32 v0, v50;
	v2 =	vor.u32 v25, v50;
	v4 =	vadd.s32 s0, v0;
	v63 =	vld.idx.msk [tilespmem:v8+s18+$0x0], $0xffff  }
0x1fc: {  	v51 =	vand.u32 $0x3F, v4;
	v60 =	vshll.u32 v4, $0x7;
	v8 =	vmul.f32 $8.000000000e+00, v7;
	v3 =	vld.idx.msk [tilespmem:v3+s18+$0x0], $0xffff  }
0x1fd: {  	v56 =	vor.u32 v14, v51;
	v55 =	vor.u32 v18, v51;
	v7 =	vmul.f32 $8.000000000e+00, v9;
	v4 =	vld.idx.msk [tilespmem:v10+s18+$0x0], $0xffff  }
0x1fe: {  	v57 =	vor.u32 v48, v51;
	v59 =	vor.u32 v19, v51;
	v8 =	vadd.f32 v8, v49;
	v5 =	vld.idx.msk [tilespmem:v5+s18+$0x0], $0xffff  }
0x1ff: {  	_ =	sdelay $0x1  }
0x200: {  	v9 =	vmul.f32 $8.000000000e+00, v62  }
0x201: {  	v7 =	vadd.f32 v7, v49;
	v10 =	vmul.f32 $8.000000000e+00, v61  }
0x202: {  	[tilespmem:v6+s25+$0x0] =	vst.idx.msk $0xffff, v8;
	v8 =	vmul.f32 $8.000000000e+00, v63;
	v6 =	vadd.f32 v9, v49  }
0x203: {  	[tilespmem:v2+s25+$0x0] =	vst.idx.msk $0xffff, v7;
	v2 =	vadd.f32 v10, v49;
	v3 =	vmul.f32 $8.000000000e+00, v3;
	v7 =	vor.u32 v30, v50  }
0x204: {  	v4 =	vmul.f32 $8.000000000e+00, v4;
	[tilespmem:v58+s25+$0x0] =	vst.idx.msk $0xffff, v6;
	v6 =	vadd.f32 v8, v49;
	v8 =	vor.u32 v31, v50  }
0x205: {  	[tilespmem:v52+s25+$0x0] =	vst.idx.msk $0xffff, v2;
	v2 =	vadd.f32 v3, v49;
	v3 =	vmul.f32 $8.000000000e+00, v5  }
0x206: {  	v4 =	vadd.f32 v4, v49;
	[tilespmem:v54+s25+$0x0] =	vst.idx.msk $0xffff, v6  }
0x207: {  	[tilespmem:v53+s25+$0x0] =	vst.idx.msk $0xffff, v2;
	v2 =	vadd.f32 v3, v49  }
0x208: {  	[tilespmem:v7+s25+$0x0] =	vst.idx.msk $0xffff, v4  }
0x209: {  	v5 =	vor.u32 v22, v51;
	[tilespmem:v8+s25+$0x0] =	vst.idx.msk $0xffff, v2  }
0x20a: {  	v3 =	vor.u32 v20, v51;
	v4 =	vld.idx.msk [tilespmem:v59+s18+$0x0], $0xffff  }
0x20b: {  	v2 =	vor.u32 v21, v51;
	v6 =	vld.idx.msk [tilespmem:v56+s18+$0x0], $0xffff  }
0x20c: {  	v7 =	vld.idx.msk [tilespmem:v55+s18+$0x0], $0xffff  }
0x20d: {  	v8 =	vor.u32 v23, v51;
	v9 =	vld.idx.msk [tilespmem:v57+s9+$0x0], $0xffff  }
0x20e: {  	v10 =	vor.u32 v24, v51;
	v5 =	vld.idx.msk [tilespmem:v5+s18+$0x0], $0xffff  }
0x20f: {  	v11 =	vand.u32 $0x1F80, v60;
	v3 =	vld.idx.msk [tilespmem:v3+s18+$0x0], $0xffff  }
0x210: {  	v61 =	vor.u32 v0, v11;
	v2 =	vld.idx.msk [tilespmem:v2+s18+$0x0], $0xffff  }
0x211: {  	v62 =	vor.u32 v25, v11;
	v63 =	vor.u32 v26, v11;
	v6 =	vmul.f32 $8.000000000e+00, v6  }
0x212: {  	v58 =	vor.u32 v27, v11;
	v57 =	vor.u32 v31, v11;
	v8 =	vld.idx.msk [tilespmem:v8+s18+$0x0], $0xffff;
	v7 =	vmul.f32 $8.000000000e+00, v7  }
0x213: {  	v10 =	vld.idx.msk [tilespmem:v10+s18+$0x0], $0xffff;
	v59 =	vor.u32 v28, v11;
	v4 =	vmul.f32 $8.000000000e+00, v4;
	v6 =	vadd.f32 v6, v9  }
0x214: {  	v5 =	vmul.f32 $8.000000000e+00, v5;
	v7 =	vadd.f32 v7, v9;
	v3 =	vmul.f32 $8.000000000e+00, v3  }
0x215: {  	s0 =	sadd.s32 $0x1, s0;
	v4 =	vadd.f32 v4, v9;
	[tilespmem:v61+s25+$0x0] =	vst.idx.msk $0xffff, v6;
	v2 =	vmul.f32 $8.000000000e+00, v2;
	v6 =	vor.u32 v29, v11  }
0x216: {  	v11 =	vor.u32 v30, v11;
	v3 =	vadd.f32 v3, v9;
	[tilespmem:v62+s25+$0x0] =	vst.idx.msk $0xffff, v7;
	v7 =	vadd.s32 s0, v0  }
0x217: {  	[tilespmem:v63+s25+$0x0] =	vst.idx.msk $0xffff, v4;
	v2 =	vadd.f32 v2, v9;
	v4 =	vmul.f32 $8.000000000e+00, v8;
	v8 =	vand.u32 $0x3F, v7  }
0x218: {  	[tilespmem:v58+s25+$0x0] =	vst.idx.msk $0xffff, v3;
	v3 =	vadd.f32 v5, v9;
	v5 =	vmul.f32 $8.000000000e+00, v10;
	v10 =	vor.u32 v14, v8  }
0x219: {  	[tilespmem:v59+s25+$0x0] =	vst.idx.msk $0xffff, v2;
	v2 =	vadd.f32 v4, v9;
	v4 =	vor.u32 v18, v8  }
0x21a: {  	[tilespmem:v6+s25+$0x0] =	vst.idx.msk $0xffff, v3;
	v3 =	vadd.f32 v5, v9;
	v5 =	vor.u32 v48, v8  }
0x21b: {  	[tilespmem:v11+s25+$0x0] =	vst.idx.msk $0xffff, v2;
	v2 =	vor.u32 v19, v8  }
0x21c: {  	[tilespmem:v57+s25+$0x0] =	vst.idx.msk $0xffff, v3;
	v3 =	vor.u32 v20, v8  }
0x21d: {  	v9 =	vor.u32 v21, v8;
	v6 =	vld.idx.msk [tilespmem:v10+s18+$0x0], $0xffff  }
0x21e: {  	v10 =	vor.u32 v22, v8;
	v4 =	vld.idx.msk [tilespmem:v4+s18+$0x0], $0xffff  }
0x21f: {  	v11 =	vor.u32 v23, v8;
	v5 =	vld.idx.msk [tilespmem:v5+s9+$0x0], $0xffff  }
0x220: {  	v7 =	vshll.u32 v7, $0x7;
	v8 =	vor.u32 v24, v8;
	v2 =	vld.idx.msk [tilespmem:v2+s18+$0x0], $0xffff  }
0x221: {  	v7 =	vand.u32 $0x1F80, v7;
	v3 =	vld.idx.msk [tilespmem:v3+s18+$0x0], $0xffff  }
0x222: {  	v60 =	vor.u32 v0, v7;
	v9 =	vld.idx.msk [tilespmem:v9+s18+$0x0], $0xffff  }
0x223: {  	v61 =	vor.u32 v25, v7;
	v10 =	vld.idx.msk [tilespmem:v10+s18+$0x0], $0xffff;
	v6 =	vmul.f32 $8.000000000e+00, v6  }
0x224: {  	v62 =	vor.u32 v26, v7;
	v11 =	vld.idx.msk [tilespmem:v11+s18+$0x0], $0xffff;
	v4 =	vmul.f32 $8.000000000e+00, v4  }
0x225: {  	v63 =	vor.u32 v27, v7;
	v8 =	vld.idx.msk [tilespmem:v8+s18+$0x0], $0xffff;
	v6 =	vadd.f32 v6, v5;
	v2 =	vmul.f32 $8.000000000e+00, v2  }
0x226: {  	v56 =	vor.u32 v28, v7;
	v4 =	vadd.f32 v4, v5;
	v3 =	vmul.f32 $8.000000000e+00, v3  }
0x227: {  	v57 =	vor.u32 v29, v7;
	[tilespmem:v60+s25+$0x0] =	vst.idx.msk $0xffff, v6;
	v6 =	vmul.f32 $8.000000000e+00, v9;
	v2 =	vadd.f32 v2, v5  }
0x228: {  	v9 =	vor.u32 v30, v7;
	[tilespmem:v61+s25+$0x0] =	vst.idx.msk $0xffff, v4;
	v4 =	vmul.f32 $8.000000000e+00, v10;
	v3 =	vadd.f32 v3, v5  }
0x229: {  	v7 =	vor.u32 v31, v7;
	[tilespmem:v62+s25+$0x0] =	vst.idx.msk $0xffff, v2;
	v2 =	vadd.f32 v6, v5;
	v6 =	vmul.f32 $8.000000000e+00, v11  }
0x22a: {  	[tilespmem:v63+s25+$0x0] =	vst.idx.msk $0xffff, v3;
	v3 =	vadd.f32 v4, v5;
	v4 =	vmul.f32 $8.000000000e+00, v8  }
0x22b: {  	[tilespmem:v56+s25+$0x0] =	vst.idx.msk $0xffff, v2;
	v2 =	vadd.f32 v6, v5  }
0x22c: {  	s26 =	simm.s32 $0x0;
	[tilespmem:v57+s25+$0x0] =	vst.idx.msk $0xffff, v3;
	v3 =	vadd.f32 v4, v5  }
0x22d: {  	[tilespmem:v9+s25+$0x0] =	vst.idx.msk $0xffff, v2;
	v2 =	vadd.s32 s26, v0  }
0x22e: {  	[tilespmem:v7+s25+$0x0] =	vst.idx.msk $0xffff, v3;
	v3 =	vand.u32 $0x3F, v2  }
0x22f: {  	v4 =	vor.u32 v32, v3  }
0x230: {  	s8 =	sor.u32 $0x40, s1;
	v5 =	vor.u32 v33, v3  }
0x231: {  	v48 =	vmov s8;
	v6 =	vor.u32 v34, v3  }
0x232: {  	v7 =	vor.u32 v48, v2  }
0x233: {  	v8 =	vor.u32 v35, v3  }
0x234: {  	v9 =	vor.u32 v36, v3;
	v4 =	vld.idx.msk [tilespmem:v4+s18+$0x0], $0xffff  }
0x235: {  	v10 =	vor.u32 v37, v3;
	v5 =	vld.idx.msk [tilespmem:v5+s18+$0x0], $0xffff  }
0x236: {  	v11 =	vor.u32 v38, v3;
	v6 =	vld.idx.msk [tilespmem:v6+s18+$0x0], $0xffff  }
0x237: {  	v3 =	vor.u32 v39, v3;
	v7 =	vld.idx.msk [tilespmem:v7+s9+$0x0], $0xffff  }
0x238: {  	v2 =	vshll.u32 v2, $0x7;
	v8 =	vld.idx.msk [tilespmem:v8+s18+$0x0], $0xffff  }
0x239: {  	v58 =	vor.u32 v40, v2;
	v9 =	vld.idx.msk [tilespmem:v9+s18+$0x0], $0xffff  }
0x23a: {  	v59 =	vor.u32 v41, v2;
	v60 =	vor.u32 v42, v2;
	v10 =	vld.idx.msk [tilespmem:v10+s18+$0x0], $0xffff;
	v4 =	vmul.f32 $8.000000000e+00, v4  }
0x23b: {  	v61 =	vor.u32 v47, v2;
	v11 =	vld.idx.msk [tilespmem:v11+s18+$0x0], $0xffff;
	v5 =	vmul.f32 $8.000000000e+00, v5;
	v6 =	vmul.f32 $8.000000000e+00, v6  }
0x23c: {  	v62 =	vor.u32 v43, v2;
	v63 =	vor.u32 v44, v2;
	v3 =	vld.idx.msk [tilespmem:v3+s18+$0x0], $0xffff;
	v4 =	vadd.f32 v4, v7  }
0x23d: {  	v8 =	vmul.f32 $8.000000000e+00, v8;
	v5 =	vadd.f32 v5, v7;
	v6 =	vadd.f32 v6, v7  }
0x23e: {  	s31 =	simm.s32 $0x1;
	[tilespmem:v58+s25+$0x0] =	vst.idx.msk $0xffff, v4;
	v4 =	vmul.f32 $8.000000000e+00, v9;
	v9 =	vor.u32 v45, v2;
	v2 =	vor.u32 v46, v2  }
0x23f: {  	[tilespmem:v59+s25+$0x0] =	vst.idx.msk $0xffff, v5;
	v5 =	vadd.f32 v8, v7;
	v8 =	vmul.f32 $8.000000000e+00, v10;
	v10 =	vadd.s32 s31, v0  }
0x240: {  	[tilespmem:v60+s25+$0x0] =	vst.idx.msk $0xffff, v6;
	v4 =	vadd.f32 v4, v7;
	v6 =	vmul.f32 $8.000000000e+00, v11;
	v11 =	vand.u32 $0x3F, v10  }
0x241: {  	v3 =	vmul.f32 $8.000000000e+00, v3;
	[tilespmem:v62+s25+$0x0] =	vst.idx.msk $0xffff, v5;
	v5 =	vadd.f32 v8, v7;
	v8 =	vor.u32 v32, v11  }
0x242: {  	[tilespmem:v63+s25+$0x0] =	vst.idx.msk $0xffff, v4;
	v4 =	vadd.f32 v6, v7;
	v6 =	vor.u32 v48, v10  }
0x243: {  	v3 =	vadd.f32 v3, v7;
	[tilespmem:v9+s25+$0x0] =	vst.idx.msk $0xffff, v5;
	v5 =	vor.u32 v33, v11  }
0x244: {  	[tilespmem:v2+s25+$0x0] =	vst.idx.msk $0xffff, v4;
	v2 =	vor.u32 v34, v11  }
0x245: {  	v7 =	vor.u32 v36, v11;
	[tilespmem:v61+s25+$0x0] =	vst.idx.msk $0xffff, v3  }
0x246: {  	v3 =	vor.u32 v35, v11;
	v4 =	vld.idx.msk [tilespmem:v8+s18+$0x0], $0xffff  }
0x247: {  	v8 =	vor.u32 v37, v11;
	v50 =	vld.idx.msk [tilespmem:v6+s9+$0x0], $0xffff  }
0x248: {  	v6 =	vshll.u32 v10, $0x7;
	v10 =	vor.u32 v38, v11;
	v9 =	vld.idx.msk [tilespmem:v5+s18+$0x0], $0xffff  }
0x249: {  	s0 =	simm.s32 $0x2;
	v11 =	vor.u32 v39, v11;
	v60 =	vld.idx.msk [tilespmem:v2+s18+$0x0], $0xffff  }
0x24a: {  	v54 =	vadd.s32 s0, v0;
	v52 =	vand.u32 $0x1F80, v6;
	v2 =	vld.idx.msk [tilespmem:v7+s18+$0x0], $0xffff  }
0x24b: {  	v51 =	vand.u32 $0x3F, v54;
	v49 =	vshll.u32 v54, $0x7;
	v6 =	vor.u32 v40, v52;
	v5 =	vld.idx.msk [tilespmem:v3+s18+$0x0], $0xffff  }
0x24c: {  	v55 =	vor.u32 v33, v51;
	v56 =	vor.u32 v32, v51;
	v3 =	vld.idx.msk [tilespmem:v8+s18+$0x0], $0xffff;
	v7 =	vmul.f32 $8.000000000e+00, v4  }
0x24d: {  	v57 =	vor.u32 v34, v51;
	v53 =	vor.u32 v43, v52;
	v61 =	vor.u32 v41, v52;
	v4 =	vld.idx.msk [tilespmem:v10+s18+$0x0], $0xffff  }
0x24e: {  	s1 =	simm.s32 $0x4;
	v58 =	vor.u32 v42, v52;
	v59 =	vld.idx.msk [tilespmem:v11+s18+$0x0], $0xffff;
	v7 =	vadd.f32 v7, v50;
	v8 =	vmul.f32 $8.000000000e+00, v9  }
.LBB2_11:
0x24f: {  	p0 =	slt.u32 s1, $0x3E;
	v9 =	vmul.f32 $8.000000000e+00, v60;
	s6 =	smov.u32 s1;
	s1 =	sadd.s32 $0x2, s1  }
0x250: {  	v5 =	vmul.f32 $8.000000000e+00, v5;
	[tilespmem:v6+s25+$0x0] =	vst.idx.msk $0xffff, v7;
	v6 =	vadd.f32 v8, v50;
	v7 =	vor.u32 v44, v52  }
0x251: {  	v2 =	vmul.f32 $8.000000000e+00, v2;
	v8 =	vadd.f32 v9, v50;
	v9 =	vor.u32 v45, v52  }
0x252: {  	v5 =	vadd.f32 v5, v50;
	v3 =	vmul.f32 $8.000000000e+00, v3;
	[tilespmem:v61+s25+$0x0] =	vst.idx.msk $0xffff, v6;
	v6 =	vor.u32 v46, v52  }
0x253: {  	v2 =	vadd.f32 v2, v50;
	v4 =	vmul.f32 $8.000000000e+00, v4;
	[tilespmem:v58+s25+$0x0] =	vst.idx.msk $0xffff, v8;
	v8 =	vor.u32 v47, v52  }
0x254: {  	v3 =	vadd.f32 v3, v50;
	[tilespmem:v53+s25+$0x0] =	vst.idx.msk $0xffff, v5;
	v5 =	vmul.f32 $8.000000000e+00, v59  }
0x255: {  	[tilespmem:v7+s25+$0x0] =	vst.idx.msk $0xffff, v2;
	v2 =	vadd.f32 v4, v50  }
0x256: {  	[tilespmem:v9+s25+$0x0] =	vst.idx.msk $0xffff, v3;
	v3 =	vadd.f32 v5, v50  }
0x257: {  	v4 =	vor.u32 v48, v54;
	[tilespmem:v6+s25+$0x0] =	vst.idx.msk $0xffff, v2  }
0x258: {  	v2 =	vor.u32 v35, v51;
	[tilespmem:v8+s25+$0x0] =	vst.idx.msk $0xffff, v3  }
0x259: {  	v5 =	vor.u32 v36, v51;
	v3 =	vld.idx.msk [tilespmem:v56+s18+$0x0], $0xffff  }
0x25a: {  	v7 =	vor.u32 v37, v51;
	v6 =	vld.idx.msk [tilespmem:v55+s18+$0x0], $0xffff  }
0x25b: {  	v9 =	vor.u32 v38, v51;
	v8 =	vld.idx.msk [tilespmem:v57+s18+$0x0], $0xffff  }
0x25c: {  	v10 =	vor.u32 v39, v51;
	v4 =	vld.idx.msk [tilespmem:v4+s9+$0x0], $0xffff  }
0x25d: {  	v2 =	vld.idx.msk [tilespmem:v2+s18+$0x0], $0xffff  }
0x25e: {  	v5 =	vld.idx.msk [tilespmem:v5+s18+$0x0], $0xffff  }
0x25f: {  	v11 =	vor.u32 v40, v49;
	v7 =	vld.idx.msk [tilespmem:v7+s18+$0x0], $0xffff  }
0x260: {  	v50 =	vor.u32 v41, v49;
	v3 =	vmul.f32 $8.000000000e+00, v3;
	v6 =	vmul.f32 $8.000000000e+00, v6;
	v9 =	vld.idx.msk [tilespmem:v9+s18+$0x0], $0xffff  }
0x261: {  	v54 =	vor.u32 v47, v49;
	v51 =	vor.u32 v42, v49;
	v8 =	vmul.f32 $8.000000000e+00, v8;
	v10 =	vld.idx.msk [tilespmem:v10+s18+$0x0], $0xffff  }
0x262: {  	v52 =	vor.u32 v43, v49;
	v3 =	vadd.f32 v3, v4;
	v6 =	vadd.f32 v6, v4  }
0x263: {  	v53 =	vor.u32 v44, v49;
	v8 =	vadd.f32 v8, v4;
	v2 =	vmul.f32 $8.000000000e+00, v2  }
0x264: {  	s8 =	sadd.s32 $0x1, s0;
	s0 =	smov.u32 s6;
	[tilespmem:v11+s25+$0x0] =	vst.idx.msk $0xffff, v3;
	v3 =	vmul.f32 $8.000000000e+00, v5;
	v5 =	vor.u32 v45, v49;
	v11 =	vor.u32 v46, v49  }
0x265: {  	v2 =	vadd.f32 v2, v4;
	[tilespmem:v50+s25+$0x0] =	vst.idx.msk $0xffff, v6;
	v6 =	vmul.f32 $8.000000000e+00, v7;
	v7 =	vadd.s32 s8, v0  }
0x266: {  	[tilespmem:v51+s25+$0x0] =	vst.idx.msk $0xffff, v8;
	v3 =	vadd.f32 v3, v4;
	v8 =	vmul.f32 $8.000000000e+00, v9;
	v9 =	vand.u32 $0x3F, v7  }
0x267: {  	[tilespmem:v52+s25+$0x0] =	vst.idx.msk $0xffff, v2;
	v2 =	vadd.f32 v6, v4;
	v6 =	vmul.f32 $8.000000000e+00, v10;
	v10 =	vor.u32 v32, v9  }
0x268: {  	[tilespmem:v53+s25+$0x0] =	vst.idx.msk $0xffff, v3;
	v3 =	vadd.f32 v8, v4;
	v8 =	vor.u32 v48, v7;
	v7 =	vshll.u32 v7, $0x7  }
0x269: {  	[tilespmem:v5+s25+$0x0] =	vst.idx.msk $0xffff, v2;
	v2 =	vadd.f32 v6, v4;
	v4 =	vor.u32 v33, v9;
	v52 =	vand.u32 $0x1F80, v7  }
0x26a: {  	[tilespmem:v11+s25+$0x0] =	vst.idx.msk $0xffff, v3;
	v3 =	vor.u32 v34, v9;
	v53 =	vor.u32 v43, v52  }
0x26b: {  	[tilespmem:v54+s25+$0x0] =	vst.idx.msk $0xffff, v2;
	v2 =	vor.u32 v35, v9  }
0x26c: {  	v6 =	vor.u32 v36, v9;
	v7 =	vld.idx.msk [tilespmem:v10+s18+$0x0], $0xffff  }
0x26d: {  	v50 =	vld.idx.msk [tilespmem:v8+s9+$0x0], $0xffff;
	v8 =	vor.u32 v37, v9  }
0x26e: {  	v10 =	vld.idx.msk [tilespmem:v4+s18+$0x0], $0xffff;
	v4 =	vor.u32 v38, v9  }
0x26f: {  	v9 =	vor.u32 v39, v9;
	v60 =	vld.idx.msk [tilespmem:v3+s18+$0x0], $0xffff  }
.Ltmp4:
0x270: {  	v5 =	vld.idx.msk [tilespmem:v2+s18+$0x0], $0xffff;
	(pc) =	sbr.rel @p0 .LBB2_11-.Ltmp4, $4  }
0x271: {  	v58 =	vor.u32 v42, v52;
	v54 =	vadd.s32 s0, v0;
	v2 =	vld.idx.msk [tilespmem:v6+s18+$0x0], $0xffff;
	v6 =	vor.u32 v40, v52  }
0x272: {  	v51 =	vand.u32 $0x3F, v54;
	v49 =	vshll.u32 v54, $0x7;
	v7 =	vmul.f32 $8.000000000e+00, v7;
	v3 =	vld.idx.msk [tilespmem:v8+s18+$0x0], $0xffff  }
0x273: {  	v61 =	vor.u32 v41, v52;
	v56 =	vor.u32 v32, v51;
	v55 =	vor.u32 v33, v51;
	v4 =	vld.idx.msk [tilespmem:v4+s18+$0x0], $0xffff  }
0x274: {  	v57 =	vor.u32 v34, v51;
	v7 =	vadd.f32 v7, v50;
	v8 =	vmul.f32 $8.000000000e+00, v10;
	v59 =	vld.idx.msk [tilespmem:v9+s18+$0x0], $0xffff  }
0x275: {  	_ =	sdelay $0x1  }
0x276: {  	v9 =	vmul.f32 $8.000000000e+00, v60  }
0x277: {  	v5 =	vmul.f32 $8.000000000e+00, v5;
	v10 =	vor.u32 v44, v52;
	v8 =	vadd.f32 v8, v50  }
0x278: {  	v62 =	vor.u32 v45, v52;
	[tilespmem:v6+s25+$0x0] =	vst.idx.msk $0xffff, v7;
	v2 =	vmul.f32 $8.000000000e+00, v2;
	v60 =	vadd.f32 v9, v50  }
0x279: {  	v63 =	vor.u32 v46, v52;
	v5 =	vadd.f32 v5, v50;
	v3 =	vmul.f32 $8.000000000e+00, v3;
	[tilespmem:v61+s25+$0x0] =	vst.idx.msk $0xffff, v8  }
0x27a: {  	v52 =	vor.u32 v47, v52;
	v2 =	vadd.f32 v2, v50;
	v4 =	vmul.f32 $8.000000000e+00, v4;
	[tilespmem:v58+s25+$0x0] =	vst.idx.msk $0xffff, v60  }
0x27b: {  	v3 =	vadd.f32 v3, v50;
	[tilespmem:v53+s25+$0x0] =	vst.idx.msk $0xffff, v5;
	v53 =	vmul.f32 $8.000000000e+00, v59  }
0x27c: {  	[tilespmem:v10+s25+$0x0] =	vst.idx.msk $0xffff, v2;
	v2 =	vadd.f32 v4, v50  }
0x27d: {  	[tilespmem:v62+s25+$0x0] =	vst.idx.msk $0xffff, v3;
	v3 =	vadd.f32 v53, v50  }
0x27e: {  	v58 =	vor.u32 v48, v54;
	[tilespmem:v63+s25+$0x0] =	vst.idx.msk $0xffff, v2  }
0x27f: {  	v2 =	vor.u32 v35, v51;
	[tilespmem:v52+s25+$0x0] =	vst.idx.msk $0xffff, v3  }
0x280: {  	v59 =	vor.u32 v36, v51;
	v3 =	vld.idx.msk [tilespmem:v56+s18+$0x0], $0xffff  }
0x281: {  	v60 =	vor.u32 v37, v51;
	v6 =	vld.idx.msk [tilespmem:v55+s18+$0x0], $0xffff  }
0x282: {  	v61 =	vor.u32 v38, v51;
	v8 =	vld.idx.msk [tilespmem:v57+s18+$0x0], $0xffff  }
0x283: {  	v62 =	vor.u32 v39, v51;
	v4 =	vld.idx.msk [tilespmem:v58+s9+$0x0], $0xffff  }
0x284: {  	v2 =	vld.idx.msk [tilespmem:v2+s18+$0x0], $0xffff  }
0x285: {  	v11 =	vor.u32 v40, v49;
	v5 =	vld.idx.msk [tilespmem:v59+s18+$0x0], $0xffff  }
0x286: {  	v63 =	vor.u32 v41, v49;
	v7 =	vld.idx.msk [tilespmem:v60+s18+$0x0], $0xffff;
	v57 =	vor.u32 v42, v49;
	v3 =	vmul.f32 $8.000000000e+00, v3  }
0x287: {  	v9 =	vld.idx.msk [tilespmem:v61+s18+$0x0], $0xffff;
	v58 =	vor.u32 v47, v49;
	v59 =	vor.u32 v43, v49;
	v6 =	vmul.f32 $8.000000000e+00, v6  }
0x288: {  	v60 =	vor.u32 v44, v49;
	v10 =	vld.idx.msk [tilespmem:v62+s18+$0x0], $0xffff;
	v8 =	vmul.f32 $8.000000000e+00, v8;
	v3 =	vadd.f32 v3, v4  }
0x289: {  	v61 =	vor.u32 v45, v49;
	v6 =	vadd.f32 v6, v4;
	v2 =	vmul.f32 $8.000000000e+00, v2  }
0x28a: {  	s0 =	sadd.s32 $0x1, s0;
	v62 =	vor.u32 v46, v49;
	v8 =	vadd.f32 v8, v4;
	[tilespmem:v11+s25+$0x0] =	vst.idx.msk $0xffff, v3;
	v3 =	vmul.f32 $8.000000000e+00, v5  }
0x28b: {  	v49 =	vadd.s32 s0, v0;
	[tilespmem:v63+s25+$0x0] =	vst.idx.msk $0xffff, v6;
	v2 =	vadd.f32 v2, v4;
	v63 =	vmul.f32 $8.000000000e+00, v7  }
0x28c: {  	v51 =	vand.u32 $0x3F, v49;
	v50 =	vmul.f32 $8.000000000e+00, v9;
	[tilespmem:v57+s25+$0x0] =	vst.idx.msk $0xffff, v8;
	v3 =	vadd.f32 v3, v4  }
0x28d: {  	v55 =	vor.u32 v32, v51;
	v53 =	vmul.f32 $8.000000000e+00, v10;
	[tilespmem:v59+s25+$0x0] =	vst.idx.msk $0xffff, v2;
	v2 =	vadd.f32 v63, v4  }
0x28e: {  	v56 =	vor.u32 v48, v49;
	[tilespmem:v60+s25+$0x0] =	vst.idx.msk $0xffff, v3;
	v3 =	vadd.f32 v50, v4  }
0x28f: {  	v57 =	vor.u32 v33, v51;
	[tilespmem:v61+s25+$0x0] =	vst.idx.msk $0xffff, v2;
	v2 =	vadd.f32 v53, v4  }
0x290: {  	[tilespmem:v62+s25+$0x0] =	vst.idx.msk $0xffff, v3;
	v3 =	vor.u32 v34, v51  }
0x291: {  	[tilespmem:v58+s25+$0x0] =	vst.idx.msk $0xffff, v2;
	v2 =	vor.u32 v35, v51  }
0x292: {  	v58 =	vor.u32 v36, v51;
	v5 =	vld.idx.msk [tilespmem:v55+s18+$0x0], $0xffff  }
0x293: {  	v59 =	vor.u32 v37, v51;
	v8 =	vld.idx.msk [tilespmem:v56+s9+$0x0], $0xffff  }
0x294: {  	v60 =	vor.u32 v38, v51;
	v4 =	vld.idx.msk [tilespmem:v57+s18+$0x0], $0xffff  }
0x295: {  	v9 =	vor.u32 v39, v51;
	v7 =	vshll.u32 v49, $0x7;
	v3 =	vld.idx.msk [tilespmem:v3+s18+$0x0], $0xffff  }
0x296: {  	v7 =	vand.u32 $0x1F80, v7;
	v2 =	vld.idx.msk [tilespmem:v2+s18+$0x0], $0xffff  }
0x297: {  	v61 =	vor.u32 v40, v7;
	v6 =	vld.idx.msk [tilespmem:v58+s18+$0x0], $0xffff  }
0x298: {  	v62 =	vor.u32 v41, v7;
	v10 =	vld.idx.msk [tilespmem:v59+s18+$0x0], $0xffff;
	v5 =	vmul.f32 $8.000000000e+00, v5  }
0x299: {  	v63 =	vor.u32 v42, v7;
	v11 =	vld.idx.msk [tilespmem:v60+s18+$0x0], $0xffff;
	v4 =	vmul.f32 $8.000000000e+00, v4  }
0x29a: {  	v56 =	vor.u32 v43, v7;
	v9 =	vld.idx.msk [tilespmem:v9+s18+$0x0], $0xffff;
	v5 =	vadd.f32 v5, v8;
	v3 =	vmul.f32 $8.000000000e+00, v3  }
0x29b: {  	v57 =	vor.u32 v44, v7;
	v4 =	vadd.f32 v4, v8;
	v2 =	vmul.f32 $8.000000000e+00, v2  }
0x29c: {  	v59 =	vor.u32 v45, v7;
	[tilespmem:v61+s25+$0x0] =	vst.idx.msk $0xffff, v5;
	v58 =	vmul.f32 $8.000000000e+00, v6;
	v3 =	vadd.f32 v3, v8  }
0x29d: {  	v60 =	vmul.f32 $8.000000000e+00, v10;
	v61 =	vor.u32 v46, v7;
	[tilespmem:v62+s25+$0x0] =	vst.idx.msk $0xffff, v4;
	v2 =	vadd.f32 v2, v8  }
0x29e: {  	s30 =	sadd.s32 $0x1, s30;
	v7 =	vor.u32 v47, v7;
	v62 =	vmul.f32 $8.000000000e+00, v11;
	[tilespmem:v63+s25+$0x0] =	vst.idx.msk $0xffff, v3;
	v3 =	vadd.f32 v58, v8  }
0x29f: {  	p0 =	sne.s32 s30, $0x32;
	v63 =	vmul.f32 $8.000000000e+00, v9;
	[tilespmem:v56+s25+$0x0] =	vst.idx.msk $0xffff, v2;
	v2 =	vadd.f32 v60, v8  }
.Ltmp5:
0x2a0: {  	s31 =	sshll.u32 s2, $0x13;
	[tilespmem:v57+s25+$0x0] =	vst.idx.msk $0xffff, v3;
	v3 =	vadd.f32 v62, v8;
	(pc) =	sbr.rel @p0 .LBB2_2-.Ltmp5, $4  }
0x2a1: {  	s0 =	sor.u32 s7, s31;
	[tilespmem:v59+s25+$0x0] =	vst.idx.msk $0xffff, v2;
	v2 =	vadd.f32 v63, v8  }
0x2a2: {  	s0 =	sshrl.u32 s0, $0x3;
	[tilespmem:v61+s25+$0x0] =	vst.idx.msk $0xffff, v3  }
0x2a3: {  	s0 =	sadd.s32 s3, s0;
	[tilespmem:v7+s25+$0x0] =	vst.idx.msk $0xffff, v2  }
0x2a4: {  	[hbm4b:s0+s22] =	stream.strided.scatter [tilespmem:s25], [sflag:$0x4], $0x4000, s23, s22, $0x38;
	[tilespmem:$0x19800] =	vst v63  }
0x2a5: {  	s0 =	simm.s32 $0x3  }
0x2a6: {  	_ =	swait.ge [sflag:s0], $0x4000  }
0x2a7: {  	[sflag:s0] =	ssyncset.done $0x0  }
0x2a8: {  	[sflag:s0] =	ssyncadd.s32 $0xFFFFC000  }
0x2a9: {  	_ =	swait.ge [sflag:s28], $0x4000  }
0x2aa: {  	s29 =	sadd.s32 $0x1, s29;
	s31 =	rddreg [dreg:$0x4]  }
0x2ab: {  	p0 =	sne.s32 s29, s31  }
.Ltmp6:
0x2ac: {  	_ = 	snop;
	(pc) =	sbr.rel @p0 .LBB2_1-.Ltmp6, $3  }
0x2ad: {  	_ =	sdelay $0x1  }
0x2ae: {  	[sflag:s28] =	ssyncset.done $0x0  }
0x2af: {  	[sflag:s28] =	ssyncadd.s32 $0xFFFFC000  }
0x2b0: {  	_ =	sfence.sel $0x180000  }
0x2b1: {  	[bflag:$0x0] =	sbarrier.arrive $0xFFFF  }
0x2b2: {  	_ =	strace $0x90000047  }
0x2b3: {  	s0 =	stileid.u32;
	[bflag:$0x2] =	sbarrier.arrive $0xFFFF  }
0x2b4: {  	p0 =	sne.s32 s0, $0x0;
	s0 =	rddreg [dreg:$0x2]  }
0x2b5: {  	s0 =	sadd.s32 @!p0 $0x100000, s0  }
0x2b6: {  	[sflag:s0] =	ssyncadd.tile.s32 @!p0 $0x1;
	_ =	shalt  }
.Lfunc_end2:
_tile_overlayer_lowered:
.L_overlay_start_2:
0x2b7: {  	(tag) =	ssettag $0x2  }
0x2b8: {  	s0 =	rddreg [dreg:$0x0];
	s2 =	stileid.u32  }
0x2b9: {  	s1 =	rddreg [dreg:$0x1];
	p0 =	sne.s32 s2, $0x0  }
0x2ba: {  	s3 =	rddreg [dreg:$0x2];
	[bflag:$0x3] =	sbarrier.arrive $0xFFFF;
	s2 =	simm.s32 @!p0 $0x1C05  }
0x2bb: {  	[timem:s3], [sflag:s2] =	dma.local @!p0 [hbm:s0], s1  }
0x2bc: {  	s0 =	simm.s32 @!p0 $0x5  }
0x2bd: {  	_ =	swait.ge @!p0 [sflag:s0], s1  }
0x2be: {  	s1 =	ssub.s32 @!p0 $0x0, s1;
	[sflag:s0] =	ssyncset.done @!p0 $0x0  }
0x2bf: {  	[sflag:s0] =	ssyncadd.s32 @!p0 s1  }
0x2c0: {  	[bflag:$0x3] =	sbarrier.arrive $0xFFFF  }
0x2c1: {  	_ =	shalt  }

</sc_bundles>
